<compile_context>
chip_gen: v7x
topology: tpu7x:2x2x1
jax: 0.10.2.dev20260603
libtpu: 0.0.44.dev20260713+nightly
codegen_flags: <defaults>
</compile_context>

<pallas_src>
import functools

import jax
import jax.numpy as jnp
from jax import lax
from jax.experimental import pallas as pl
from jax.experimental.pallas import tpu as pltpu
from jax.experimental.pallas import tpu_sc as plsc

NC = 2
NS = 16
NW = NC * NS
L = 16

C = 128
NP = 10112
CLAMP = NP - 8
BIG = 1 << 30

_DCH = [(0, C), (C, C), (2 * C, C), (3 * C, C), (4 * C, 120)]


def _mesh():
    return plsc.VectorSubcoreMesh(core_axis_name="c", subcore_axis_name="s",
                                  num_cores=NC, num_subcores=NS)


def _phase_sums(N, D, E_pad):
    db = D // L
    nch = E_pad // (NW * C)
    epw = nch * C

    @functools.partial(
        pl.kernel,
        mesh=_mesh(),
        out_type=jax.ShapeDtypeStruct((NC * NP, D), jnp.float32),
        compiler_params=pltpu.CompilerParams(needs_layout_passes=False),
        scratch_types=[
            pltpu.VMEM((C,), jnp.int32),
            pltpu.VMEM((C,), jnp.int32),
            pltpu.VMEM((C, D), jnp.float32),
            pltpu.VMEM_SHARED((NP, D), jnp.float32),
            pltpu.SemaphoreType.DMA,
            pltpu.SemaphoreType.DMA,
            pltpu.SemaphoreType.DMA,
        ],
    )
    def k(feat_hbm, nbr_hbm, seg_hbm, psum_hbm,
          idx_v, seg_v, rows_v, acc_sh, sem, sem2, semg):
        cid = lax.axis_index("c")
        sid = lax.axis_index("s")
        w = sid * NC + cid

        zeros16 = jnp.zeros((L,), jnp.float32)

        @pl.loop(0, C)
        def _(r):
            for j in range(db):
                rows_v[r, pl.ds(j * L, L)] = zeros16

        bz = pl.multiple_of(sid * (NP // NS), 8)
        for off, n in _DCH:
            pltpu.sync_copy(rows_v.at[pl.ds(0, n)], acc_sh.at[pl.ds(bz + off, n)])
        plsc.subcore_barrier()

        clamp16 = jnp.full((L,), CLAMP, jnp.int32)

        @pl.loop(0, nch)
        def _(i):
            b = pl.multiple_of(w * epw + i * C, C)
            pltpu.async_copy(nbr_hbm.at[pl.ds(b, C)], idx_v, sem)
            pltpu.async_copy(seg_hbm.at[pl.ds(b, C)], seg_v, sem2)
            pltpu.make_async_copy(nbr_hbm.at[pl.ds(b, C)], idx_v, sem).wait()
            pltpu.async_copy(feat_hbm.at[idx_v], rows_v, semg)
            pltpu.make_async_copy(seg_hbm.at[pl.ds(b, C)], seg_v, sem2).wait()
            for j in range(C // L):
                s = pl.ds(j * L, L)
                seg_v[s] = jnp.minimum(seg_v[s], clamp16)
            pltpu.make_async_copy(feat_hbm.at[idx_v], rows_v, semg).wait()
            pltpu.sync_copy(rows_v, acc_sh.at[seg_v], add=True)

        plsc.subcore_barrier()

        bh = pl.multiple_of(cid * NP + sid * (NP // NS), 8)
        for off, n in _DCH:
            pltpu.sync_copy(acc_sh.at[pl.ds(bz + off, n)], rows_v.at[pl.ds(0, n)])
            pltpu.sync_copy(rows_v.at[pl.ds(0, n)], psum_hbm.at[pl.ds(bh + off, n)])

    return k


def _phase_counts(D, E_pad):
    db = D // L
    nch = E_pad // (NW * C)
    epw = nch * C

    @functools.partial(
        pl.kernel,
        mesh=_mesh(),
        out_type=jax.ShapeDtypeStruct((NC * NP, D), jnp.float32),
        compiler_params=pltpu.CompilerParams(needs_layout_passes=False),
        scratch_types=[
            pltpu.VMEM((C,), jnp.int32),
            pltpu.VMEM((C, D), jnp.float32),
            pltpu.VMEM_SHARED((NP, D), jnp.float32),
        ],
    )
    def k(seg_hbm, pcnt_hbm, seg_v, buf_v, cnt_sh):
        cid = lax.axis_index("c")
        sid = lax.axis_index("s")
        w = sid * NC + cid

        zeros16 = jnp.zeros((L,), jnp.float32)
        ones16 = jnp.ones((L,), jnp.float32)

        @pl.loop(0, C)
        def _(r):
            for j in range(db):
                buf_v[r, pl.ds(j * L, L)] = zeros16

        bz = pl.multiple_of(sid * (NP // NS), 8)
        for off, n in _DCH:
            pltpu.sync_copy(buf_v.at[pl.ds(0, n)], cnt_sh.at[pl.ds(bz + off, n)])
        plsc.subcore_barrier()

        @pl.loop(0, C)
        def _(r):
            buf_v[r, pl.ds(0, L)] = ones16

        clamp16 = jnp.full((L,), CLAMP, jnp.int32)

        @pl.loop(0, nch)
        def _(i):
            b = pl.multiple_of(w * epw + i * C, C)
            pltpu.sync_copy(seg_hbm.at[pl.ds(b, C)], seg_v)
            for j in range(C // L):
                s = pl.ds(j * L, L)
                seg_v[s] = jnp.minimum(seg_v[s], clamp16)
            pltpu.sync_copy(buf_v, cnt_sh.at[seg_v], add=True)

        plsc.subcore_barrier()

        bh = pl.multiple_of(cid * NP + sid * (NP // NS), 8)
        for off, n in _DCH:
            pltpu.sync_copy(cnt_sh.at[pl.ds(bz + off, n)], buf_v.at[pl.ds(0, n)])
            pltpu.sync_copy(buf_v.at[pl.ds(0, n)], pcnt_hbm.at[pl.ds(bh + off, n)])

    return k


def _phase_merge(D):
    db = D // L
    nchunk = NP // C

    @functools.partial(
        pl.kernel,
        mesh=_mesh(),
        out_type=jax.ShapeDtypeStruct((NP, D), jnp.float32),
        compiler_params=pltpu.CompilerParams(needs_layout_passes=False),
        scratch_types=[
            pltpu.VMEM((C, D), jnp.float32),
            pltpu.VMEM((C, D), jnp.float32),
            pltpu.VMEM((C, D), jnp.float32),
            pltpu.VMEM((C, D), jnp.float32),
        ],
    )
    def k(psum_hbm, pcnt_hbm, out_hbm, p0_v, p1_v, c0_v, c1_v):
        cid = lax.axis_index("c")
        sid = lax.axis_index("s")
        w = sid * NC + cid

        for j in range((nchunk + NW - 1) // NW):
            ch = w + j * NW

            @pl.when(ch < nchunk)
            def _():
                base = pl.multiple_of(ch * C, 8)
                pltpu.sync_copy(psum_hbm.at[pl.ds(base, C)], p0_v)
                pltpu.sync_copy(psum_hbm.at[pl.ds(NP + base, C)], p1_v)
                pltpu.sync_copy(pcnt_hbm.at[pl.ds(base, C)], c0_v)
                pltpu.sync_copy(pcnt_hbm.at[pl.ds(NP + base, C)], c1_v)

                @pl.loop(0, C)
                def _(r):
                    cv = c0_v[r, pl.ds(0, L)] + c1_v[r, pl.ds(0, L)]
                    inv = jnp.where(cv > 0.0, 1.0 / jnp.maximum(cv, 1.0), 0.0)
                    for jj in range(db):
                        s = pl.ds(jj * L, L)
                        p0_v[r, s] = (p0_v[r, s] + p1_v[r, s]) * inv

                pltpu.sync_copy(p0_v, out_hbm.at[pl.ds(base, C)])

    return k


def kernel(features, neighbor_idx, segment_ids, num_neighbors):
    N, D = features.shape
    E = neighbor_idx.shape[0]
    E_pad = -(-E // (NW * C)) * (NW * C)
    pad = E_pad - E

    nbr_p = jnp.concatenate([neighbor_idx, jnp.zeros((pad,), jnp.int32)])
    seg_p = jnp.concatenate([segment_ids, jnp.full((pad,), BIG, jnp.int32)])

    psum = _phase_sums(N, D, E_pad)(features, nbr_p, seg_p)
    pcnt = _phase_counts(D, E_pad)(seg_p)
    out = _phase_merge(D)(psum, pcnt)
    return out[:N]

# --- scband reference (transcript-rebuilt; emitter-appended) ---
"""Pipeline reference for scband-mean-aggregator-74131135529475 (READ-ONLY COPY).

The authoritative reference and input builder live on the scoring server;
editing this copy changes nothing except your own understanding.
"""

import jax, jax.numpy as jnp
import numpy as np


def setup_inputs(seed: int = 0) -> dict:
    key = jax.random.key(seed)
    k1, k2, k3 = jax.random.split(key, 3)
    N, E, D = 10000, 320000, 128
    features = jax.random.normal(k1, (N, D), dtype=jnp.float32)
    neighbor_idx = jax.random.randint(k2, (E,), 0, N, dtype=jnp.int32)
    segment_ids = jnp.sort(jax.random.randint(k3, (E,), 0, N, dtype=jnp.int32))
    num_neighbors = -1  # -1 => use all neighbors (no subsampling), as in the torch module
    return {"features": features, "neighbor_idx": neighbor_idx, "segment_ids": segment_ids, "num_neighbors": num_neighbors}


def reference(features, neighbor_idx, segment_ids, num_neighbors):
    # Tensorized MeanAggregator.forward with num_neighbors == -1:
    # rows are flattened into (neighbor_idx, segment_ids); the python-dict `mapping`
    # is pre-applied so neighbor_idx already indexes into `features` rows.
    # out[i] = mean(features[neighbors(i)]) if node i has neighbors else 0.
    n = features.shape[0]
    gathered = jnp.take(features, neighbor_idx, axis=0)
    sums = jax.ops.segment_sum(gathered, segment_ids, num_segments=n)
    counts = jax.ops.segment_sum(jnp.ones((segment_ids.shape[0],), dtype=features.dtype), segment_ids, num_segments=n)
    out = jnp.where(counts[:, None] > 0, sums / jnp.maximum(counts, 1.0)[:, None], 0.0)
    return out

if __name__ == "__main__":
    import jax
    _d = setup_inputs()
    print(jax.jit(kernel)(*tuple(_d.values())))

</pallas_src>

<mosaic_0001>
#map = affine_map<(d0, d1) -> (0)>
#map1 = affine_map<(d0, d1) -> (0, 0)>
module attributes {stable_mosaic.version = 14 : i64} {
  func.func @k(%arg0: i32, %arg1: i32, %arg2: memref<323584xi32, #tpu.memory_space<hbm>>, %arg3: memref<20224x128xf32, #tpu.memory_space<hbm>>, %arg4: memref<128xi32, #tpu.memory_space<vmem>>, %arg5: memref<128x128xf32, #tpu.memory_space<vmem>>, %arg6: memref<10112x128xf32, #tpu.memory_space<vmem_shared>>) attributes {dimension_semantics = [#tpu.dimension_semantics<core_parallel>, #tpu.dimension_semantics<subcore_parallel>], iteration_bounds = array<i64: 2, 16>, scalar_prefetch = 0 : i64, scratch_operands = 3 : i64, tpu.core_type = #tpu.core_type<sc_vector_subcore>, window_params = [{transform_indices = #map}, {transform_indices = #map1}]} {
    %mul3A = arith.constant 2 : i32
    %mul3A_0 = arith.muli %arg1, %mul3A : i32
    %add3A = arith.addi %mul3A_0, %arg0 : i32
    %broadcast_in_dim3A = arith.constant 0.000000e+00 : f32
    %broadcast_in_dim3A_1 = vector.broadcast %broadcast_in_dim3A : f32 to vector<16xf32>
    %broadcast_in_dim3A_2 = arith.constant 1.000000e+00 : f32
    %broadcast_in_dim3A_3 = vector.broadcast %broadcast_in_dim3A_2 : f32 to vector<16xf32>
    %scan3A = arith.constant 0 : i32
    %scan3A_4 = arith.constant 128 : i32
    %scan3A_5 = arith.addi %scan3A, %scan3A_4 : i32
    %scan3A_6 = arith.constant 1 : i32
    scf.for %scan3A_59 = %scan3A to %scan3A_5 step %scan3A_6  : i32 {
      %mul3A_60 = arith.constant 1 : i32
      %mul3A_61 = arith.muli %scan3A_59, %mul3A_60 : i32
      %add3A_62 = arith.constant 0 : i32
      %add3A_63 = arith.addi %add3A_62, %mul3A_61 : i32
      %swap3A = arith.index_cast %add3A_63 : i32 to index
      %swap3A_64 = arith.constant 0 : index
      %swap3A_65 = tpu.vector_load %arg5[%swap3A, %swap3A_64] {strides = array<i32>} : memref<128x128xf32, #tpu.memory_space<vmem>>, vector<16xf32>,
      tpu.vector_store %arg5[%swap3A, %swap3A_64], %broadcast_in_dim3A_1 {strides = array<i32>} : memref<128x128xf32, #tpu.memory_space<vmem>>, vector<16xf32>,
      %swap3A_66 = arith.index_cast %add3A_63 : i32 to index
      %swap3A_67 = arith.constant 16 : index
      %swap3A_68 = tpu.vector_load %arg5[%swap3A_66, %swap3A_67] {strides = array<i32>} : memref<128x128xf32, #tpu.memory_space<vmem>>, vector<16xf32>,
      tpu.vector_store %arg5[%swap3A_66, %swap3A_67], %broadcast_in_dim3A_1 {strides = array<i32>} : memref<128x128xf32, #tpu.memory_space<vmem>>, vector<16xf32>,
      %swap3A_69 = arith.index_cast %add3A_63 : i32 to index
      %swap3A_70 = arith.constant 32 : index
      %swap3A_71 = tpu.vector_load %arg5[%swap3A_69, %swap3A_70] {strides = array<i32>} : memref<128x128xf32, #tpu.memory_space<vmem>>, vector<16xf32>,
      tpu.vector_store %arg5[%swap3A_69, %swap3A_70], %broadcast_in_dim3A_1 {strides = array<i32>} : memref<128x128xf32, #tpu.memory_space<vmem>>, vector<16xf32>,
      %swap3A_72 = arith.index_cast %add3A_63 : i32 to index
      %swap3A_73 = arith.constant 48 : index
      %swap3A_74 = tpu.vector_load %arg5[%swap3A_72, %swap3A_73] {strides = array<i32>} : memref<128x128xf32, #tpu.memory_space<vmem>>, vector<16xf32>,
      tpu.vector_store %arg5[%swap3A_72, %swap3A_73], %broadcast_in_dim3A_1 {strides = array<i32>} : memref<128x128xf32, #tpu.memory_space<vmem>>, vector<16xf32>,
      %swap3A_75 = arith.index_cast %add3A_63 : i32 to index
      %swap3A_76 = arith.constant 64 : index
      %swap3A_77 = tpu.vector_load %arg5[%swap3A_75, %swap3A_76] {strides = array<i32>} : memref<128x128xf32, #tpu.memory_space<vmem>>, vector<16xf32>,
      tpu.vector_store %arg5[%swap3A_75, %swap3A_76], %broadcast_in_dim3A_1 {strides = array<i32>} : memref<128x128xf32, #tpu.memory_space<vmem>>, vector<16xf32>,
      %swap3A_78 = arith.index_cast %add3A_63 : i32 to index
      %swap3A_79 = arith.constant 80 : index
      %swap3A_80 = tpu.vector_load %arg5[%swap3A_78, %swap3A_79] {strides = array<i32>} : memref<128x128xf32, #tpu.memory_space<vmem>>, vector<16xf32>,
      tpu.vector_store %arg5[%swap3A_78, %swap3A_79], %broadcast_in_dim3A_1 {strides = array<i32>} : memref<128x128xf32, #tpu.memory_space<vmem>>, vector<16xf32>,
      %swap3A_81 = arith.index_cast %add3A_63 : i32 to index
      %swap3A_82 = arith.constant 96 : index
      %swap3A_83 = tpu.vector_load %arg5[%swap3A_81, %swap3A_82] {strides = array<i32>} : memref<128x128xf32, #tpu.memory_space<vmem>>, vector<16xf32>,
      tpu.vector_store %arg5[%swap3A_81, %swap3A_82], %broadcast_in_dim3A_1 {strides = array<i32>} : memref<128x128xf32, #tpu.memory_space<vmem>>, vector<16xf32>,
      %swap3A_84 = arith.index_cast %add3A_63 : i32 to index
      %swap3A_85 = arith.constant 112 : index
      %swap3A_86 = tpu.vector_load %arg5[%swap3A_84, %swap3A_85] {strides = array<i32>} : memref<128x128xf32, #tpu.memory_space<vmem>>, vector<16xf32>,
      tpu.vector_store %arg5[%swap3A_84, %swap3A_85], %broadcast_in_dim3A_1 {strides = array<i32>} : memref<128x128xf32, #tpu.memory_space<vmem>>, vector<16xf32>,
    }
    %scan3A_7 = arith.constant 128 : i32
    %mul3A_8 = arith.constant 632 : i32
    %mul3A_9 = arith.muli %arg1, %mul3A_8 : i32
    %multiple_of3A = tpu.assume_multiple %mul3A_9, 8 : i32
    %add3A_10 = arith.constant 0 : i32
    %add3A_11 = arith.addi %multiple_of3A, %add3A_10 : i32
    "tpu.region"() ({
      %run_scoped3A = tpu.sem_alloc : memref<!tpu.dma_semaphore, #tpu.memory_space<semaphore_mem>>
      %dma_start3A = arith.constant 0 : i32
      %dma_start3A_59 = arith.constant 0 : i32
      %dma_start3A_60 = tpu.memref_slice %arg5[%dma_start3A, %dma_start3A_59] : memref<128x128xf32, #tpu.memory_space<vmem>> -> memref<128x128xf32, #tpu.memory_space<vmem>>
      %dma_start3A_61 = arith.constant 0 : i32
      %dma_start3A_62 = tpu.memref_slice %arg6[%add3A_11, %dma_start3A_61] : memref<10112x128xf32, #tpu.memory_space<vmem_shared>> -> memref<128x128xf32, #tpu.memory_space<vmem_shared>>
      %dma_start3A_63 = arith.constant 0 : i32
      %dma_start3A_64 = tpu.memref_slice %arg6[%add3A_11, %dma_start3A_63] : memref<10112x128xf32, #tpu.memory_space<vmem_shared>> -> memref<128x128xf32, #tpu.memory_space<vmem_shared>>
      %dma_start3A_65 = arith.constant 0 : i32
      %dma_start3A_66 = arith.constant 0 : i32
      %dma_start3A_67 = tpu.memref_slice %arg5[%dma_start3A_65, %dma_start3A_66] : memref<128x128xf32, #tpu.memory_space<vmem>> -> memref<128x128xf32, #tpu.memory_space<vmem>>
      tpu.enqueue_dma source(%dma_start3A_67 : memref<128x128xf32, #tpu.memory_space<vmem>>) target(%dma_start3A_64 : memref<128x128xf32, #tpu.memory_space<vmem_shared>>) target_semaphore(%run_scoped3A : memref<!tpu.dma_semaphore, #tpu.memory_space<semaphore_mem>>)
      %dma_wait3A = arith.constant 0 : i32
      %dma_wait3A_68 = arith.constant 0 : i32
      %dma_wait3A_69 = tpu.memref_slice %arg5[%dma_wait3A, %dma_wait3A_68] : memref<128x128xf32, #tpu.memory_space<vmem>> -> memref<128x128xf32, #tpu.memory_space<vmem>>
      %dma_wait3A_70 = arith.constant 0 : i32
      %dma_wait3A_71 = tpu.memref_slice %arg6[%add3A_11, %dma_wait3A_70] : memref<10112x128xf32, #tpu.memory_space<vmem_shared>> -> memref<128x128xf32, #tpu.memory_space<vmem_shared>>
      %dma_wait3A_72 = arith.constant 0 : i32
      %dma_wait3A_73 = tpu.memref_slice %arg6[%add3A_11, %dma_wait3A_72] : memref<10112x128xf32, #tpu.memory_space<vmem_shared>> -> memref<128x128xf32, #tpu.memory_space<vmem_shared>>
      %dma_wait3A_74 = arith.constant 0 : i32
      %dma_wait3A_75 = arith.constant 0 : i32
      %dma_wait3A_76 = tpu.memref_slice %arg5[%dma_wait3A_74, %dma_wait3A_75] : memref<128x128xf32, #tpu.memory_space<vmem>> -> memref<128x128xf32, #tpu.memory_space<vmem>>
      tpu.wait_dma2 semaphore(%run_scoped3A : memref<!tpu.dma_semaphore, #tpu.memory_space<semaphore_mem>>) src(%dma_wait3A_76 : memref<128x128xf32, #tpu.memory_space<vmem>>) dst(%dma_wait3A_73 : memref<128x128xf32, #tpu.memory_space<vmem_shared>>)
      tpu.yield
    }) : () -> ()
    %add3A_12 = arith.constant 128 : i32
    %add3A_13 = arith.addi %multiple_of3A, %add3A_12 : i32
    "tpu.region"() ({
      %run_scoped3A = tpu.sem_alloc : memref<!tpu.dma_semaphore, #tpu.memory_space<semaphore_mem>>
      %dma_start3A = arith.constant 0 : i32
      %dma_start3A_59 = arith.constant 0 : i32
      %dma_start3A_60 = tpu.memref_slice %arg5[%dma_start3A, %dma_start3A_59] : memref<128x128xf32, #tpu.memory_space<vmem>> -> memref<128x128xf32, #tpu.memory_space<vmem>>
      %dma_start3A_61 = arith.constant 0 : i32
      %dma_start3A_62 = tpu.memref_slice %arg6[%add3A_13, %dma_start3A_61] : memref<10112x128xf32, #tpu.memory_space<vmem_shared>> -> memref<128x128xf32, #tpu.memory_space<vmem_shared>>
      %dma_start3A_63 = arith.constant 0 : i32
      %dma_start3A_64 = tpu.memref_slice %arg6[%add3A_13, %dma_start3A_63] : memref<10112x128xf32, #tpu.memory_space<vmem_shared>> -> memref<128x128xf32, #tpu.memory_space<vmem_shared>>
      %dma_start3A_65 = arith.constant 0 : i32
      %dma_start3A_66 = arith.constant 0 : i32
      %dma_start3A_67 = tpu.memref_slice %arg5[%dma_start3A_65, %dma_start3A_66] : memref<128x128xf32, #tpu.memory_space<vmem>> -> memref<128x128xf32, #tpu.memory_space<vmem>>
      tpu.enqueue_dma source(%dma_start3A_67 : memref<128x128xf32, #tpu.memory_space<vmem>>) target(%dma_start3A_64 : memref<128x128xf32, #tpu.memory_space<vmem_shared>>) target_semaphore(%run_scoped3A : memref<!tpu.dma_semaphore, #tpu.memory_space<semaphore_mem>>)
      %dma_wait3A = arith.constant 0 : i32
      %dma_wait3A_68 = arith.constant 0 : i32
      %dma_wait3A_69 = tpu.memref_slice %arg5[%dma_wait3A, %dma_wait3A_68] : memref<128x128xf32, #tpu.memory_space<vmem>> -> memref<128x128xf32, #tpu.memory_space<vmem>>
      %dma_wait3A_70 = arith.constant 0 : i32
      %dma_wait3A_71 = tpu.memref_slice %arg6[%add3A_13, %dma_wait3A_70] : memref<10112x128xf32, #tpu.memory_space<vmem_shared>> -> memref<128x128xf32, #tpu.memory_space<vmem_shared>>
      %dma_wait3A_72 = arith.constant 0 : i32
      %dma_wait3A_73 = tpu.memref_slice %arg6[%add3A_13, %dma_wait3A_72] : memref<10112x128xf32, #tpu.memory_space<vmem_shared>> -> memref<128x128xf32, #tpu.memory_space<vmem_shared>>
      %dma_wait3A_74 = arith.constant 0 : i32
      %dma_wait3A_75 = arith.constant 0 : i32
      %dma_wait3A_76 = tpu.memref_slice %arg5[%dma_wait3A_74, %dma_wait3A_75] : memref<128x128xf32, #tpu.memory_space<vmem>> -> memref<128x128xf32, #tpu.memory_space<vmem>>
      tpu.wait_dma2 semaphore(%run_scoped3A : memref<!tpu.dma_semaphore, #tpu.memory_space<semaphore_mem>>) src(%dma_wait3A_76 : memref<128x128xf32, #tpu.memory_space<vmem>>) dst(%dma_wait3A_73 : memref<128x128xf32, #tpu.memory_space<vmem_shared>>)
      tpu.yield
    }) : () -> ()
    %add3A_14 = arith.constant 256 : i32
    %add3A_15 = arith.addi %multiple_of3A, %add3A_14 : i32
    "tpu.region"() ({
      %run_scoped3A = tpu.sem_alloc : memref<!tpu.dma_semaphore, #tpu.memory_space<semaphore_mem>>
      %dma_start3A = arith.constant 0 : i32
      %dma_start3A_59 = arith.constant 0 : i32
      %dma_start3A_60 = tpu.memref_slice %arg5[%dma_start3A, %dma_start3A_59] : memref<128x128xf32, #tpu.memory_space<vmem>> -> memref<128x128xf32, #tpu.memory_space<vmem>>
      %dma_start3A_61 = arith.constant 0 : i32
      %dma_start3A_62 = tpu.memref_slice %arg6[%add3A_15, %dma_start3A_61] : memref<10112x128xf32, #tpu.memory_space<vmem_shared>> -> memref<128x128xf32, #tpu.memory_space<vmem_shared>>
      %dma_start3A_63 = arith.constant 0 : i32
      %dma_start3A_64 = tpu.memref_slice %arg6[%add3A_15, %dma_start3A_63] : memref<10112x128xf32, #tpu.memory_space<vmem_shared>> -> memref<128x128xf32, #tpu.memory_space<vmem_shared>>
      %dma_start3A_65 = arith.constant 0 : i32
      %dma_start3A_66 = arith.constant 0 : i32
      %dma_start3A_67 = tpu.memref_slice %arg5[%dma_start3A_65, %dma_start3A_66] : memref<128x128xf32, #tpu.memory_space<vmem>> -> memref<128x128xf32, #tpu.memory_space<vmem>>
      tpu.enqueue_dma source(%dma_start3A_67 : memref<128x128xf32, #tpu.memory_space<vmem>>) target(%dma_start3A_64 : memref<128x128xf32, #tpu.memory_space<vmem_shared>>) target_semaphore(%run_scoped3A : memref<!tpu.dma_semaphore, #tpu.memory_space<semaphore_mem>>)
      %dma_wait3A = arith.constant 0 : i32
      %dma_wait3A_68 = arith.constant 0 : i32
      %dma_wait3A_69 = tpu.memref_slice %arg5[%dma_wait3A, %dma_wait3A_68] : memref<128x128xf32, #tpu.memory_space<vmem>> -> memref<128x128xf32, #tpu.memory_space<vmem>>
      %dma_wait3A_70 = arith.constant 0 : i32
      %dma_wait3A_71 = tpu.memref_slice %arg6[%add3A_15, %dma_wait3A_70] : memref<10112x128xf32, #tpu.memory_space<vmem_shared>> -> memref<128x128xf32, #tpu.memory_space<vmem_shared>>
      %dma_wait3A_72 = arith.constant 0 : i32
      %dma_wait3A_73 = tpu.memref_slice %arg6[%add3A_15, %dma_wait3A_72] : memref<10112x128xf32, #tpu.memory_space<vmem_shared>> -> memref<128x128xf32, #tpu.memory_space<vmem_shared>>
      %dma_wait3A_74 = arith.constant 0 : i32
      %dma_wait3A_75 = arith.constant 0 : i32
      %dma_wait3A_76 = tpu.memref_slice %arg5[%dma_wait3A_74, %dma_wait3A_75] : memref<128x128xf32, #tpu.memory_space<vmem>> -> memref<128x128xf32, #tpu.memory_space<vmem>>
      tpu.wait_dma2 semaphore(%run_scoped3A : memref<!tpu.dma_semaphore, #tpu.memory_space<semaphore_mem>>) src(%dma_wait3A_76 : memref<128x128xf32, #tpu.memory_space<vmem>>) dst(%dma_wait3A_73 : memref<128x128xf32, #tpu.memory_space<vmem_shared>>)
      tpu.yield
    }) : () -> ()
    %add3A_16 = arith.constant 384 : i32
    %add3A_17 = arith.addi %multiple_of3A, %add3A_16 : i32
    "tpu.region"() ({
      %run_scoped3A = tpu.sem_alloc : memref<!tpu.dma_semaphore, #tpu.memory_space<semaphore_mem>>
      %dma_start3A = arith.constant 0 : i32
      %dma_start3A_59 = arith.constant 0 : i32
      %dma_start3A_60 = tpu.memref_slice %arg5[%dma_start3A, %dma_start3A_59] : memref<128x128xf32, #tpu.memory_space<vmem>> -> memref<128x128xf32, #tpu.memory_space<vmem>>
      %dma_start3A_61 = arith.constant 0 : i32
      %dma_start3A_62 = tpu.memref_slice %arg6[%add3A_17, %dma_start3A_61] : memref<10112x128xf32, #tpu.memory_space<vmem_shared>> -> memref<128x128xf32, #tpu.memory_space<vmem_shared>>
      %dma_start3A_63 = arith.constant 0 : i32
      %dma_start3A_64 = tpu.memref_slice %arg6[%add3A_17, %dma_start3A_63] : memref<10112x128xf32, #tpu.memory_space<vmem_shared>> -> memref<128x128xf32, #tpu.memory_space<vmem_shared>>
      %dma_start3A_65 = arith.constant 0 : i32
      %dma_start3A_66 = arith.constant 0 : i32
      %dma_start3A_67 = tpu.memref_slice %arg5[%dma_start3A_65, %dma_start3A_66] : memref<128x128xf32, #tpu.memory_space<vmem>> -> memref<128x128xf32, #tpu.memory_space<vmem>>
      tpu.enqueue_dma source(%dma_start3A_67 : memref<128x128xf32, #tpu.memory_space<vmem>>) target(%dma_start3A_64 : memref<128x128xf32, #tpu.memory_space<vmem_shared>>) target_semaphore(%run_scoped3A : memref<!tpu.dma_semaphore, #tpu.memory_space<semaphore_mem>>)
      %dma_wait3A = arith.constant 0 : i32
      %dma_wait3A_68 = arith.constant 0 : i32
      %dma_wait3A_69 = tpu.memref_slice %arg5[%dma_wait3A, %dma_wait3A_68] : memref<128x128xf32, #tpu.memory_space<vmem>> -> memref<128x128xf32, #tpu.memory_space<vmem>>
      %dma_wait3A_70 = arith.constant 0 : i32
      %dma_wait3A_71 = tpu.memref_slice %arg6[%add3A_17, %dma_wait3A_70] : memref<10112x128xf32, #tpu.memory_space<vmem_shared>> -> memref<128x128xf32, #tpu.memory_space<vmem_shared>>
      %dma_wait3A_72 = arith.constant 0 : i32
      %dma_wait3A_73 = tpu.memref_slice %arg6[%add3A_17, %dma_wait3A_72] : memref<10112x128xf32, #tpu.memory_space<vmem_shared>> -> memref<128x128xf32, #tpu.memory_space<vmem_shared>>
      %dma_wait3A_74 = arith.constant 0 : i32
      %dma_wait3A_75 = arith.constant 0 : i32
      %dma_wait3A_76 = tpu.memref_slice %arg5[%dma_wait3A_74, %dma_wait3A_75] : memref<128x128xf32, #tpu.memory_space<vmem>> -> memref<128x128xf32, #tpu.memory_space<vmem>>
      tpu.wait_dma2 semaphore(%run_scoped3A : memref<!tpu.dma_semaphore, #tpu.memory_space<semaphore_mem>>) src(%dma_wait3A_76 : memref<128x128xf32, #tpu.memory_space<vmem>>) dst(%dma_wait3A_73 : memref<128x128xf32, #tpu.memory_space<vmem_shared>>)
      tpu.yield
    }) : () -> ()
    %add3A_18 = arith.constant 512 : i32
    %add3A_19 = arith.addi %multiple_of3A, %add3A_18 : i32
    "tpu.region"() ({
      %run_scoped3A = tpu.sem_alloc : memref<!tpu.dma_semaphore, #tpu.memory_space<semaphore_mem>>
      %dma_start3A = arith.constant 0 : i32
      %dma_start3A_59 = arith.constant 0 : i32
      %dma_start3A_60 = tpu.memref_slice %arg5[%dma_start3A, %dma_start3A_59] : memref<128x128xf32, #tpu.memory_space<vmem>> -> memref<120x128xf32, #tpu.memory_space<vmem>>
      %dma_start3A_61 = arith.constant 0 : i32
      %dma_start3A_62 = tpu.memref_slice %arg6[%add3A_19, %dma_start3A_61] : memref<10112x128xf32, #tpu.memory_space<vmem_shared>> -> memref<120x128xf32, #tpu.memory_space<vmem_shared>>
      %dma_start3A_63 = arith.constant 0 : i32
      %dma_start3A_64 = tpu.memref_slice %arg6[%add3A_19, %dma_start3A_63] : memref<10112x128xf32, #tpu.memory_space<vmem_shared>> -> memref<120x128xf32, #tpu.memory_space<vmem_shared>>
      %dma_start3A_65 = arith.constant 0 : i32
      %dma_start3A_66 = arith.constant 0 : i32
      %dma_start3A_67 = tpu.memref_slice %arg5[%dma_start3A_65, %dma_start3A_66] : memref<128x128xf32, #tpu.memory_space<vmem>> -> memref<120x128xf32, #tpu.memory_space<vmem>>
      tpu.enqueue_dma source(%dma_start3A_67 : memref<120x128xf32, #tpu.memory_space<vmem>>) target(%dma_start3A_64 : memref<120x128xf32, #tpu.memory_space<vmem_shared>>) target_semaphore(%run_scoped3A : memref<!tpu.dma_semaphore, #tpu.memory_space<semaphore_mem>>)
      %dma_wait3A = arith.constant 0 : i32
      %dma_wait3A_68 = arith.constant 0 : i32
      %dma_wait3A_69 = tpu.memref_slice %arg5[%dma_wait3A, %dma_wait3A_68] : memref<128x128xf32, #tpu.memory_space<vmem>> -> memref<120x128xf32, #tpu.memory_space<vmem>>
      %dma_wait3A_70 = arith.constant 0 : i32
      %dma_wait3A_71 = tpu.memref_slice %arg6[%add3A_19, %dma_wait3A_70] : memref<10112x128xf32, #tpu.memory_space<vmem_shared>> -> memref<120x128xf32, #tpu.memory_space<vmem_shared>>
      %dma_wait3A_72 = arith.constant 0 : i32
      %dma_wait3A_73 = tpu.memref_slice %arg6[%add3A_19, %dma_wait3A_72] : memref<10112x128xf32, #tpu.memory_space<vmem_shared>> -> memref<120x128xf32, #tpu.memory_space<vmem_shared>>
      %dma_wait3A_74 = arith.constant 0 : i32
      %dma_wait3A_75 = arith.constant 0 : i32
      %dma_wait3A_76 = tpu.memref_slice %arg5[%dma_wait3A_74, %dma_wait3A_75] : memref<128x128xf32, #tpu.memory_space<vmem>> -> memref<120x128xf32, #tpu.memory_space<vmem>>
      tpu.wait_dma2 semaphore(%run_scoped3A : memref<!tpu.dma_semaphore, #tpu.memory_space<semaphore_mem>>) src(%dma_wait3A_76 : memref<120x128xf32, #tpu.memory_space<vmem>>) dst(%dma_wait3A_73 : memref<120x128xf32, #tpu.memory_space<vmem_shared>>)
      tpu.yield
    }) : () -> ()
    %barrier3A = arith.constant 0 : index
    tpu.barrier barrier_id(%barrier3A)
    %scan3A_20 = arith.constant 0 : i32
    %scan3A_21 = arith.constant 128 : i32
    %scan3A_22 = arith.addi %scan3A_20, %scan3A_21 : i32
    %scan3A_23 = arith.constant 1 : i32
    scf.for %scan3A_59 = %scan3A_20 to %scan3A_22 step %scan3A_23  : i32 {
      %mul3A_60 = arith.constant 1 : i32
      %mul3A_61 = arith.muli %scan3A_59, %mul3A_60 : i32
      %add3A_62 = arith.constant 0 : i32
      %add3A_63 = arith.addi %add3A_62, %mul3A_61 : i32
      %swap3A = arith.index_cast %add3A_63 : i32 to index
      %swap3A_64 = arith.constant 0 : index
      %swap3A_65 = tpu.vector_load %arg5[%swap3A, %swap3A_64] {strides = array<i32>} : memref<128x128xf32, #tpu.memory_space<vmem>>, vector<16xf32>,
      tpu.vector_store %arg5[%swap3A, %swap3A_64], %broadcast_in_dim3A_3 {strides = array<i32>} : memref<128x128xf32, #tpu.memory_space<vmem>>, vector<16xf32>,
    }
    %scan3A_24 = arith.constant 128 : i32
    %broadcast_in_dim3A_25 = arith.constant 10104 : i32
    %broadcast_in_dim3A_26 = vector.broadcast %broadcast_in_dim3A_25 : i32 to vector<16xi32>
    %scan3A_27 = arith.constant 0 : i32
    %scan3A_28 = arith.constant 79 : i32
    %scan3A_29 = arith.addi %scan3A_27, %scan3A_28 : i32
    %scan3A_30 = arith.constant 1 : i32
    scf.for %scan3A_59 = %scan3A_27 to %scan3A_29 step %scan3A_30  : i32 {
      %mul3A_60 = arith.constant 1 : i32
      %mul3A_61 = arith.muli %scan3A_59, %mul3A_60 : i32
      %add3A_62 = arith.constant 0 : i32
      %add3A_63 = arith.addi %add3A_62, %mul3A_61 : i32
      %mul3A_64 = arith.constant 10112 : i32
      %mul3A_65 = arith.muli %add3A, %mul3A_64 : i32
      %mul3A_66 = arith.constant 128 : i32
      %mul3A_67 = arith.muli %add3A_63, %mul3A_66 : i32
      %add3A_68 = arith.addi %mul3A_65, %mul3A_67 : i32
      %multiple_of3A_69 = tpu.assume_multiple %add3A_68, 128 : i32
      "tpu.region"() ({
        %run_scoped3A = tpu.sem_alloc : memref<!tpu.dma_semaphore, #tpu.memory_space<semaphore_mem>>
        %dma_start3A = tpu.memref_slice %arg2[%multiple_of3A_69] : memref<323584xi32, #tpu.memory_space<hbm>> -> memref<128xi32, #tpu.memory_space<hbm>>
        %dma_start3A_107 = tpu.memref_slice %arg2[%multiple_of3A_69] : memref<323584xi32, #tpu.memory_space<hbm>> -> memref<128xi32, #tpu.memory_space<hbm>>
        tpu.enqueue_dma source(%dma_start3A_107 : memref<128xi32, #tpu.memory_space<hbm>>) target(%arg4 : memref<128xi32, #tpu.memory_space<vmem>>) target_semaphore(%run_scoped3A : memref<!tpu.dma_semaphore, #tpu.memory_space<semaphore_mem>>)
        %dma_wait3A = tpu.memref_slice %arg2[%multiple_of3A_69] : memref<323584xi32, #tpu.memory_space<hbm>> -> memref<128xi32, #tpu.memory_space<hbm>>
        %dma_wait3A_108 = tpu.memref_slice %arg2[%multiple_of3A_69] : memref<323584xi32, #tpu.memory_space<hbm>> -> memref<128xi32, #tpu.memory_space<hbm>>
        tpu.wait_dma2 semaphore(%run_scoped3A : memref<!tpu.dma_semaphore, #tpu.memory_space<semaphore_mem>>) src(%dma_wait3A_108 : memref<128xi32, #tpu.memory_space<hbm>>) dst(%arg4 : memref<128xi32, #tpu.memory_space<vmem>>)
        tpu.yield
      }) : () -> ()
      %get3A = arith.constant 0 : index
      %get3A_70 = tpu.vector_load %arg4[%get3A] {strides = array<i32>} : memref<128xi32, #tpu.memory_space<vmem>>, vector<16xi32>,
      %min3A = arith.minsi %get3A_70, %broadcast_in_dim3A_26 : vector<16xi32>
      %swap3A = arith.constant 0 : index
      %swap3A_71 = tpu.vector_load %arg4[%swap3A] {strides = array<i32>} : memref<128xi32, #tpu.memory_space<vmem>>, vector<16xi32>,
      tpu.vector_store %arg4[%swap3A], %min3A {strides = array<i32>} : memref<128xi32, #tpu.memory_space<vmem>>, vector<16xi32>,
      %get3A_72 = arith.constant 16 : index
      %get3A_73 = tpu.vector_load %arg4[%get3A_72] {strides = array<i32>} : memref<128xi32, #tpu.memory_space<vmem>>, vector<16xi32>,
      %min3A_74 = arith.minsi %get3A_73, %broadcast_in_dim3A_26 : vector<16xi32>
      %swap3A_75 = arith.constant 16 : index
      %swap3A_76 = tpu.vector_load %arg4[%swap3A_75] {strides = array<i32>} : memref<128xi32, #tpu.memory_space<vmem>>, vector<16xi32>,
      tpu.vector_store %arg4[%swap3A_75], %min3A_74 {strides = array<i32>} : memref<128xi32, #tpu.memory_space<vmem>>, vector<16xi32>,
      %get3A_77 = arith.constant 32 : index
      %get3A_78 = tpu.vector_load %arg4[%get3A_77] {strides = array<i32>} : memref<128xi32, #tpu.memory_space<vmem>>, vector<16xi32>,
      %min3A_79 = arith.minsi %get3A_78, %broadcast_in_dim3A_26 : vector<16xi32>
      %swap3A_80 = arith.constant 32 : index
      %swap3A_81 = tpu.vector_load %arg4[%swap3A_80] {strides = array<i32>} : memref<128xi32, #tpu.memory_space<vmem>>, vector<16xi32>,
      tpu.vector_store %arg4[%swap3A_80], %min3A_79 {strides = array<i32>} : memref<128xi32, #tpu.memory_space<vmem>>, vector<16xi32>,
      %get3A_82 = arith.constant 48 : index
      %get3A_83 = tpu.vector_load %arg4[%get3A_82] {strides = array<i32>} : memref<128xi32, #tpu.memory_space<vmem>>, vector<16xi32>,
      %min3A_84 = arith.minsi %get3A_83, %broadcast_in_dim3A_26 : vector<16xi32>
      %swap3A_85 = arith.constant 48 : index
      %swap3A_86 = tpu.vector_load %arg4[%swap3A_85] {strides = array<i32>} : memref<128xi32, #tpu.memory_space<vmem>>, vector<16xi32>,
      tpu.vector_store %arg4[%swap3A_85], %min3A_84 {strides = array<i32>} : memref<128xi32, #tpu.memory_space<vmem>>, vector<16xi32>,
      %get3A_87 = arith.constant 64 : index
      %get3A_88 = tpu.vector_load %arg4[%get3A_87] {strides = array<i32>} : memref<128xi32, #tpu.memory_space<vmem>>, vector<16xi32>,
      %min3A_89 = arith.minsi %get3A_88, %broadcast_in_dim3A_26 : vector<16xi32>
      %swap3A_90 = arith.constant 64 : index
      %swap3A_91 = tpu.vector_load %arg4[%swap3A_90] {strides = array<i32>} : memref<128xi32, #tpu.memory_space<vmem>>, vector<16xi32>,
      tpu.vector_store %arg4[%swap3A_90], %min3A_89 {strides = array<i32>} : memref<128xi32, #tpu.memory_space<vmem>>, vector<16xi32>,
      %get3A_92 = arith.constant 80 : index
      %get3A_93 = tpu.vector_load %arg4[%get3A_92] {strides = array<i32>} : memref<128xi32, #tpu.memory_space<vmem>>, vector<16xi32>,
      %min3A_94 = arith.minsi %get3A_93, %broadcast_in_dim3A_26 : vector<16xi32>
      %swap3A_95 = arith.constant 80 : index
      %swap3A_96 = tpu.vector_load %arg4[%swap3A_95] {strides = array<i32>} : memref<128xi32, #tpu.memory_space<vmem>>, vector<16xi32>,
      tpu.vector_store %arg4[%swap3A_95], %min3A_94 {strides = array<i32>} : memref<128xi32, #tpu.memory_space<vmem>>, vector<16xi32>,
      %get3A_97 = arith.constant 96 : index
      %get3A_98 = tpu.vector_load %arg4[%get3A_97] {strides = array<i32>} : memref<128xi32, #tpu.memory_space<vmem>>, vector<16xi32>,
      %min3A_99 = arith.minsi %get3A_98, %broadcast_in_dim3A_26 : vector<16xi32>
      %swap3A_100 = arith.constant 96 : index
      %swap3A_101 = tpu.vector_load %arg4[%swap3A_100] {strides = array<i32>} : memref<128xi32, #tpu.memory_space<vmem>>, vector<16xi32>,
      tpu.vector_store %arg4[%swap3A_100], %min3A_99 {strides = array<i32>} : memref<128xi32, #tpu.memory_space<vmem>>, vector<16xi32>,
      %get3A_102 = arith.constant 112 : index
      %get3A_103 = tpu.vector_load %arg4[%get3A_102] {strides = array<i32>} : memref<128xi32, #tpu.memory_space<vmem>>, vector<16xi32>,
      %min3A_104 = arith.minsi %get3A_103, %broadcast_in_dim3A_26 : vector<16xi32>
      %swap3A_105 = arith.constant 112 : index
      %swap3A_106 = tpu.vector_load %arg4[%swap3A_105] {strides = array<i32>} : memref<128xi32, #tpu.memory_space<vmem>>, vector<16xi32>,
      tpu.vector_store %arg4[%swap3A_105], %min3A_104 {strides = array<i32>} : memref<128xi32, #tpu.memory_space<vmem>>, vector<16xi32>,
      "tpu.region"() ({
        %run_scoped3A = tpu.sem_alloc : memref<!tpu.dma_semaphore, #tpu.memory_space<semaphore_mem>>
        %dma_start3A = arith.constant 0 : i32
        %dma_start3A_107 = arith.constant 0 : i32
        %dma_start3A_108 = tpu.memref_slice %arg6[%dma_start3A, %dma_start3A_107] : memref<10112x128xf32, #tpu.memory_space<vmem_shared>> -> memref<10112x128xf32, #tpu.memory_space<vmem_shared>>
        tpu.enqueue_indirect_dma source(%arg5 : memref<128x128xf32, #tpu.memory_space<vmem>>) target(%dma_start3A_108 : memref<10112x128xf32, #tpu.memory_space<vmem_shared>>) offsets(%arg4 : memref<128xi32, #tpu.memory_space<vmem>>) semaphore(%run_scoped3A : memref<!tpu.dma_semaphore, #tpu.memory_space<semaphore_mem>>) {add = true}
        %dma_wait3A = arith.constant 0 : i32
        %dma_wait3A_109 = arith.constant 0 : i32
        %dma_wait3A_110 = tpu.memref_slice %arg6[%dma_wait3A, %dma_wait3A_109] : memref<10112x128xf32, #tpu.memory_space<vmem_shared>> -> memref<10112x128xf32, #tpu.memory_space<vmem_shared>>
        tpu.wait_indirect_dma semaphore(%run_scoped3A : memref<!tpu.dma_semaphore, #tpu.memory_space<semaphore_mem>>) src(%arg5 : memref<128x128xf32, #tpu.memory_space<vmem>>) dst(%dma_wait3A_110 : memref<10112x128xf32, #tpu.memory_space<vmem_shared>>)
        tpu.yield
      }) : () -> ()
    }
    %scan3A_31 = arith.constant 79 : i32
    %barrier3A_32 = arith.constant 0 : index
    tpu.barrier barrier_id(%barrier3A_32)
    %mul3A_33 = arith.constant 10112 : i32
    %mul3A_34 = arith.muli %arg0, %mul3A_33 : i32
    %mul3A_35 = arith.constant 632 : i32
    %mul3A_36 = arith.muli %arg1, %mul3A_35 : i32
    %add3A_37 = arith.addi %mul3A_34, %mul3A_36 : i32
    %multiple_of3A_38 = tpu.assume_multiple %add3A_37, 8 : i32
    %add3A_39 = arith.constant 0 : i32
    %add3A_40 = arith.addi %multiple_of3A, %add3A_39 : i32
    "tpu.region"() ({
      %run_scoped3A = tpu.sem_alloc : memref<!tpu.dma_semaphore, #tpu.memory_space<semaphore_mem>>
      %dma_start3A = arith.constant 0 : i32
      %dma_start3A_59 = arith.constant 0 : i32
      %dma_start3A_60 = tpu.memref_slice %arg5[%dma_start3A, %dma_start3A_59] : memref<128x128xf32, #tpu.memory_space<vmem>> -> memref<128x128xf32, #tpu.memory_space<vmem>>
      %dma_start3A_61 = arith.constant 0 : i32
      %dma_start3A_62 = tpu.memref_slice %arg6[%add3A_40, %dma_start3A_61] : memref<10112x128xf32, #tpu.memory_space<vmem_shared>> -> memref<128x128xf32, #tpu.memory_space<vmem_shared>>
      %dma_start3A_63 = arith.constant 0 : i32
      %dma_start3A_64 = arith.constant 0 : i32
      %dma_start3A_65 = tpu.memref_slice %arg5[%dma_start3A_63, %dma_start3A_64] : memref<128x128xf32, #tpu.memory_space<vmem>> -> memref<128x128xf32, #tpu.memory_space<vmem>>
      %dma_start3A_66 = arith.constant 0 : i32
      %dma_start3A_67 = tpu.memref_slice %arg6[%add3A_40, %dma_start3A_66] : memref<10112x128xf32, #tpu.memory_space<vmem_shared>> -> memref<128x128xf32, #tpu.memory_space<vmem_shared>>
      tpu.enqueue_dma source(%dma_start3A_67 : memref<128x128xf32, #tpu.memory_space<vmem_shared>>) target(%dma_start3A_65 : memref<128x128xf32, #tpu.memory_space<vmem>>) target_semaphore(%run_scoped3A : memref<!tpu.dma_semaphore, #tpu.memory_space<semaphore_mem>>)
      %dma_wait3A = arith.constant 0 : i32
      %dma_wait3A_68 = arith.constant 0 : i32
      %dma_wait3A_69 = tpu.memref_slice %arg5[%dma_wait3A, %dma_wait3A_68] : memref<128x128xf32, #tpu.memory_space<vmem>> -> memref<128x128xf32, #tpu.memory_space<vmem>>
      %dma_wait3A_70 = arith.constant 0 : i32
      %dma_wait3A_71 = tpu.memref_slice %arg6[%add3A_40, %dma_wait3A_70] : memref<10112x128xf32, #tpu.memory_space<vmem_shared>> -> memref<128x128xf32, #tpu.memory_space<vmem_shared>>
      %dma_wait3A_72 = arith.constant 0 : i32
      %dma_wait3A_73 = arith.constant 0 : i32
      %dma_wait3A_74 = tpu.memref_slice %arg5[%dma_wait3A_72, %dma_wait3A_73] : memref<128x128xf32, #tpu.memory_space<vmem>> -> memref<128x128xf32, #tpu.memory_space<vmem>>
      %dma_wait3A_75 = arith.constant 0 : i32
      %dma_wait3A_76 = tpu.memref_slice %arg6[%add3A_40, %dma_wait3A_75] : memref<10112x128xf32, #tpu.memory_space<vmem_shared>> -> memref<128x128xf32, #tpu.memory_space<vmem_shared>>
      tpu.wait_dma2 semaphore(%run_scoped3A : memref<!tpu.dma_semaphore, #tpu.memory_space<semaphore_mem>>) src(%dma_wait3A_76 : memref<128x128xf32, #tpu.memory_space<vmem_shared>>) dst(%dma_wait3A_74 : memref<128x128xf32, #tpu.memory_space<vmem>>)
      tpu.yield
    }) : () -> ()
    %add3A_41 = arith.constant 0 : i32
    %add3A_42 = arith.addi %multiple_of3A_38, %add3A_41 : i32
    "tpu.region"() ({
      %run_scoped3A = tpu.sem_alloc : memref<!tpu.dma_semaphore, #tpu.memory_space<semaphore_mem>>
      %dma_start3A = arith.constant 0 : i32
      %dma_start3A_59 = arith.constant 0 : i32
      %dma_start3A_60 = tpu.memref_slice %arg5[%dma_start3A, %dma_start3A_59] : memref<128x128xf32, #tpu.memory_space<vmem>> -> memref<128x128xf32, #tpu.memory_space<vmem>>
      %dma_start3A_61 = arith.constant 0 : i32
      %dma_start3A_62 = tpu.memref_slice %arg3[%add3A_42, %dma_start3A_61] : memref<20224x128xf32, #tpu.memory_space<hbm>> -> memref<128x128xf32, #tpu.memory_space<hbm>>
      %dma_start3A_63 = arith.constant 0 : i32
      %dma_start3A_64 = tpu.memref_slice %arg3[%add3A_42, %dma_start3A_63] : memref<20224x128xf32, #tpu.memory_space<hbm>> -> memref<128x128xf32, #tpu.memory_space<hbm>>
      %dma_start3A_65 = arith.constant 0 : i32
      %dma_start3A_66 = arith.constant 0 : i32
      %dma_start3A_67 = tpu.memref_slice %arg5[%dma_start3A_65, %dma_start3A_66] : memref<128x128xf32, #tpu.memory_space<vmem>> -> memref<128x128xf32, #tpu.memory_space<vmem>>
      tpu.enqueue_dma source(%dma_start3A_67 : memref<128x128xf32, #tpu.memory_space<vmem>>) target(%dma_start3A_64 : memref<128x128xf32, #tpu.memory_space<hbm>>) target_semaphore(%run_scoped3A : memref<!tpu.dma_semaphore, #tpu.memory_space<semaphore_mem>>)
      %dma_wait3A = arith.constant 0 : i32
      %dma_wait3A_68 = arith.constant 0 : i32
      %dma_wait3A_69 = tpu.memref_slice %arg5[%dma_wait3A, %dma_wait3A_68] : memref<128x128xf32, #tpu.memory_space<vmem>> -> memref<128x128xf32, #tpu.memory_space<vmem>>
      %dma_wait3A_70 = arith.constant 0 : i32
      %dma_wait3A_71 = tpu.memref_slice %arg3[%add3A_42, %dma_wait3A_70] : memref<20224x128xf32, #tpu.memory_space<hbm>> -> memref<128x128xf32, #tpu.memory_space<hbm>>
      %dma_wait3A_72 = arith.constant 0 : i32
      %dma_wait3A_73 = tpu.memref_slice %arg3[%add3A_42, %dma_wait3A_72] : memref<20224x128xf32, #tpu.memory_space<hbm>> -> memref<128x128xf32, #tpu.memory_space<hbm>>
      %dma_wait3A_74 = arith.constant 0 : i32
      %dma_wait3A_75 = arith.constant 0 : i32
      %dma_wait3A_76 = tpu.memref_slice %arg5[%dma_wait3A_74, %dma_wait3A_75] : memref<128x128xf32, #tpu.memory_space<vmem>> -> memref<128x128xf32, #tpu.memory_space<vmem>>
      tpu.wait_dma2 semaphore(%run_scoped3A : memref<!tpu.dma_semaphore, #tpu.memory_space<semaphore_mem>>) src(%dma_wait3A_76 : memref<128x128xf32, #tpu.memory_space<vmem>>) dst(%dma_wait3A_73 : memref<128x128xf32, #tpu.memory_space<hbm>>)
      tpu.yield
    }) : () -> ()
    %add3A_43 = arith.constant 128 : i32
    %add3A_44 = arith.addi %multiple_of3A, %add3A_43 : i32
    "tpu.region"() ({
      %run_scoped3A = tpu.sem_alloc : memref<!tpu.dma_semaphore, #tpu.memory_space<semaphore_mem>>
      %dma_start3A = arith.constant 0 : i32
      %dma_start3A_59 = arith.constant 0 : i32
      %dma_start3A_60 = tpu.memref_slice %arg5[%dma_start3A, %dma_start3A_59] : memref<128x128xf32, #tpu.memory_space<vmem>> -> memref<128x128xf32, #tpu.memory_space<vmem>>
      %dma_start3A_61 = arith.constant 0 : i32
      %dma_start3A_62 = tpu.memref_slice %arg6[%add3A_44, %dma_start3A_61] : memref<10112x128xf32, #tpu.memory_space<vmem_shared>> -> memref<128x128xf32, #tpu.memory_space<vmem_shared>>
      %dma_start3A_63 = arith.constant 0 : i32
      %dma_start3A_64 = arith.constant 0 : i32
      %dma_start3A_65 = tpu.memref_slice %arg5[%dma_start3A_63, %dma_start3A_64] : memref<128x128xf32, #tpu.memory_space<vmem>> -> memref<128x128xf32, #tpu.memory_space<vmem>>
      %dma_start3A_66 = arith.constant 0 : i32
      %dma_start3A_67 = tpu.memref_slice %arg6[%add3A_44, %dma_start3A_66] : memref<10112x128xf32, #tpu.memory_space<vmem_shared>> -> memref<128x128xf32, #tpu.memory_space<vmem_shared>>
      tpu.enqueue_dma source(%dma_start3A_67 : memref<128x128xf32, #tpu.memory_space<vmem_shared>>) target(%dma_start3A_65 : memref<128x128xf32, #tpu.memory_space<vmem>>) target_semaphore(%run_scoped3A : memref<!tpu.dma_semaphore, #tpu.memory_space<semaphore_mem>>)
      %dma_wait3A = arith.constant 0 : i32
      %dma_wait3A_68 = arith.constant 0 : i32
      %dma_wait3A_69 = tpu.memref_slice %arg5[%dma_wait3A, %dma_wait3A_68] : memref<128x128xf32, #tpu.memory_space<vmem>> -> memref<128x128xf32, #tpu.memory_space<vmem>>
      %dma_wait3A_70 = arith.constant 0 : i32
      %dma_wait3A_71 = tpu.memref_slice %arg6[%add3A_44, %dma_wait3A_70] : memref<10112x128xf32, #tpu.memory_space<vmem_shared>> -> memref<128x128xf32, #tpu.memory_space<vmem_shared>>
      %dma_wait3A_72 = arith.constant 0 : i32
      %dma_wait3A_73 = arith.constant 0 : i32
      %dma_wait3A_74 = tpu.memref_slice %arg5[%dma_wait3A_72, %dma_wait3A_73] : memref<128x128xf32, #tpu.memory_space<vmem>> -> memref<128x128xf32, #tpu.memory_space<vmem>>
      %dma_wait3A_75 = arith.constant 0 : i32
      %dma_wait3A_76 = tpu.memref_slice %arg6[%add3A_44, %dma_wait3A_75] : memref<10112x128xf32, #tpu.memory_space<vmem_shared>> -> memref<128x128xf32, #tpu.memory_space<vmem_shared>>
      tpu.wait_dma2 semaphore(%run_scoped3A : memref<!tpu.dma_semaphore, #tpu.memory_space<semaphore_mem>>) src(%dma_wait3A_76 : memref<128x128xf32, #tpu.memory_space<vmem_shared>>) dst(%dma_wait3A_74 : memref<128x128xf32, #tpu.memory_space<vmem>>)
      tpu.yield
    }) : () -> ()
    %add3A_45 = arith.constant 128 : i32
    %add3A_46 = arith.addi %multiple_of3A_38, %add3A_45 : i32
    "tpu.region"() ({
      %run_scoped3A = tpu.sem_alloc : memref<!tpu.dma_semaphore, #tpu.memory_space<semaphore_mem>>
      %dma_start3A = arith.constant 0 : i32
      %dma_start3A_59 = arith.constant 0 : i32
      %dma_start3A_60 = tpu.memref_slice %arg5[%dma_start3A, %dma_start3A_59] : memref<128x128xf32, #tpu.memory_space<vmem>> -> memref<128x128xf32, #tpu.memory_space<vmem>>
      %dma_start3A_61 = arith.constant 0 : i32
      %dma_start3A_62 = tpu.memref_slice %arg3[%add3A_46, %dma_start3A_61] : memref<20224x128xf32, #tpu.memory_space<hbm>> -> memref<128x128xf32, #tpu.memory_space<hbm>>
      %dma_start3A_63 = arith.constant 0 : i32
      %dma_start3A_64 = tpu.memref_slice %arg3[%add3A_46, %dma_start3A_63] : memref<20224x128xf32, #tpu.memory_space<hbm>> -> memref<128x128xf32, #tpu.memory_space<hbm>>
      %dma_start3A_65 = arith.constant 0 : i32
      %dma_start3A_66 = arith.constant 0 : i32
      %dma_start3A_67 = tpu.memref_slice %arg5[%dma_start3A_65, %dma_start3A_66] : memref<128x128xf32, #tpu.memory_space<vmem>> -> memref<128x128xf32, #tpu.memory_space<vmem>>
      tpu.enqueue_dma source(%dma_start3A_67 : memref<128x128xf32, #tpu.memory_space<vmem>>) target(%dma_start3A_64 : memref<128x128xf32, #tpu.memory_space<hbm>>) target_semaphore(%run_scoped3A : memref<!tpu.dma_semaphore, #tpu.memory_space<semaphore_mem>>)
      %dma_wait3A = arith.constant 0 : i32
      %dma_wait3A_68 = arith.constant 0 : i32
      %dma_wait3A_69 = tpu.memref_slice %arg5[%dma_wait3A, %dma_wait3A_68] : memref<128x128xf32, #tpu.memory_space<vmem>> -> memref<128x128xf32, #tpu.memory_space<vmem>>
      %dma_wait3A_70 = arith.constant 0 : i32
      %dma_wait3A_71 = tpu.memref_slice %arg3[%add3A_46, %dma_wait3A_70] : memref<20224x128xf32, #tpu.memory_space<hbm>> -> memref<128x128xf32, #tpu.memory_space<hbm>>
      %dma_wait3A_72 = arith.constant 0 : i32
      %dma_wait3A_73 = tpu.memref_slice %arg3[%add3A_46, %dma_wait3A_72] : memref<20224x128xf32, #tpu.memory_space<hbm>> -> memref<128x128xf32, #tpu.memory_space<hbm>>
      %dma_wait3A_74 = arith.constant 0 : i32
      %dma_wait3A_75 = arith.constant 0 : i32
      %dma_wait3A_76 = tpu.memref_slice %arg5[%dma_wait3A_74, %dma_wait3A_75] : memref<128x128xf32, #tpu.memory_space<vmem>> -> memref<128x128xf32, #tpu.memory_space<vmem>>
      tpu.wait_dma2 semaphore(%run_scoped3A : memref<!tpu.dma_semaphore, #tpu.memory_space<semaphore_mem>>) src(%dma_wait3A_76 : memref<128x128xf32, #tpu.memory_space<vmem>>) dst(%dma_wait3A_73 : memref<128x128xf32, #tpu.memory_space<hbm>>)
      tpu.yield
    }) : () -> ()
    %add3A_47 = arith.constant 256 : i32
    %add3A_48 = arith.addi %multiple_of3A, %add3A_47 : i32
    "tpu.region"() ({
      %run_scoped3A = tpu.sem_alloc : memref<!tpu.dma_semaphore, #tpu.memory_space<semaphore_mem>>
      %dma_start3A = arith.constant 0 : i32
      %dma_start3A_59 = arith.constant 0 : i32
      %dma_start3A_60 = tpu.memref_slice %arg5[%dma_start3A, %dma_start3A_59] : memref<128x128xf32, #tpu.memory_space<vmem>> -> memref<128x128xf32, #tpu.memory_space<vmem>>
      %dma_start3A_61 = arith.constant 0 : i32
      %dma_start3A_62 = tpu.memref_slice %arg6[%add3A_48, %dma_start3A_61] : memref<10112x128xf32, #tpu.memory_space<vmem_shared>> -> memref<128x128xf32, #tpu.memory_space<vmem_shared>>
      %dma_start3A_63 = arith.constant 0 : i32
      %dma_start3A_64 = arith.constant 0 : i32
      %dma_start3A_65 = tpu.memref_slice %arg5[%dma_start3A_63, %dma_start3A_64] : memref<128x128xf32, #tpu.memory_space<vmem>> -> memref<128x128xf32, #tpu.memory_space<vmem>>
      %dma_start3A_66 = arith.constant 0 : i32
      %dma_start3A_67 = tpu.memref_slice %arg6[%add3A_48, %dma_start3A_66] : memref<10112x128xf32, #tpu.memory_space<vmem_shared>> -> memref<128x128xf32, #tpu.memory_space<vmem_shared>>
      tpu.enqueue_dma source(%dma_start3A_67 : memref<128x128xf32, #tpu.memory_space<vmem_shared>>) target(%dma_start3A_65 : memref<128x128xf32, #tpu.memory_space<vmem>>) target_semaphore(%run_scoped3A : memref<!tpu.dma_semaphore, #tpu.memory_space<semaphore_mem>>)
      %dma_wait3A = arith.constant 0 : i32
      %dma_wait3A_68 = arith.constant 0 : i32
      %dma_wait3A_69 = tpu.memref_slice %arg5[%dma_wait3A, %dma_wait3A_68] : memref<128x128xf32, #tpu.memory_space<vmem>> -> memref<128x128xf32, #tpu.memory_space<vmem>>
      %dma_wait3A_70 = arith.constant 0 : i32
      %dma_wait3A_71 = tpu.memref_slice %arg6[%add3A_48, %dma_wait3A_70] : memref<10112x128xf32, #tpu.memory_space<vmem_shared>> -> memref<128x128xf32, #tpu.memory_space<vmem_shared>>
      %dma_wait3A_72 = arith.constant 0 : i32
      %dma_wait3A_73 = arith.constant 0 : i32
      %dma_wait3A_74 = tpu.memref_slice %arg5[%dma_wait3A_72, %dma_wait3A_73] : memref<128x128xf32, #tpu.memory_space<vmem>> -> memref<128x128xf32, #tpu.memory_space<vmem>>
      %dma_wait3A_75 = arith.constant 0 : i32
      %dma_wait3A_76 = tpu.memref_slice %arg6[%add3A_48, %dma_wait3A_75] : memref<10112x128xf32, #tpu.memory_space<vmem_shared>> -> memref<128x128xf32, #tpu.memory_space<vmem_shared>>
      tpu.wait_dma2 semaphore(%run_scoped3A : memref<!tpu.dma_semaphore, #tpu.memory_space<semaphore_mem>>) src(%dma_wait3A_76 : memref<128x128xf32, #tpu.memory_space<vmem_shared>>) dst(%dma_wait3A_74 : memref<128x128xf32, #tpu.memory_space<vmem>>)
      tpu.yield
    }) : () -> ()
    %add3A_49 = arith.constant 256 : i32
    %add3A_50 = arith.addi %multiple_of3A_38, %add3A_49 : i32
    "tpu.region"() ({
      %run_scoped3A = tpu.sem_alloc : memref<!tpu.dma_semaphore, #tpu.memory_space<semaphore_mem>>
      %dma_start3A = arith.constant 0 : i32
      %dma_start3A_59 = arith.constant 0 : i32
      %dma_start3A_60 = tpu.memref_slice %arg5[%dma_start3A, %dma_start3A_59] : memref<128x128xf32, #tpu.memory_space<vmem>> -> memref<128x128xf32, #tpu.memory_space<vmem>>
      %dma_start3A_61 = arith.constant 0 : i32
      %dma_start3A_62 = tpu.memref_slice %arg3[%add3A_50, %dma_start3A_61] : memref<20224x128xf32, #tpu.memory_space<hbm>> -> memref<128x128xf32, #tpu.memory_space<hbm>>
      %dma_start3A_63 = arith.constant 0 : i32
      %dma_start3A_64 = tpu.memref_slice %arg3[%add3A_50, %dma_start3A_63] : memref<20224x128xf32, #tpu.memory_space<hbm>> -> memref<128x128xf32, #tpu.memory_space<hbm>>
      %dma_start3A_65 = arith.constant 0 : i32
      %dma_start3A_66 = arith.constant 0 : i32
      %dma_start3A_67 = tpu.memref_slice %arg5[%dma_start3A_65, %dma_start3A_66] : memref<128x128xf32, #tpu.memory_space<vmem>> -> memref<128x128xf32, #tpu.memory_space<vmem>>
      tpu.enqueue_dma source(%dma_start3A_67 : memref<128x128xf32, #tpu.memory_space<vmem>>) target(%dma_start3A_64 : memref<128x128xf32, #tpu.memory_space<hbm>>) target_semaphore(%run_scoped3A : memref<!tpu.dma_semaphore, #tpu.memory_space<semaphore_mem>>)
      %dma_wait3A = arith.constant 0 : i32
      %dma_wait3A_68 = arith.constant 0 : i32
      %dma_wait3A_69 = tpu.memref_slice %arg5[%dma_wait3A, %dma_wait3A_68] : memref<128x128xf32, #tpu.memory_space<vmem>> -> memref<128x128xf32, #tpu.memory_space<vmem>>
      %dma_wait3A_70 = arith.constant 0 : i32
      %dma_wait3A_71 = tpu.memref_slice %arg3[%add3A_50, %dma_wait3A_70] : memref<20224x128xf32, #tpu.memory_space<hbm>> -> memref<128x128xf32, #tpu.memory_space<hbm>>
      %dma_wait3A_72 = arith.constant 0 : i32
      %dma_wait3A_73 = tpu.memref_slice %arg3[%add3A_50, %dma_wait3A_72] : memref<20224x128xf32, #tpu.memory_space<hbm>> -> memref<128x128xf32, #tpu.memory_space<hbm>>
      %dma_wait3A_74 = arith.constant 0 : i32
      %dma_wait3A_75 = arith.constant 0 : i32
      %dma_wait3A_76 = tpu.memref_slice %arg5[%dma_wait3A_74, %dma_wait3A_75] : memref<128x128xf32, #tpu.memory_space<vmem>> -> memref<128x128xf32, #tpu.memory_space<vmem>>
      tpu.wait_dma2 semaphore(%run_scoped3A : memref<!tpu.dma_semaphore, #tpu.memory_space<semaphore_mem>>) src(%dma_wait3A_76 : memref<128x128xf32, #tpu.memory_space<vmem>>) dst(%dma_wait3A_73 : memref<128x128xf32, #tpu.memory_space<hbm>>)
      tpu.yield
    }) : () -> ()
    %add3A_51 = arith.constant 384 : i32
    %add3A_52 = arith.addi %multiple_of3A, %add3A_51 : i32
    "tpu.region"() ({
      %run_scoped3A = tpu.sem_alloc : memref<!tpu.dma_semaphore, #tpu.memory_space<semaphore_mem>>
      %dma_start3A = arith.constant 0 : i32
      %dma_start3A_59 = arith.constant 0 : i32
      %dma_start3A_60 = tpu.memref_slice %arg5[%dma_start3A, %dma_start3A_59] : memref<128x128xf32, #tpu.memory_space<vmem>> -> memref<128x128xf32, #tpu.memory_space<vmem>>
      %dma_start3A_61 = arith.constant 0 : i32
      %dma_start3A_62 = tpu.memref_slice %arg6[%add3A_52, %dma_start3A_61] : memref<10112x128xf32, #tpu.memory_space<vmem_shared>> -> memref<128x128xf32, #tpu.memory_space<vmem_shared>>
      %dma_start3A_63 = arith.constant 0 : i32
      %dma_start3A_64 = arith.constant 0 : i32
      %dma_start3A_65 = tpu.memref_slice %arg5[%dma_start3A_63, %dma_start3A_64] : memref<128x128xf32, #tpu.memory_space<vmem>> -> memref<128x128xf32, #tpu.memory_space<vmem>>
      %dma_start3A_66 = arith.constant 0 : i32
      %dma_start3A_67 = tpu.memref_slice %arg6[%add3A_52, %dma_start3A_66] : memref<10112x128xf32, #tpu.memory_space<vmem_shared>> -> memref<128x128xf32, #tpu.memory_space<vmem_shared>>
      tpu.enqueue_dma source(%dma_start3A_67 : memref<128x128xf32, #tpu.memory_space<vmem_shared>>) target(%dma_start3A_65 : memref<128x128xf32, #tpu.memory_space<vmem>>) target_semaphore(%run_scoped3A : memref<!tpu.dma_semaphore, #tpu.memory_space<semaphore_mem>>)
      %dma_wait3A = arith.constant 0 : i32
      %dma_wait3A_68 = arith.constant 0 : i32
      %dma_wait3A_69 = tpu.memref_slice %arg5[%dma_wait3A, %dma_wait3A_68] : memref<128x128xf32, #tpu.memory_space<vmem>> -> memref<128x128xf32, #tpu.memory_space<vmem>>
      %dma_wait3A_70 = arith.constant 0 : i32
      %dma_wait3A_71 = tpu.memref_slice %arg6[%add3A_52, %dma_wait3A_70] : memref<10112x128xf32, #tpu.memory_space<vmem_shared>> -> memref<128x128xf32, #tpu.memory_space<vmem_shared>>
      %dma_wait3A_72 = arith.constant 0 : i32
      %dma_wait3A_73 = arith.constant 0 : i32
      %dma_wait3A_74 = tpu.memref_slice %arg5[%dma_wait3A_72, %dma_wait3A_73] : memref<128x128xf32, #tpu.memory_space<vmem>> -> memref<128x128xf32, #tpu.memory_space<vmem>>
      %dma_wait3A_75 = arith.constant 0 : i32
      %dma_wait3A_76 = tpu.memref_slice %arg6[%add3A_52, %dma_wait3A_75] : memref<10112x128xf32, #tpu.memory_space<vmem_shared>> -> memref<128x128xf32, #tpu.memory_space<vmem_shared>>
      tpu.wait_dma2 semaphore(%run_scoped3A : memref<!tpu.dma_semaphore, #tpu.memory_space<semaphore_mem>>) src(%dma_wait3A_76 : memref<128x128xf32, #tpu.memory_space<vmem_shared>>) dst(%dma_wait3A_74 : memref<128x128xf32, #tpu.memory_space<vmem>>)
      tpu.yield
    }) : () -> ()
    %add3A_53 = arith.constant 384 : i32
    %add3A_54 = arith.addi %multiple_of3A_38, %add3A_53 : i32
    "tpu.region"() ({
      %run_scoped3A = tpu.sem_alloc : memref<!tpu.dma_semaphore, #tpu.memory_space<semaphore_mem>>
      %dma_start3A = arith.constant 0 : i32
      %dma_start3A_59 = arith.constant 0 : i32
      %dma_start3A_60 = tpu.memref_slice %arg5[%dma_start3A, %dma_start3A_59] : memref<128x128xf32, #tpu.memory_space<vmem>> -> memref<128x128xf32, #tpu.memory_space<vmem>>
      %dma_start3A_61 = arith.constant 0 : i32
      %dma_start3A_62 = tpu.memref_slice %arg3[%add3A_54, %dma_start3A_61] : memref<20224x128xf32, #tpu.memory_space<hbm>> -> memref<128x128xf32, #tpu.memory_space<hbm>>
      %dma_start3A_63 = arith.constant 0 : i32
      %dma_start3A_64 = tpu.memref_slice %arg3[%add3A_54, %dma_start3A_63] : memref<20224x128xf32, #tpu.memory_space<hbm>> -> memref<128x128xf32, #tpu.memory_space<hbm>>
      %dma_start3A_65 = arith.constant 0 : i32
      %dma_start3A_66 = arith.constant 0 : i32
      %dma_start3A_67 = tpu.memref_slice %arg5[%dma_start3A_65, %dma_start3A_66] : memref<128x128xf32, #tpu.memory_space<vmem>> -> memref<128x128xf32, #tpu.memory_space<vmem>>
      tpu.enqueue_dma source(%dma_start3A_67 : memref<128x128xf32, #tpu.memory_space<vmem>>) target(%dma_start3A_64 : memref<128x128xf32, #tpu.memory_space<hbm>>) target_semaphore(%run_scoped3A : memref<!tpu.dma_semaphore, #tpu.memory_space<semaphore_mem>>)
      %dma_wait3A = arith.constant 0 : i32
      %dma_wait3A_68 = arith.constant 0 : i32
      %dma_wait3A_69 = tpu.memref_slice %arg5[%dma_wait3A, %dma_wait3A_68] : memref<128x128xf32, #tpu.memory_space<vmem>> -> memref<128x128xf32, #tpu.memory_space<vmem>>
      %dma_wait3A_70 = arith.constant 0 : i32
      %dma_wait3A_71 = tpu.memref_slice %arg3[%add3A_54, %dma_wait3A_70] : memref<20224x128xf32, #tpu.memory_space<hbm>> -> memref<128x128xf32, #tpu.memory_space<hbm>>
      %dma_wait3A_72 = arith.constant 0 : i32
      %dma_wait3A_73 = tpu.memref_slice %arg3[%add3A_54, %dma_wait3A_72] : memref<20224x128xf32, #tpu.memory_space<hbm>> -> memref<128x128xf32, #tpu.memory_space<hbm>>
      %dma_wait3A_74 = arith.constant 0 : i32
      %dma_wait3A_75 = arith.constant 0 : i32
      %dma_wait3A_76 = tpu.memref_slice %arg5[%dma_wait3A_74, %dma_wait3A_75] : memref<128x128xf32, #tpu.memory_space<vmem>> -> memref<128x128xf32, #tpu.memory_space<vmem>>
      tpu.wait_dma2 semaphore(%run_scoped3A : memref<!tpu.dma_semaphore, #tpu.memory_space<semaphore_mem>>) src(%dma_wait3A_76 : memref<128x128xf32, #tpu.memory_space<vmem>>) dst(%dma_wait3A_73 : memref<128x128xf32, #tpu.memory_space<hbm>>)
      tpu.yield
    }) : () -> ()
    %add3A_55 = arith.constant 512 : i32
    %add3A_56 = arith.addi %multiple_of3A, %add3A_55 : i32
    "tpu.region"() ({
      %run_scoped3A = tpu.sem_alloc : memref<!tpu.dma_semaphore, #tpu.memory_space<semaphore_mem>>
      %dma_start3A = arith.constant 0 : i32
      %dma_start3A_59 = arith.constant 0 : i32
      %dma_start3A_60 = tpu.memref_slice %arg5[%dma_start3A, %dma_start3A_59] : memref<128x128xf32, #tpu.memory_space<vmem>> -> memref<120x128xf32, #tpu.memory_space<vmem>>
      %dma_start3A_61 = arith.constant 0 : i32
      %dma_start3A_62 = tpu.memref_slice %arg6[%add3A_56, %dma_start3A_61] : memref<10112x128xf32, #tpu.memory_space<vmem_shared>> -> memref<120x128xf32, #tpu.memory_space<vmem_shared>>
      %dma_start3A_63 = arith.constant 0 : i32
      %dma_start3A_64 = arith.constant 0 : i32
      %dma_start3A_65 = tpu.memref_slice %arg5[%dma_start3A_63, %dma_start3A_64] : memref<128x128xf32, #tpu.memory_space<vmem>> -> memref<120x128xf32, #tpu.memory_space<vmem>>
      %dma_start3A_66 = arith.constant 0 : i32
      %dma_start3A_67 = tpu.memref_slice %arg6[%add3A_56, %dma_start3A_66] : memref<10112x128xf32, #tpu.memory_space<vmem_shared>> -> memref<120x128xf32, #tpu.memory_space<vmem_shared>>
      tpu.enqueue_dma source(%dma_start3A_67 : memref<120x128xf32, #tpu.memory_space<vmem_shared>>) target(%dma_start3A_65 : memref<120x128xf32, #tpu.memory_space<vmem>>) target_semaphore(%run_scoped3A : memref<!tpu.dma_semaphore, #tpu.memory_space<semaphore_mem>>)
      %dma_wait3A = arith.constant 0 : i32
      %dma_wait3A_68 = arith.constant 0 : i32
      %dma_wait3A_69 = tpu.memref_slice %arg5[%dma_wait3A, %dma_wait3A_68] : memref<128x128xf32, #tpu.memory_space<vmem>> -> memref<120x128xf32, #tpu.memory_space<vmem>>
      %dma_wait3A_70 = arith.constant 0 : i32
      %dma_wait3A_71 = tpu.memref_slice %arg6[%add3A_56, %dma_wait3A_70] : memref<10112x128xf32, #tpu.memory_space<vmem_shared>> -> memref<120x128xf32, #tpu.memory_space<vmem_shared>>
      %dma_wait3A_72 = arith.constant 0 : i32
      %dma_wait3A_73 = arith.constant 0 : i32
      %dma_wait3A_74 = tpu.memref_slice %arg5[%dma_wait3A_72, %dma_wait3A_73] : memref<128x128xf32, #tpu.memory_space<vmem>> -> memref<120x128xf32, #tpu.memory_space<vmem>>
      %dma_wait3A_75 = arith.constant 0 : i32
      %dma_wait3A_76 = tpu.memref_slice %arg6[%add3A_56, %dma_wait3A_75] : memref<10112x128xf32, #tpu.memory_space<vmem_shared>> -> memref<120x128xf32, #tpu.memory_space<vmem_shared>>
      tpu.wait_dma2 semaphore(%run_scoped3A : memref<!tpu.dma_semaphore, #tpu.memory_space<semaphore_mem>>) src(%dma_wait3A_76 : memref<120x128xf32, #tpu.memory_space<vmem_shared>>) dst(%dma_wait3A_74 : memref<120x128xf32, #tpu.memory_space<vmem>>)
      tpu.yield
    }) : () -> ()
    %add3A_57 = arith.constant 512 : i32
    %add3A_58 = arith.addi %multiple_of3A_38, %add3A_57 : i32
    "tpu.region"() ({
      %run_scoped3A = tpu.sem_alloc : memref<!tpu.dma_semaphore, #tpu.memory_space<semaphore_mem>>
      %dma_start3A = arith.constant 0 : i32
      %dma_start3A_59 = arith.constant 0 : i32
      %dma_start3A_60 = tpu.memref_slice %arg5[%dma_start3A, %dma_start3A_59] : memref<128x128xf32, #tpu.memory_space<vmem>> -> memref<120x128xf32, #tpu.memory_space<vmem>>
      %dma_start3A_61 = arith.constant 0 : i32
      %dma_start3A_62 = tpu.memref_slice %arg3[%add3A_58, %dma_start3A_61] : memref<20224x128xf32, #tpu.memory_space<hbm>> -> memref<120x128xf32, #tpu.memory_space<hbm>>
      %dma_start3A_63 = arith.constant 0 : i32
      %dma_start3A_64 = tpu.memref_slice %arg3[%add3A_58, %dma_start3A_63] : memref<20224x128xf32, #tpu.memory_space<hbm>> -> memref<120x128xf32, #tpu.memory_space<hbm>>
      %dma_start3A_65 = arith.constant 0 : i32
      %dma_start3A_66 = arith.constant 0 : i32
      %dma_start3A_67 = tpu.memref_slice %arg5[%dma_start3A_65, %dma_start3A_66] : memref<128x128xf32, #tpu.memory_space<vmem>> -> memref<120x128xf32, #tpu.memory_space<vmem>>
      tpu.enqueue_dma source(%dma_start3A_67 : memref<120x128xf32, #tpu.memory_space<vmem>>) target(%dma_start3A_64 : memref<120x128xf32, #tpu.memory_space<hbm>>) target_semaphore(%run_scoped3A : memref<!tpu.dma_semaphore, #tpu.memory_space<semaphore_mem>>)
      %dma_wait3A = arith.constant 0 : i32
      %dma_wait3A_68 = arith.constant 0 : i32
      %dma_wait3A_69 = tpu.memref_slice %arg5[%dma_wait3A, %dma_wait3A_68] : memref<128x128xf32, #tpu.memory_space<vmem>> -> memref<120x128xf32, #tpu.memory_space<vmem>>
      %dma_wait3A_70 = arith.constant 0 : i32
      %dma_wait3A_71 = tpu.memref_slice %arg3[%add3A_58, %dma_wait3A_70] : memref<20224x128xf32, #tpu.memory_space<hbm>> -> memref<120x128xf32, #tpu.memory_space<hbm>>
      %dma_wait3A_72 = arith.constant 0 : i32
      %dma_wait3A_73 = tpu.memref_slice %arg3[%add3A_58, %dma_wait3A_72] : memref<20224x128xf32, #tpu.memory_space<hbm>> -> memref<120x128xf32, #tpu.memory_space<hbm>>
      %dma_wait3A_74 = arith.constant 0 : i32
      %dma_wait3A_75 = arith.constant 0 : i32
      %dma_wait3A_76 = tpu.memref_slice %arg5[%dma_wait3A_74, %dma_wait3A_75] : memref<128x128xf32, #tpu.memory_space<vmem>> -> memref<120x128xf32, #tpu.memory_space<vmem>>
      tpu.wait_dma2 semaphore(%run_scoped3A : memref<!tpu.dma_semaphore, #tpu.memory_space<semaphore_mem>>) src(%dma_wait3A_76 : memref<120x128xf32, #tpu.memory_space<vmem>>) dst(%dma_wait3A_73 : memref<120x128xf32, #tpu.memory_space<hbm>>)
      tpu.yield
    }) : () -> ()
    return
  }
}

#map = affine_map<(d0, d1) -> (0, 0)>
module attributes {stable_mosaic.version = 14 : i64} {
  func.func @k(%arg0: i32, %arg1: i32, %arg2: memref<20224x128xf32, #tpu.memory_space<hbm>>, %arg3: memref<20224x128xf32, #tpu.memory_space<hbm>>, %arg4: memref<10112x128xf32, #tpu.memory_space<hbm>>, %arg5: memref<128x128xf32, #tpu.memory_space<vmem>>, %arg6: memref<128x128xf32, #tpu.memory_space<vmem>>, %arg7: memref<128x128xf32, #tpu.memory_space<vmem>>, %arg8: memref<128x128xf32, #tpu.memory_space<vmem>>) attributes {dimension_semantics = [#tpu.dimension_semantics<core_parallel>, #tpu.dimension_semantics<subcore_parallel>], iteration_bounds = array<i64: 2, 16>, scalar_prefetch = 0 : i64, scratch_operands = 4 : i64, tpu.core_type = #tpu.core_type<sc_vector_subcore>, window_params = [{transform_indices = #map}, {transform_indices = #map}, {transform_indices = #map}]} {
    %mul3A = arith.constant 2 : i32
    %mul3A_0 = arith.muli %arg1, %mul3A : i32
    %add3A = arith.addi %mul3A_0, %arg0 : i32
    %add3A_1 = arith.constant 0 : i32
    %add3A_2 = arith.addi %add3A, %add3A_1 : i32
    %lt3A = arith.constant 79 : i32
    %lt3A_3 = arith.cmpi slt, %add3A_2, %lt3A : i32
    %convert_element_type3A = arith.extui %lt3A_3 : i1 to i32
    %cond3A = arith.constant 0 : i32
    %cond3A_4 = arith.cmpi ne, %convert_element_type3A, %cond3A : i32
    scf.if %cond3A_4 {
      %mul3A_19 = arith.constant 128 : i32
      %mul3A_20 = arith.muli %add3A_2, %mul3A_19 : i32
      %multiple_of3A = tpu.assume_multiple %mul3A_20, 8 : i32
      "tpu.region"() ({
        %run_scoped3A = tpu.sem_alloc : memref<!tpu.dma_semaphore, #tpu.memory_space<semaphore_mem>>
        %dma_start3A = arith.constant 0 : i32
        %dma_start3A_29 = tpu.memref_slice %arg2[%multiple_of3A, %dma_start3A] : memref<20224x128xf32, #tpu.memory_space<hbm>> -> memref<128x128xf32, #tpu.memory_space<hbm>>
        %dma_start3A_30 = arith.constant 0 : i32
        %dma_start3A_31 = tpu.memref_slice %arg2[%multiple_of3A, %dma_start3A_30] : memref<20224x128xf32, #tpu.memory_space<hbm>> -> memref<128x128xf32, #tpu.memory_space<hbm>>
        tpu.enqueue_dma source(%dma_start3A_31 : memref<128x128xf32, #tpu.memory_space<hbm>>) target(%arg5 : memref<128x128xf32, #tpu.memory_space<vmem>>) target_semaphore(%run_scoped3A : memref<!tpu.dma_semaphore, #tpu.memory_space<semaphore_mem>>)
        %dma_wait3A = arith.constant 0 : i32
        %dma_wait3A_32 = tpu.memref_slice %arg2[%multiple_of3A, %dma_wait3A] : memref<20224x128xf32, #tpu.memory_space<hbm>> -> memref<128x128xf32, #tpu.memory_space<hbm>>
        %dma_wait3A_33 = arith.constant 0 : i32
        %dma_wait3A_34 = tpu.memref_slice %arg2[%multiple_of3A, %dma_wait3A_33] : memref<20224x128xf32, #tpu.memory_space<hbm>> -> memref<128x128xf32, #tpu.memory_space<hbm>>
        tpu.wait_dma2 semaphore(%run_scoped3A : memref<!tpu.dma_semaphore, #tpu.memory_space<semaphore_mem>>) src(%dma_wait3A_34 : memref<128x128xf32, #tpu.memory_space<hbm>>) dst(%arg5 : memref<128x128xf32, #tpu.memory_space<vmem>>)
        tpu.yield
      }) : () -> ()
      %add3A_21 = arith.constant 10112 : i32
      %add3A_22 = arith.addi %add3A_21, %multiple_of3A : i32
      "tpu.region"() ({
        %run_scoped3A = tpu.sem_alloc : memref<!tpu.dma_semaphore, #tpu.memory_space<semaphore_mem>>
        %dma_start3A = arith.constant 0 : i32
        %dma_start3A_29 = tpu.memref_slice %arg2[%add3A_22, %dma_start3A] : memref<20224x128xf32, #tpu.memory_space<hbm>> -> memref<128x128xf32, #tpu.memory_space<hbm>>
        %dma_start3A_30 = arith.constant 0 : i32
        %dma_start3A_31 = tpu.memref_slice %arg2[%add3A_22, %dma_start3A_30] : memref<20224x128xf32, #tpu.memory_space<hbm>> -> memref<128x128xf32, #tpu.memory_space<hbm>>
        tpu.enqueue_dma source(%dma_start3A_31 : memref<128x128xf32, #tpu.memory_space<hbm>>) target(%arg6 : memref<128x128xf32, #tpu.memory_space<vmem>>) target_semaphore(%run_scoped3A : memref<!tpu.dma_semaphore, #tpu.memory_space<semaphore_mem>>)
        %dma_wait3A = arith.constant 0 : i32
        %dma_wait3A_32 = tpu.memref_slice %arg2[%add3A_22, %dma_wait3A] : memref<20224x128xf32, #tpu.memory_space<hbm>> -> memref<128x128xf32, #tpu.memory_space<hbm>>
        %dma_wait3A_33 = arith.constant 0 : i32
        %dma_wait3A_34 = tpu.memref_slice %arg2[%add3A_22, %dma_wait3A_33] : memref<20224x128xf32, #tpu.memory_space<hbm>> -> memref<128x128xf32, #tpu.memory_space<hbm>>
        tpu.wait_dma2 semaphore(%run_scoped3A : memref<!tpu.dma_semaphore, #tpu.memory_space<semaphore_mem>>) src(%dma_wait3A_34 : memref<128x128xf32, #tpu.memory_space<hbm>>) dst(%arg6 : memref<128x128xf32, #tpu.memory_space<vmem>>)
        tpu.yield
      }) : () -> ()
      "tpu.region"() ({
        %run_scoped3A = tpu.sem_alloc : memref<!tpu.dma_semaphore, #tpu.memory_space<semaphore_mem>>
        %dma_start3A = arith.constant 0 : i32
        %dma_start3A_29 = tpu.memref_slice %arg3[%multiple_of3A, %dma_start3A] : memref<20224x128xf32, #tpu.memory_space<hbm>> -> memref<128x128xf32, #tpu.memory_space<hbm>>
        %dma_start3A_30 = arith.constant 0 : i32
        %dma_start3A_31 = tpu.memref_slice %arg3[%multiple_of3A, %dma_start3A_30] : memref<20224x128xf32, #tpu.memory_space<hbm>> -> memref<128x128xf32, #tpu.memory_space<hbm>>
        tpu.enqueue_dma source(%dma_start3A_31 : memref<128x128xf32, #tpu.memory_space<hbm>>) target(%arg7 : memref<128x128xf32, #tpu.memory_space<vmem>>) target_semaphore(%run_scoped3A : memref<!tpu.dma_semaphore, #tpu.memory_space<semaphore_mem>>)
        %dma_wait3A = arith.constant 0 : i32
        %dma_wait3A_32 = tpu.memref_slice %arg3[%multiple_of3A, %dma_wait3A] : memref<20224x128xf32, #tpu.memory_space<hbm>> -> memref<128x128xf32, #tpu.memory_space<hbm>>
        %dma_wait3A_33 = arith.constant 0 : i32
        %dma_wait3A_34 = tpu.memref_slice %arg3[%multiple_of3A, %dma_wait3A_33] : memref<20224x128xf32, #tpu.memory_space<hbm>> -> memref<128x128xf32, #tpu.memory_space<hbm>>
        tpu.wait_dma2 semaphore(%run_scoped3A : memref<!tpu.dma_semaphore, #tpu.memory_space<semaphore_mem>>) src(%dma_wait3A_34 : memref<128x128xf32, #tpu.memory_space<hbm>>) dst(%arg7 : memref<128x128xf32, #tpu.memory_space<vmem>>)
        tpu.yield
      }) : () -> ()
      %add3A_23 = arith.constant 10112 : i32
      %add3A_24 = arith.addi %add3A_23, %multiple_of3A : i32
      "tpu.region"() ({
        %run_scoped3A = tpu.sem_alloc : memref<!tpu.dma_semaphore, #tpu.memory_space<semaphore_mem>>
        %dma_start3A = arith.constant 0 : i32
        %dma_start3A_29 = tpu.memref_slice %arg3[%add3A_24, %dma_start3A] : memref<20224x128xf32, #tpu.memory_space<hbm>> -> memref<128x128xf32, #tpu.memory_space<hbm>>
        %dma_start3A_30 = arith.constant 0 : i32
        %dma_start3A_31 = tpu.memref_slice %arg3[%add3A_24, %dma_start3A_30] : memref<20224x128xf32, #tpu.memory_space<hbm>> -> memref<128x128xf32, #tpu.memory_space<hbm>>
        tpu.enqueue_dma source(%dma_start3A_31 : memref<128x128xf32, #tpu.memory_space<hbm>>) target(%arg8 : memref<128x128xf32, #tpu.memory_space<vmem>>) target_semaphore(%run_scoped3A : memref<!tpu.dma_semaphore, #tpu.memory_space<semaphore_mem>>)
        %dma_wait3A = arith.constant 0 : i32
        %dma_wait3A_32 = tpu.memref_slice %arg3[%add3A_24, %dma_wait3A] : memref<20224x128xf32, #tpu.memory_space<hbm>> -> memref<128x128xf32, #tpu.memory_space<hbm>>
        %dma_wait3A_33 = arith.constant 0 : i32
        %dma_wait3A_34 = tpu.memref_slice %arg3[%add3A_24, %dma_wait3A_33] : memref<20224x128xf32, #tpu.memory_space<hbm>> -> memref<128x128xf32, #tpu.memory_space<hbm>>
        tpu.wait_dma2 semaphore(%run_scoped3A : memref<!tpu.dma_semaphore, #tpu.memory_space<semaphore_mem>>) src(%dma_wait3A_34 : memref<128x128xf32, #tpu.memory_space<hbm>>) dst(%arg8 : memref<128x128xf32, #tpu.memory_space<vmem>>)
        tpu.yield
      }) : () -> ()
      %scan3A = arith.constant 0 : i32
      %scan3A_25 = arith.constant 128 : i32
      %scan3A_26 = arith.addi %scan3A, %scan3A_25 : i32
      %scan3A_27 = arith.constant 1 : i32
      scf.for %scan3A_29 = %scan3A to %scan3A_26 step %scan3A_27  : i32 {
        %mul3A_30 = arith.constant 1 : i32
        %mul3A_31 = arith.muli %scan3A_29, %mul3A_30 : i32
        %add3A_32 = arith.constant 0 : i32
        %add3A_33 = arith.addi %add3A_32, %mul3A_31 : i32
        %get3A = arith.index_cast %add3A_33 : i32 to index
        %get3A_34 = arith.constant 0 : index
        %get3A_35 = tpu.vector_load %arg7[%get3A, %get3A_34] {strides = array<i32>} : memref<128x128xf32, #tpu.memory_space<vmem>>, vector<16xf32>,
        %get3A_36 = arith.index_cast %add3A_33 : i32 to index
        %get3A_37 = arith.constant 0 : index
        %get3A_38 = tpu.vector_load %arg8[%get3A_36, %get3A_37] {strides = array<i32>} : memref<128x128xf32, #tpu.memory_space<vmem>>, vector<16xf32>,
        %add3A_39 = arith.addf %get3A_35, %get3A_38 : vector<16xf32>
        %gt3A = arith.constant 0.000000e+00 : f32
        %gt3A_40 = vector.broadcast %gt3A : f32 to vector<16xf32>
        %gt3A_41 = arith.cmpf ogt, %add3A_39, %gt3A_40 : vector<16xf32>
        %max3A = arith.constant 1.000000e+00 : f32
        %max3A_42 = vector.broadcast %max3A : f32 to vector<16xf32>
        %max3A_43 = arith.maximumf %add3A_39, %max3A_42 : vector<16xf32>
        %div3A = arith.constant 1.000000e+00 : f32
        %div3A_44 = vector.broadcast %div3A : f32 to vector<16xf32>
        %div3A_45 = arith.divf %div3A_44, %max3A_43 : vector<16xf32>
        %jit3A = arith.constant 0.000000e+00 : f32
        %broadcast_in_dim3A = vector.broadcast %jit3A : f32 to vector<16xf32>
        %select_n3A = arith.select %gt3A_41, %div3A_45, %broadcast_in_dim3A : vector<16xi1>, vector<16xf32>
        %get3A_46 = arith.index_cast %add3A_33 : i32 to index
        %get3A_47 = arith.constant 0 : index
        %get3A_48 = tpu.vector_load %arg5[%get3A_46, %get3A_47] {strides = array<i32>} : memref<128x128xf32, #tpu.memory_space<vmem>>, vector<16xf32>,
        %get3A_49 = arith.index_cast %add3A_33 : i32 to index
        %get3A_50 = arith.constant 0 : index
        %get3A_51 = tpu.vector_load %arg6[%get3A_49, %get3A_50] {strides = array<i32>} : memref<128x128xf32, #tpu.memory_space<vmem>>, vector<16xf32>,
        %add3A_52 = arith.addf %get3A_48, %get3A_51 : vector<16xf32>
        %mul3A_53 = arith.mulf %add3A_52, %select_n3A : vector<16xf32>
        %swap3A = arith.index_cast %add3A_33 : i32 to index
        %swap3A_54 = arith.constant 0 : index
        %swap3A_55 = tpu.vector_load %arg5[%swap3A, %swap3A_54] {strides = array<i32>} : memref<128x128xf32, #tpu.memory_space<vmem>>, vector<16xf32>,
        tpu.vector_store %arg5[%swap3A, %swap3A_54], %mul3A_53 {strides = array<i32>} : memref<128x128xf32, #tpu.memory_space<vmem>>, vector<16xf32>,
        %get3A_56 = arith.index_cast %add3A_33 : i32 to index
        %get3A_57 = arith.constant 16 : index
        %get3A_58 = tpu.vector_load %arg5[%get3A_56, %get3A_57] {strides = array<i32>} : memref<128x128xf32, #tpu.memory_space<vmem>>, vector<16xf32>,
        %get3A_59 = arith.index_cast %add3A_33 : i32 to index
        %get3A_60 = arith.constant 16 : index
        %get3A_61 = tpu.vector_load %arg6[%get3A_59, %get3A_60] {strides = array<i32>} : memref<128x128xf32, #tpu.memory_space<vmem>>, vector<16xf32>,
        %add3A_62 = arith.addf %get3A_58, %get3A_61 : vector<16xf32>
        %mul3A_63 = arith.mulf %add3A_62, %select_n3A : vector<16xf32>
        %swap3A_64 = arith.index_cast %add3A_33 : i32 to index
        %swap3A_65 = arith.constant 16 : index
        %swap3A_66 = tpu.vector_load %arg5[%swap3A_64, %swap3A_65] {strides = array<i32>} : memref<128x128xf32, #tpu.memory_space<vmem>>, vector<16xf32>,
        tpu.vector_store %arg5[%swap3A_64, %swap3A_65], %mul3A_63 {strides = array<i32>} : memref<128x128xf32, #tpu.memory_space<vmem>>, vector<16xf32>,
        %get3A_67 = arith.index_cast %add3A_33 : i32 to index
        %get3A_68 = arith.constant 32 : index
        %get3A_69 = tpu.vector_load %arg5[%get3A_67, %get3A_68] {strides = array<i32>} : memref<128x128xf32, #tpu.memory_space<vmem>>, vector<16xf32>,
        %get3A_70 = arith.index_cast %add3A_33 : i32 to index
        %get3A_71 = arith.constant 32 : index
        %get3A_72 = tpu.vector_load %arg6[%get3A_70, %get3A_71] {strides = array<i32>} : memref<128x128xf32, #tpu.memory_space<vmem>>, vector<16xf32>,
        %add3A_73 = arith.addf %get3A_69, %get3A_72 : vector<16xf32>
        %mul3A_74 = arith.mulf %add3A_73, %select_n3A : vector<16xf32>
        %swap3A_75 = arith.index_cast %add3A_33 : i32 to index
        %swap3A_76 = arith.constant 32 : index
        %swap3A_77 = tpu.vector_load %arg5[%swap3A_75, %swap3A_76] {strides = array<i32>} : memref<128x128xf32, #tpu.memory_space<vmem>>, vector<16xf32>,
        tpu.vector_store %arg5[%swap3A_75, %swap3A_76], %mul3A_74 {strides = array<i32>} : memref<128x128xf32, #tpu.memory_space<vmem>>, vector<16xf32>,
        %get3A_78 = arith.index_cast %add3A_33 : i32 to index
        %get3A_79 = arith.constant 48 : index
        %get3A_80 = tpu.vector_load %arg5[%get3A_78, %get3A_79] {strides = array<i32>} : memref<128x128xf32, #tpu.memory_space<vmem>>, vector<16xf32>,
        %get3A_81 = arith.index_cast %add3A_33 : i32 to index
        %get3A_82 = arith.constant 48 : index
        %get3A_83 = tpu.vector_load %arg6[%get3A_81, %get3A_82] {strides = array<i32>} : memref<128x128xf32, #tpu.memory_space<vmem>>, vector<16xf32>,
        %add3A_84 = arith.addf %get3A_80, %get3A_83 : vector<16xf32>
        %mul3A_85 = arith.mulf %add3A_84, %select_n3A : vector<16xf32>
        %swap3A_86 = arith.index_cast %add3A_33 : i32 to index
        %swap3A_87 = arith.constant 48 : index
        %swap3A_88 = tpu.vector_load %arg5[%swap3A_86, %swap3A_87] {strides = array<i32>} : memref<128x128xf32, #tpu.memory_space<vmem>>, vector<16xf32>,
        tpu.vector_store %arg5[%swap3A_86, %swap3A_87], %mul3A_85 {strides = array<i32>} : memref<128x128xf32, #tpu.memory_space<vmem>>, vector<16xf32>,
        %get3A_89 = arith.index_cast %add3A_33 : i32 to index
        %get3A_90 = arith.constant 64 : index
        %get3A_91 = tpu.vector_load %arg5[%get3A_89, %get3A_90] {strides = array<i32>} : memref<128x128xf32, #tpu.memory_space<vmem>>, vector<16xf32>,
        %get3A_92 = arith.index_cast %add3A_33 : i32 to index
        %get3A_93 = arith.constant 64 : index
        %get3A_94 = tpu.vector_load %arg6[%get3A_92, %get3A_93] {strides = array<i32>} : memref<128x128xf32, #tpu.memory_space<vmem>>, vector<16xf32>,
        %add3A_95 = arith.addf %get3A_91, %get3A_94 : vector<16xf32>
        %mul3A_96 = arith.mulf %add3A_95, %select_n3A : vector<16xf32>
        %swap3A_97 = arith.index_cast %add3A_33 : i32 to index
        %swap3A_98 = arith.constant 64 : index
        %swap3A_99 = tpu.vector_load %arg5[%swap3A_97, %swap3A_98] {strides = array<i32>} : memref<128x128xf32, #tpu.memory_space<vmem>>, vector<16xf32>,
        tpu.vector_store %arg5[%swap3A_97, %swap3A_98], %mul3A_96 {strides = array<i32>} : memref<128x128xf32, #tpu.memory_space<vmem>>, vector<16xf32>,
        %get3A_100 = arith.index_cast %add3A_33 : i32 to index
        %get3A_101 = arith.constant 80 : index
        %get3A_102 = tpu.vector_load %arg5[%get3A_100, %get3A_101] {strides = array<i32>} : memref<128x128xf32, #tpu.memory_space<vmem>>, vector<16xf32>,
        %get3A_103 = arith.index_cast %add3A_33 : i32 to index
        %get3A_104 = arith.constant 80 : index
        %get3A_105 = tpu.vector_load %arg6[%get3A_103, %get3A_104] {strides = array<i32>} : memref<128x128xf32, #tpu.memory_space<vmem>>, vector<16xf32>,
        %add3A_106 = arith.addf %get3A_102, %get3A_105 : vector<16xf32>
        %mul3A_107 = arith.mulf %add3A_106, %select_n3A : vector<16xf32>
        %swap3A_108 = arith.index_cast %add3A_33 : i32 to index
        %swap3A_109 = arith.constant 80 : index
        %swap3A_110 = tpu.vector_load %arg5[%swap3A_108, %swap3A_109] {strides = array<i32>} : memref<128x128xf32, #tpu.memory_space<vmem>>, vector<16xf32>,
        tpu.vector_store %arg5[%swap3A_108, %swap3A_109], %mul3A_107 {strides = array<i32>} : memref<128x128xf32, #tpu.memory_space<vmem>>, vector<16xf32>,
        %get3A_111 = arith.index_cast %add3A_33 : i32 to index
        %get3A_112 = arith.constant 96 : index
        %get3A_113 = tpu.vector_load %arg5[%get3A_111, %get3A_112] {strides = array<i32>} : memref<128x128xf32, #tpu.memory_space<vmem>>, vector<16xf32>,
        %get3A_114 = arith.index_cast %add3A_33 : i32 to index
        %get3A_115 = arith.constant 96 : index
        %get3A_116 = tpu.vector_load %arg6[%get3A_114, %get3A_115] {strides = array<i32>} : memref<128x128xf32, #tpu.memory_space<vmem>>, vector<16xf32>,
        %add3A_117 = arith.addf %get3A_113, %get3A_116 : vector<16xf32>
        %mul3A_118 = arith.mulf %add3A_117, %select_n3A : vector<16xf32>
        %swap3A_119 = arith.index_cast %add3A_33 : i32 to index
        %swap3A_120 = arith.constant 96 : index
        %swap3A_121 = tpu.vector_load %arg5[%swap3A_119, %swap3A_120] {strides = array<i32>} : memref<128x128xf32, #tpu.memory_space<vmem>>, vector<16xf32>,
        tpu.vector_store %arg5[%swap3A_119, %swap3A_120], %mul3A_118 {strides = array<i32>} : memref<128x128xf32, #tpu.memory_space<vmem>>, vector<16xf32>,
        %get3A_122 = arith.index_cast %add3A_33 : i32 to index
        %get3A_123 = arith.constant 112 : index
        %get3A_124 = tpu.vector_load %arg5[%get3A_122, %get3A_123] {strides = array<i32>} : memref<128x128xf32, #tpu.memory_space<vmem>>, vector<16xf32>,
        %get3A_125 = arith.index_cast %add3A_33 : i32 to index
        %get3A_126 = arith.constant 112 : index
        %get3A_127 = tpu.vector_load %arg6[%get3A_125, %get3A_126] {strides = array<i32>} : memref<128x128xf32, #tpu.memory_space<vmem>>, vector<16xf32>,
        %add3A_128 = arith.addf %get3A_124, %get3A_127 : vector<16xf32>
        %mul3A_129 = arith.mulf %add3A_128, %select_n3A : vector<16xf32>
        %swap3A_130 = arith.index_cast %add3A_33 : i32 to index
        %swap3A_131 = arith.constant 112 : index
        %swap3A_132 = tpu.vector_load %arg5[%swap3A_130, %swap3A_131] {strides = array<i32>} : memref<128x128xf32, #tpu.memory_space<vmem>>, vector<16xf32>,
        tpu.vector_store %arg5[%swap3A_130, %swap3A_131], %mul3A_129 {strides = array<i32>} : memref<128x128xf32, #tpu.memory_space<vmem>>, vector<16xf32>,
      }
      %scan3A_28 = arith.constant 128 : i32
      "tpu.region"() ({
        %run_scoped3A = tpu.sem_alloc : memref<!tpu.dma_semaphore, #tpu.memory_space<semaphore_mem>>
        %dma_start3A = arith.constant 0 : i32
        %dma_start3A_29 = tpu.memref_slice %arg4[%multiple_of3A, %dma_start3A] : memref<10112x128xf32, #tpu.memory_space<hbm>> -> memref<128x128xf32, #tpu.memory_space<hbm>>
        %dma_start3A_30 = arith.constant 0 : i32
        %dma_start3A_31 = tpu.memref_slice %arg4[%multiple_of3A, %dma_start3A_30] : memref<10112x128xf32, #tpu.memory_space<hbm>> -> memref<128x128xf32, #tpu.memory_space<hbm>>
        tpu.enqueue_dma source(%arg5 : memref<128x128xf32, #tpu.memory_space<vmem>>) target(%dma_start3A_31 : memref<128x128xf32, #tpu.memory_space<hbm>>) target_semaphore(%run_scoped3A : memref<!tpu.dma_semaphore, #tpu.memory_space<semaphore_mem>>)
        %dma_wait3A = arith.constant 0 : i32
        %dma_wait3A_32 = tpu.memref_slice %arg4[%multiple_of3A, %dma_wait3A] : memref<10112x128xf32, #tpu.memory_space<hbm>> -> memref<128x128xf32, #tpu.memory_space<hbm>>
        %dma_wait3A_33 = arith.constant 0 : i32
        %dma_wait3A_34 = tpu.memref_slice %arg4[%multiple_of3A, %dma_wait3A_33] : memref<10112x128xf32, #tpu.memory_space<hbm>> -> memref<128x128xf32, #tpu.memory_space<hbm>>
        tpu.wait_dma2 semaphore(%run_scoped3A : memref<!tpu.dma_semaphore, #tpu.memory_space<semaphore_mem>>) src(%arg5 : memref<128x128xf32, #tpu.memory_space<vmem>>) dst(%dma_wait3A_34 : memref<128x128xf32, #tpu.memory_space<hbm>>)
        tpu.yield
      }) : () -> ()
    } else {
    }
    %add3A_5 = arith.constant 32 : i32
    %add3A_6 = arith.addi %add3A, %add3A_5 : i32
    %lt3A_7 = arith.constant 79 : i32
    %lt3A_8 = arith.cmpi slt, %add3A_6, %lt3A_7 : i32
    %convert_element_type3A_9 = arith.extui %lt3A_8 : i1 to i32
    %cond3A_10 = arith.constant 0 : i32
    %cond3A_11 = arith.cmpi ne, %convert_element_type3A_9, %cond3A_10 : i32
    scf.if %cond3A_11 {
      %mul3A_19 = arith.constant 128 : i32
      %mul3A_20 = arith.muli %add3A_6, %mul3A_19 : i32
      %multiple_of3A = tpu.assume_multiple %mul3A_20, 8 : i32
      "tpu.region"() ({
        %run_scoped3A = tpu.sem_alloc : memref<!tpu.dma_semaphore, #tpu.memory_space<semaphore_mem>>
        %dma_start3A = arith.constant 0 : i32
        %dma_start3A_29 = tpu.memref_slice %arg2[%multiple_of3A, %dma_start3A] : memref<20224x128xf32, #tpu.memory_space<hbm>> -> memref<128x128xf32, #tpu.memory_space<hbm>>
        %dma_start3A_30 = arith.constant 0 : i32
        %dma_start3A_31 = tpu.memref_slice %arg2[%multiple_of3A, %dma_start3A_30] : memref<20224x128xf32, #tpu.memory_space<hbm>> -> memref<128x128xf32, #tpu.memory_space<hbm>>
        tpu.enqueue_dma source(%dma_start3A_31 : memref<128x128xf32, #tpu.memory_space<hbm>>) target(%arg5 : memref<128x128xf32, #tpu.memory_space<vmem>>) target_semaphore(%run_scoped3A : memref<!tpu.dma_semaphore, #tpu.memory_space<semaphore_mem>>)
        %dma_wait3A = arith.constant 0 : i32
        %dma_wait3A_32 = tpu.memref_slice %arg2[%multiple_of3A, %dma_wait3A] : memref<20224x128xf32, #tpu.memory_space<hbm>> -> memref<128x128xf32, #tpu.memory_space<hbm>>
        %dma_wait3A_33 = arith.constant 0 : i32
        %dma_wait3A_34 = tpu.memref_slice %arg2[%multiple_of3A, %dma_wait3A_33] : memref<20224x128xf32, #tpu.memory_space<hbm>> -> memref<128x128xf32, #tpu.memory_space<hbm>>
        tpu.wait_dma2 semaphore(%run_scoped3A : memref<!tpu.dma_semaphore, #tpu.memory_space<semaphore_mem>>) src(%dma_wait3A_34 : memref<128x128xf32, #tpu.memory_space<hbm>>) dst(%arg5 : memref<128x128xf32, #tpu.memory_space<vmem>>)
        tpu.yield
      }) : () -> ()
      %add3A_21 = arith.constant 10112 : i32
      %add3A_22 = arith.addi %add3A_21, %multiple_of3A : i32
      "tpu.region"() ({
        %run_scoped3A = tpu.sem_alloc : memref<!tpu.dma_semaphore, #tpu.memory_space<semaphore_mem>>
        %dma_start3A = arith.constant 0 : i32
        %dma_start3A_29 = tpu.memref_slice %arg2[%add3A_22, %dma_start3A] : memref<20224x128xf32, #tpu.memory_space<hbm>> -> memref<128x128xf32, #tpu.memory_space<hbm>>
        %dma_start3A_30 = arith.constant 0 : i32
        %dma_start3A_31 = tpu.memref_slice %arg2[%add3A_22, %dma_start3A_30] : memref<20224x128xf32, #tpu.memory_space<hbm>> -> memref<128x128xf32, #tpu.memory_space<hbm>>
        tpu.enqueue_dma source(%dma_start3A_31 : memref<128x128xf32, #tpu.memory_space<hbm>>) target(%arg6 : memref<128x128xf32, #tpu.memory_space<vmem>>) target_semaphore(%run_scoped3A : memref<!tpu.dma_semaphore, #tpu.memory_space<semaphore_mem>>)
        %dma_wait3A = arith.constant 0 : i32
        %dma_wait3A_32 = tpu.memref_slice %arg2[%add3A_22, %dma_wait3A] : memref<20224x128xf32, #tpu.memory_space<hbm>> -> memref<128x128xf32, #tpu.memory_space<hbm>>
        %dma_wait3A_33 = arith.constant 0 : i32
        %dma_wait3A_34 = tpu.memref_slice %arg2[%add3A_22, %dma_wait3A_33] : memref<20224x128xf32, #tpu.memory_space<hbm>> -> memref<128x128xf32, #tpu.memory_space<hbm>>
        tpu.wait_dma2 semaphore(%run_scoped3A : memref<!tpu.dma_semaphore, #tpu.memory_space<semaphore_mem>>) src(%dma_wait3A_34 : memref<128x128xf32, #tpu.memory_space<hbm>>) dst(%arg6 : memref<128x128xf32, #tpu.memory_space<vmem>>)
        tpu.yield
      }) : () -> ()
      "tpu.region"() ({
        %run_scoped3A = tpu.sem_alloc : memref<!tpu.dma_semaphore, #tpu.memory_space<semaphore_mem>>
        %dma_start3A = arith.constant 0 : i32
        %dma_start3A_29 = tpu.memref_slice %arg3[%multiple_of3A, %dma_start3A] : memref<20224x128xf32, #tpu.memory_space<hbm>> -> memref<128x128xf32, #tpu.memory_space<hbm>>
        %dma_start3A_30 = arith.constant 0 : i32
        %dma_start3A_31 = tpu.memref_slice %arg3[%multiple_of3A, %dma_start3A_30] : memref<20224x128xf32, #tpu.memory_space<hbm>> -> memref<128x128xf32, #tpu.memory_space<hbm>>
        tpu.enqueue_dma source(%dma_start3A_31 : memref<128x128xf32, #tpu.memory_space<hbm>>) target(%arg7 : memref<128x128xf32, #tpu.memory_space<vmem>>) target_semaphore(%run_scoped3A : memref<!tpu.dma_semaphore, #tpu.memory_space<semaphore_mem>>)
        %dma_wait3A = arith.constant 0 : i32
        %dma_wait3A_32 = tpu.memref_slice %arg3[%multiple_of3A, %dma_wait3A] : memref<20224x128xf32, #tpu.memory_space<hbm>> -> memref<128x128xf32, #tpu.memory_space<hbm>>
        %dma_wait3A_33 = arith.constant 0 : i32
        %dma_wait3A_34 = tpu.memref_slice %arg3[%multiple_of3A, %dma_wait3A_33] : memref<20224x128xf32, #tpu.memory_space<hbm>> -> memref<128x128xf32, #tpu.memory_space<hbm>>
        tpu.wait_dma2 semaphore(%run_scoped3A : memref<!tpu.dma_semaphore, #tpu.memory_space<semaphore_mem>>) src(%dma_wait3A_34 : memref<128x128xf32, #tpu.memory_space<hbm>>) dst(%arg7 : memref<128x128xf32, #tpu.memory_space<vmem>>)
        tpu.yield
      }) : () -> ()
      %add3A_23 = arith.constant 10112 : i32
      %add3A_24 = arith.addi %add3A_23, %multiple_of3A : i32
      "tpu.region"() ({
        %run_scoped3A = tpu.sem_alloc : memref<!tpu.dma_semaphore, #tpu.memory_space<semaphore_mem>>
        %dma_start3A = arith.constant 0 : i32
        %dma_start3A_29 = tpu.memref_slice %arg3[%add3A_24, %dma_start3A] : memref<20224x128xf32, #tpu.memory_space<hbm>> -> memref<128x128xf32, #tpu.memory_space<hbm>>
        %dma_start3A_30 = arith.constant 0 : i32
        %dma_start3A_31 = tpu.memref_slice %arg3[%add3A_24, %dma_start3A_30] : memref<20224x128xf32, #tpu.memory_space<hbm>> -> memref<128x128xf32, #tpu.memory_space<hbm>>
        tpu.enqueue_dma source(%dma_start3A_31 : memref<128x128xf32, #tpu.memory_space<hbm>>) target(%arg8 : memref<128x128xf32, #tpu.memory_space<vmem>>) target_semaphore(%run_scoped3A : memref<!tpu.dma_semaphore, #tpu.memory_space<semaphore_mem>>)
        %dma_wait3A = arith.constant 0 : i32
        %dma_wait3A_32 = tpu.memref_slice %arg3[%add3A_24, %dma_wait3A] : memref<20224x128xf32, #tpu.memory_space<hbm>> -> memref<128x128xf32, #tpu.memory_space<hbm>>
        %dma_wait3A_33 = arith.constant 0 : i32
        %dma_wait3A_34 = tpu.memref_slice %arg3[%add3A_24, %dma_wait3A_33] : memref<20224x128xf32, #tpu.memory_space<hbm>> -> memref<128x128xf32, #tpu.memory_space<hbm>>
        tpu.wait_dma2 semaphore(%run_scoped3A : memref<!tpu.dma_semaphore, #tpu.memory_space<semaphore_mem>>) src(%dma_wait3A_34 : memref<128x128xf32, #tpu.memory_space<hbm>>) dst(%arg8 : memref<128x128xf32, #tpu.memory_space<vmem>>)
        tpu.yield
      }) : () -> ()
      %scan3A = arith.constant 0 : i32
      %scan3A_25 = arith.constant 128 : i32
      %scan3A_26 = arith.addi %scan3A, %scan3A_25 : i32
      %scan3A_27 = arith.constant 1 : i32
      scf.for %scan3A_29 = %scan3A to %scan3A_26 step %scan3A_27  : i32 {
        %mul3A_30 = arith.constant 1 : i32
        %mul3A_31 = arith.muli %scan3A_29, %mul3A_30 : i32
        %add3A_32 = arith.constant 0 : i32
        %add3A_33 = arith.addi %add3A_32, %mul3A_31 : i32
        %get3A = arith.index_cast %add3A_33 : i32 to index
        %get3A_34 = arith.constant 0 : index
        %get3A_35 = tpu.vector_load %arg7[%get3A, %get3A_34] {strides = array<i32>} : memref<128x128xf32, #tpu.memory_space<vmem>>, vector<16xf32>,
        %get3A_36 = arith.index_cast %add3A_33 : i32 to index
        %get3A_37 = arith.constant 0 : index
        %get3A_38 = tpu.vector_load %arg8[%get3A_36, %get3A_37] {strides = array<i32>} : memref<128x128xf32, #tpu.memory_space<vmem>>, vector<16xf32>,
        %add3A_39 = arith.addf %get3A_35, %get3A_38 : vector<16xf32>
        %gt3A = arith.constant 0.000000e+00 : f32
        %gt3A_40 = vector.broadcast %gt3A : f32 to vector<16xf32>
        %gt3A_41 = arith.cmpf ogt, %add3A_39, %gt3A_40 : vector<16xf32>
        %max3A = arith.constant 1.000000e+00 : f32
        %max3A_42 = vector.broadcast %max3A : f32 to vector<16xf32>
        %max3A_43 = arith.maximumf %add3A_39, %max3A_42 : vector<16xf32>
        %div3A = arith.constant 1.000000e+00 : f32
        %div3A_44 = vector.broadcast %div3A : f32 to vector<16xf32>
        %div3A_45 = arith.divf %div3A_44, %max3A_43 : vector<16xf32>
        %jit3A = arith.constant 0.000000e+00 : f32
        %broadcast_in_dim3A = vector.broadcast %jit3A : f32 to vector<16xf32>
        %select_n3A = arith.select %gt3A_41, %div3A_45, %broadcast_in_dim3A : vector<16xi1>, vector<16xf32>
        %get3A_46 = arith.index_cast %add3A_33 : i32 to index
        %get3A_47 = arith.constant 0 : index
        %get3A_48 = tpu.vector_load %arg5[%get3A_46, %get3A_47] {strides = array<i32>} : memref<128x128xf32, #tpu.memory_space<vmem>>, vector<16xf32>,
        %get3A_49 = arith.index_cast %add3A_33 : i32 to index
        %get3A_50 = arith.constant 0 : index
        %get3A_51 = tpu.vector_load %arg6[%get3A_49, %get3A_50] {strides = array<i32>} : memref<128x128xf32, #tpu.memory_space<vmem>>, vector<16xf32>,
        %add3A_52 = arith.addf %get3A_48, %get3A_51 : vector<16xf32>
        %mul3A_53 = arith.mulf %add3A_52, %select_n3A : vector<16xf32>
        %swap3A = arith.index_cast %add3A_33 : i32 to index
        %swap3A_54 = arith.constant 0 : index
        %swap3A_55 = tpu.vector_load %arg5[%swap3A, %swap3A_54] {strides = array<i32>} : memref<128x128xf32, #tpu.memory_space<vmem>>, vector<16xf32>,
        tpu.vector_store %arg5[%swap3A, %swap3A_54], %mul3A_53 {strides = array<i32>} : memref<128x128xf32, #tpu.memory_space<vmem>>, vector<16xf32>,
        %get3A_56 = arith.index_cast %add3A_33 : i32 to index
        %get3A_57 = arith.constant 16 : index
        %get3A_58 = tpu.vector_load %arg5[%get3A_56, %get3A_57] {strides = array<i32>} : memref<128x128xf32, #tpu.memory_space<vmem>>, vector<16xf32>,
        %get3A_59 = arith.index_cast %add3A_33 : i32 to index
        %get3A_60 = arith.constant 16 : index
        %get3A_61 = tpu.vector_load %arg6[%get3A_59, %get3A_60] {strides = array<i32>} : memref<128x128xf32, #tpu.memory_space<vmem>>, vector<16xf32>,
        %add3A_62 = arith.addf %get3A_58, %get3A_61 : vector<16xf32>
        %mul3A_63 = arith.mulf %add3A_62, %select_n3A : vector<16xf32>
        %swap3A_64 = arith.index_cast %add3A_33 : i32 to index
        %swap3A_65 = arith.constant 16 : index
        %swap3A_66 = tpu.vector_load %arg5[%swap3A_64, %swap3A_65] {strides = array<i32>} : memref<128x128xf32, #tpu.memory_space<vmem>>, vector<16xf32>,
        tpu.vector_store %arg5[%swap3A_64, %swap3A_65], %mul3A_63 {strides = array<i32>} : memref<128x128xf32, #tpu.memory_space<vmem>>, vector<16xf32>,
        %get3A_67 = arith.index_cast %add3A_33 : i32 to index
        %get3A_68 = arith.constant 32 : index
        %get3A_69 = tpu.vector_load %arg5[%get3A_67, %get3A_68] {strides = array<i32>} : memref<128x128xf32, #tpu.memory_space<vmem>>, vector<16xf32>,
        %get3A_70 = arith.index_cast %add3A_33 : i32 to index
        %get3A_71 = arith.constant 32 : index
        %get3A_72 = tpu.vector_load %arg6[%get3A_70, %get3A_71] {strides = array<i32>} : memref<128x128xf32, #tpu.memory_space<vmem>>, vector<16xf32>,
        %add3A_73 = arith.addf %get3A_69, %get3A_72 : vector<16xf32>
        %mul3A_74 = arith.mulf %add3A_73, %select_n3A : vector<16xf32>
        %swap3A_75 = arith.index_cast %add3A_33 : i32 to index
        %swap3A_76 = arith.constant 32 : index
        %swap3A_77 = tpu.vector_load %arg5[%swap3A_75, %swap3A_76] {strides = array<i32>} : memref<128x128xf32, #tpu.memory_space<vmem>>, vector<16xf32>,
        tpu.vector_store %arg5[%swap3A_75, %swap3A_76], %mul3A_74 {strides = array<i32>} : memref<128x128xf32, #tpu.memory_space<vmem>>, vector<16xf32>,
        %get3A_78 = arith.index_cast %add3A_33 : i32 to index
        %get3A_79 = arith.constant 48 : index
        %get3A_80 = tpu.vector_load %arg5[%get3A_78, %get3A_79] {strides = array<i32>} : memref<128x128xf32, #tpu.memory_space<vmem>>, vector<16xf32>,
        %get3A_81 = arith.index_cast %add3A_33 : i32 to index
        %get3A_82 = arith.constant 48 : index
        %get3A_83 = tpu.vector_load %arg6[%get3A_81, %get3A_82] {strides = array<i32>} : memref<128x128xf32, #tpu.memory_space<vmem>>, vector<16xf32>,
        %add3A_84 = arith.addf %get3A_80, %get3A_83 : vector<16xf32>
        %mul3A_85 = arith.mulf %add3A_84, %select_n3A : vector<16xf32>
        %swap3A_86 = arith.index_cast %add3A_33 : i32 to index
        %swap3A_87 = arith.constant 48 : index
        %swap3A_88 = tpu.vector_load %arg5[%swap3A_86, %swap3A_87] {strides = array<i32>} : memref<128x128xf32, #tpu.memory_space<vmem>>, vector<16xf32>,
        tpu.vector_store %arg5[%swap3A_86, %swap3A_87], %mul3A_85 {strides = array<i32>} : memref<128x128xf32, #tpu.memory_space<vmem>>, vector<16xf32>,
        %get3A_89 = arith.index_cast %add3A_33 : i32 to index
        %get3A_90 = arith.constant 64 : index
        %get3A_91 = tpu.vector_load %arg5[%get3A_89, %get3A_90] {strides = array<i32>} : memref<128x128xf32, #tpu.memory_space<vmem>>, vector<16xf32>,
        %get3A_92 = arith.index_cast %add3A_33 : i32 to index
        %get3A_93 = arith.constant 64 : index
        %get3A_94 = tpu.vector_load %arg6[%get3A_92, %get3A_93] {strides = array<i32>} : memref<128x128xf32, #tpu.memory_space<vmem>>, vector<16xf32>,
        %add3A_95 = arith.addf %get3A_91, %get3A_94 : vector<16xf32>
        %mul3A_96 = arith.mulf %add3A_95, %select_n3A : vector<16xf32>
        %swap3A_97 = arith.index_cast %add3A_33 : i32 to index
        %swap3A_98 = arith.constant 64 : index
        %swap3A_99 = tpu.vector_load %arg5[%swap3A_97, %swap3A_98] {strides = array<i32>} : memref<128x128xf32, #tpu.memory_space<vmem>>, vector<16xf32>,
        tpu.vector_store %arg5[%swap3A_97, %swap3A_98], %mul3A_96 {strides = array<i32>} : memref<128x128xf32, #tpu.memory_space<vmem>>, vector<16xf32>,
        %get3A_100 = arith.index_cast %add3A_33 : i32 to index
        %get3A_101 = arith.constant 80 : index
        %get3A_102 = tpu.vector_load %arg5[%get3A_100, %get3A_101] {strides = array<i32>} : memref<128x128xf32, #tpu.memory_space<vmem>>, vector<16xf32>,
        %get3A_103 = arith.index_cast %add3A_33 : i32 to index
        %get3A_104 = arith.constant 80 : index
        %get3A_105 = tpu.vector_load %arg6[%get3A_103, %get3A_104] {strides = array<i32>} : memref<128x128xf32, #tpu.memory_space<vmem>>, vector<16xf32>,
        %add3A_106 = arith.addf %get3A_102, %get3A_105 : vector<16xf32>
        %mul3A_107 = arith.mulf %add3A_106, %select_n3A : vector<16xf32>
        %swap3A_108 = arith.index_cast %add3A_33 : i32 to index
        %swap3A_109 = arith.constant 80 : index
        %swap3A_110 = tpu.vector_load %arg5[%swap3A_108, %swap3A_109] {strides = array<i32>} : memref<128x128xf32, #tpu.memory_space<vmem>>, vector<16xf32>,
        tpu.vector_store %arg5[%swap3A_108, %swap3A_109], %mul3A_107 {strides = array<i32>} : memref<128x128xf32, #tpu.memory_space<vmem>>, vector<16xf32>,
        %get3A_111 = arith.index_cast %add3A_33 : i32 to index
        %get3A_112 = arith.constant 96 : index
        %get3A_113 = tpu.vector_load %arg5[%get3A_111, %get3A_112] {strides = array<i32>} : memref<128x128xf32, #tpu.memory_space<vmem>>, vector<16xf32>,
        %get3A_114 = arith.index_cast %add3A_33 : i32 to index
        %get3A_115 = arith.constant 96 : index
        %get3A_116 = tpu.vector_load %arg6[%get3A_114, %get3A_115] {strides = array<i32>} : memref<128x128xf32, #tpu.memory_space<vmem>>, vector<16xf32>,
        %add3A_117 = arith.addf %get3A_113, %get3A_116 : vector<16xf32>
        %mul3A_118 = arith.mulf %add3A_117, %select_n3A : vector<16xf32>
        %swap3A_119 = arith.index_cast %add3A_33 : i32 to index
        %swap3A_120 = arith.constant 96 : index
        %swap3A_121 = tpu.vector_load %arg5[%swap3A_119, %swap3A_120] {strides = array<i32>} : memref<128x128xf32, #tpu.memory_space<vmem>>, vector<16xf32>,
        tpu.vector_store %arg5[%swap3A_119, %swap3A_120], %mul3A_118 {strides = array<i32>} : memref<128x128xf32, #tpu.memory_space<vmem>>, vector<16xf32>,
        %get3A_122 = arith.index_cast %add3A_33 : i32 to index
        %get3A_123 = arith.constant 112 : index
        %get3A_124 = tpu.vector_load %arg5[%get3A_122, %get3A_123] {strides = array<i32>} : memref<128x128xf32, #tpu.memory_space<vmem>>, vector<16xf32>,
        %get3A_125 = arith.index_cast %add3A_33 : i32 to index
        %get3A_126 = arith.constant 112 : index
        %get3A_127 = tpu.vector_load %arg6[%get3A_125, %get3A_126] {strides = array<i32>} : memref<128x128xf32, #tpu.memory_space<vmem>>, vector<16xf32>,
        %add3A_128 = arith.addf %get3A_124, %get3A_127 : vector<16xf32>
        %mul3A_129 = arith.mulf %add3A_128, %select_n3A : vector<16xf32>
        %swap3A_130 = arith.index_cast %add3A_33 : i32 to index
        %swap3A_131 = arith.constant 112 : index
        %swap3A_132 = tpu.vector_load %arg5[%swap3A_130, %swap3A_131] {strides = array<i32>} : memref<128x128xf32, #tpu.memory_space<vmem>>, vector<16xf32>,
        tpu.vector_store %arg5[%swap3A_130, %swap3A_131], %mul3A_129 {strides = array<i32>} : memref<128x128xf32, #tpu.memory_space<vmem>>, vector<16xf32>,
      }
      %scan3A_28 = arith.constant 128 : i32
      "tpu.region"() ({
        %run_scoped3A = tpu.sem_alloc : memref<!tpu.dma_semaphore, #tpu.memory_space<semaphore_mem>>
        %dma_start3A = arith.constant 0 : i32
        %dma_start3A_29 = tpu.memref_slice %arg4[%multiple_of3A, %dma_start3A] : memref<10112x128xf32, #tpu.memory_space<hbm>> -> memref<128x128xf32, #tpu.memory_space<hbm>>
        %dma_start3A_30 = arith.constant 0 : i32
        %dma_start3A_31 = tpu.memref_slice %arg4[%multiple_of3A, %dma_start3A_30] : memref<10112x128xf32, #tpu.memory_space<hbm>> -> memref<128x128xf32, #tpu.memory_space<hbm>>
        tpu.enqueue_dma source(%arg5 : memref<128x128xf32, #tpu.memory_space<vmem>>) target(%dma_start3A_31 : memref<128x128xf32, #tpu.memory_space<hbm>>) target_semaphore(%run_scoped3A : memref<!tpu.dma_semaphore, #tpu.memory_space<semaphore_mem>>)
        %dma_wait3A = arith.constant 0 : i32
        %dma_wait3A_32 = tpu.memref_slice %arg4[%multiple_of3A, %dma_wait3A] : memref<10112x128xf32, #tpu.memory_space<hbm>> -> memref<128x128xf32, #tpu.memory_space<hbm>>
        %dma_wait3A_33 = arith.constant 0 : i32
        %dma_wait3A_34 = tpu.memref_slice %arg4[%multiple_of3A, %dma_wait3A_33] : memref<10112x128xf32, #tpu.memory_space<hbm>> -> memref<128x128xf32, #tpu.memory_space<hbm>>
        tpu.wait_dma2 semaphore(%run_scoped3A : memref<!tpu.dma_semaphore, #tpu.memory_space<semaphore_mem>>) src(%arg5 : memref<128x128xf32, #tpu.memory_space<vmem>>) dst(%dma_wait3A_34 : memref<128x128xf32, #tpu.memory_space<hbm>>)
        tpu.yield
      }) : () -> ()
    } else {
    }
    %add3A_12 = arith.constant 64 : i32
    %add3A_13 = arith.addi %add3A, %add3A_12 : i32
    %lt3A_14 = arith.constant 79 : i32
    %lt3A_15 = arith.cmpi slt, %add3A_13, %lt3A_14 : i32
    %convert_element_type3A_16 = arith.extui %lt3A_15 : i1 to i32
    %cond3A_17 = arith.constant 0 : i32
    %cond3A_18 = arith.cmpi ne, %convert_element_type3A_16, %cond3A_17 : i32
    scf.if %cond3A_18 {
      %mul3A_19 = arith.constant 128 : i32
      %mul3A_20 = arith.muli %add3A_13, %mul3A_19 : i32
      %multiple_of3A = tpu.assume_multiple %mul3A_20, 8 : i32
      "tpu.region"() ({
        %run_scoped3A = tpu.sem_alloc : memref<!tpu.dma_semaphore, #tpu.memory_space<semaphore_mem>>
        %dma_start3A = arith.constant 0 : i32
        %dma_start3A_29 = tpu.memref_slice %arg2[%multiple_of3A, %dma_start3A] : memref<20224x128xf32, #tpu.memory_space<hbm>> -> memref<128x128xf32, #tpu.memory_space<hbm>>
        %dma_start3A_30 = arith.constant 0 : i32
        %dma_start3A_31 = tpu.memref_slice %arg2[%multiple_of3A, %dma_start3A_30] : memref<20224x128xf32, #tpu.memory_space<hbm>> -> memref<128x128xf32, #tpu.memory_space<hbm>>
        tpu.enqueue_dma source(%dma_start3A_31 : memref<128x128xf32, #tpu.memory_space<hbm>>) target(%arg5 : memref<128x128xf32, #tpu.memory_space<vmem>>) target_semaphore(%run_scoped3A : memref<!tpu.dma_semaphore, #tpu.memory_space<semaphore_mem>>)
        %dma_wait3A = arith.constant 0 : i32
        %dma_wait3A_32 = tpu.memref_slice %arg2[%multiple_of3A, %dma_wait3A] : memref<20224x128xf32, #tpu.memory_space<hbm>> -> memref<128x128xf32, #tpu.memory_space<hbm>>
        %dma_wait3A_33 = arith.constant 0 : i32
        %dma_wait3A_34 = tpu.memref_slice %arg2[%multiple_of3A, %dma_wait3A_33] : memref<20224x128xf32, #tpu.memory_space<hbm>> -> memref<128x128xf32, #tpu.memory_space<hbm>>
        tpu.wait_dma2 semaphore(%run_scoped3A : memref<!tpu.dma_semaphore, #tpu.memory_space<semaphore_mem>>) src(%dma_wait3A_34 : memref<128x128xf32, #tpu.memory_space<hbm>>) dst(%arg5 : memref<128x128xf32, #tpu.memory_space<vmem>>)
        tpu.yield
      }) : () -> ()
      %add3A_21 = arith.constant 10112 : i32
      %add3A_22 = arith.addi %add3A_21, %multiple_of3A : i32
      "tpu.region"() ({
        %run_scoped3A = tpu.sem_alloc : memref<!tpu.dma_semaphore, #tpu.memory_space<semaphore_mem>>
        %dma_start3A = arith.constant 0 : i32
        %dma_start3A_29 = tpu.memref_slice %arg2[%add3A_22, %dma_start3A] : memref<20224x128xf32, #tpu.memory_space<hbm>> -> memref<128x128xf32, #tpu.memory_space<hbm>>
        %dma_start3A_30 = arith.constant 0 : i32
        %dma_start3A_31 = tpu.memref_slice %arg2[%add3A_22, %dma_start3A_30] : memref<20224x128xf32, #tpu.memory_space<hbm>> -> memref<128x128xf32, #tpu.memory_space<hbm>>
        tpu.enqueue_dma source(%dma_start3A_31 : memref<128x128xf32, #tpu.memory_space<hbm>>) target(%arg6 : memref<128x128xf32, #tpu.memory_space<vmem>>) target_semaphore(%run_scoped3A : memref<!tpu.dma_semaphore, #tpu.memory_space<semaphore_mem>>)
        %dma_wait3A = arith.constant 0 : i32
        %dma_wait3A_32 = tpu.memref_slice %arg2[%add3A_22, %dma_wait3A] : memref<20224x128xf32, #tpu.memory_space<hbm>> -> memref<128x128xf32, #tpu.memory_space<hbm>>
        %dma_wait3A_33 = arith.constant 0 : i32
        %dma_wait3A_34 = tpu.memref_slice %arg2[%add3A_22, %dma_wait3A_33] : memref<20224x128xf32, #tpu.memory_space<hbm>> -> memref<128x128xf32, #tpu.memory_space<hbm>>
        tpu.wait_dma2 semaphore(%run_scoped3A : memref<!tpu.dma_semaphore, #tpu.memory_space<semaphore_mem>>) src(%dma_wait3A_34 : memref<128x128xf32, #tpu.memory_space<hbm>>) dst(%arg6 : memref<128x128xf32, #tpu.memory_space<vmem>>)
        tpu.yield
      }) : () -> ()
      "tpu.region"() ({
        %run_scoped3A = tpu.sem_alloc : memref<!tpu.dma_semaphore, #tpu.memory_space<semaphore_mem>>
        %dma_start3A = arith.constant 0 : i32
        %dma_start3A_29 = tpu.memref_slice %arg3[%multiple_of3A, %dma_start3A] : memref<20224x128xf32, #tpu.memory_space<hbm>> -> memref<128x128xf32, #tpu.memory_space<hbm>>
        %dma_start3A_30 = arith.constant 0 : i32
        %dma_start3A_31 = tpu.memref_slice %arg3[%multiple_of3A, %dma_start3A_30] : memref<20224x128xf32, #tpu.memory_space<hbm>> -> memref<128x128xf32, #tpu.memory_space<hbm>>
        tpu.enqueue_dma source(%dma_start3A_31 : memref<128x128xf32, #tpu.memory_space<hbm>>) target(%arg7 : memref<128x128xf32, #tpu.memory_space<vmem>>) target_semaphore(%run_scoped3A : memref<!tpu.dma_semaphore, #tpu.memory_space<semaphore_mem>>)
        %dma_wait3A = arith.constant 0 : i32
        %dma_wait3A_32 = tpu.memref_slice %arg3[%multiple_of3A, %dma_wait3A] : memref<20224x128xf32, #tpu.memory_space<hbm>> -> memref<128x128xf32, #tpu.memory_space<hbm>>
        %dma_wait3A_33 = arith.constant 0 : i32
        %dma_wait3A_34 = tpu.memref_slice %arg3[%multiple_of3A, %dma_wait3A_33] : memref<20224x128xf32, #tpu.memory_space<hbm>> -> memref<128x128xf32, #tpu.memory_space<hbm>>
        tpu.wait_dma2 semaphore(%run_scoped3A : memref<!tpu.dma_semaphore, #tpu.memory_space<semaphore_mem>>) src(%dma_wait3A_34 : memref<128x128xf32, #tpu.memory_space<hbm>>) dst(%arg7 : memref<128x128xf32, #tpu.memory_space<vmem>>)
        tpu.yield
      }) : () -> ()
      %add3A_23 = arith.constant 10112 : i32
      %add3A_24 = arith.addi %add3A_23, %multiple_of3A : i32
      "tpu.region"() ({
        %run_scoped3A = tpu.sem_alloc : memref<!tpu.dma_semaphore, #tpu.memory_space<semaphore_mem>>
        %dma_start3A = arith.constant 0 : i32
        %dma_start3A_29 = tpu.memref_slice %arg3[%add3A_24, %dma_start3A] : memref<20224x128xf32, #tpu.memory_space<hbm>> -> memref<128x128xf32, #tpu.memory_space<hbm>>
        %dma_start3A_30 = arith.constant 0 : i32
        %dma_start3A_31 = tpu.memref_slice %arg3[%add3A_24, %dma_start3A_30] : memref<20224x128xf32, #tpu.memory_space<hbm>> -> memref<128x128xf32, #tpu.memory_space<hbm>>
        tpu.enqueue_dma source(%dma_start3A_31 : memref<128x128xf32, #tpu.memory_space<hbm>>) target(%arg8 : memref<128x128xf32, #tpu.memory_space<vmem>>) target_semaphore(%run_scoped3A : memref<!tpu.dma_semaphore, #tpu.memory_space<semaphore_mem>>)
        %dma_wait3A = arith.constant 0 : i32
        %dma_wait3A_32 = tpu.memref_slice %arg3[%add3A_24, %dma_wait3A] : memref<20224x128xf32, #tpu.memory_space<hbm>> -> memref<128x128xf32, #tpu.memory_space<hbm>>
        %dma_wait3A_33 = arith.constant 0 : i32
        %dma_wait3A_34 = tpu.memref_slice %arg3[%add3A_24, %dma_wait3A_33] : memref<20224x128xf32, #tpu.memory_space<hbm>> -> memref<128x128xf32, #tpu.memory_space<hbm>>
        tpu.wait_dma2 semaphore(%run_scoped3A : memref<!tpu.dma_semaphore, #tpu.memory_space<semaphore_mem>>) src(%dma_wait3A_34 : memref<128x128xf32, #tpu.memory_space<hbm>>) dst(%arg8 : memref<128x128xf32, #tpu.memory_space<vmem>>)
        tpu.yield
      }) : () -> ()
      %scan3A = arith.constant 0 : i32
      %scan3A_25 = arith.constant 128 : i32
      %scan3A_26 = arith.addi %scan3A, %scan3A_25 : i32
      %scan3A_27 = arith.constant 1 : i32
      scf.for %scan3A_29 = %scan3A to %scan3A_26 step %scan3A_27  : i32 {
        %mul3A_30 = arith.constant 1 : i32
        %mul3A_31 = arith.muli %scan3A_29, %mul3A_30 : i32
        %add3A_32 = arith.constant 0 : i32
        %add3A_33 = arith.addi %add3A_32, %mul3A_31 : i32
        %get3A = arith.index_cast %add3A_33 : i32 to index
        %get3A_34 = arith.constant 0 : index
        %get3A_35 = tpu.vector_load %arg7[%get3A, %get3A_34] {strides = array<i32>} : memref<128x128xf32, #tpu.memory_space<vmem>>, vector<16xf32>,
        %get3A_36 = arith.index_cast %add3A_33 : i32 to index
        %get3A_37 = arith.constant 0 : index
        %get3A_38 = tpu.vector_load %arg8[%get3A_36, %get3A_37] {strides = array<i32>} : memref<128x128xf32, #tpu.memory_space<vmem>>, vector<16xf32>,
        %add3A_39 = arith.addf %get3A_35, %get3A_38 : vector<16xf32>
        %gt3A = arith.constant 0.000000e+00 : f32
        %gt3A_40 = vector.broadcast %gt3A : f32 to vector<16xf32>
        %gt3A_41 = arith.cmpf ogt, %add3A_39, %gt3A_40 : vector<16xf32>
        %max3A = arith.constant 1.000000e+00 : f32
        %max3A_42 = vector.broadcast %max3A : f32 to vector<16xf32>
        %max3A_43 = arith.maximumf %add3A_39, %max3A_42 : vector<16xf32>
        %div3A = arith.constant 1.000000e+00 : f32
        %div3A_44 = vector.broadcast %div3A : f32 to vector<16xf32>
        %div3A_45 = arith.divf %div3A_44, %max3A_43 : vector<16xf32>
        %jit3A = arith.constant 0.000000e+00 : f32
        %broadcast_in_dim3A = vector.broadcast %jit3A : f32 to vector<16xf32>
        %select_n3A = arith.select %gt3A_41, %div3A_45, %broadcast_in_dim3A : vector<16xi1>, vector<16xf32>
        %get3A_46 = arith.index_cast %add3A_33 : i32 to index
        %get3A_47 = arith.constant 0 : index
        %get3A_48 = tpu.vector_load %arg5[%get3A_46, %get3A_47] {strides = array<i32>} : memref<128x128xf32, #tpu.memory_space<vmem>>, vector<16xf32>,
        %get3A_49 = arith.index_cast %add3A_33 : i32 to index
        %get3A_50 = arith.constant 0 : index
        %get3A_51 = tpu.vector_load %arg6[%get3A_49, %get3A_50] {strides = array<i32>} : memref<128x128xf32, #tpu.memory_space<vmem>>, vector<16xf32>,
        %add3A_52 = arith.addf %get3A_48, %get3A_51 : vector<16xf32>
        %mul3A_53 = arith.mulf %add3A_52, %select_n3A : vector<16xf32>
        %swap3A = arith.index_cast %add3A_33 : i32 to index
        %swap3A_54 = arith.constant 0 : index
        %swap3A_55 = tpu.vector_load %arg5[%swap3A, %swap3A_54] {strides = array<i32>} : memref<128x128xf32, #tpu.memory_space<vmem>>, vector<16xf32>,
        tpu.vector_store %arg5[%swap3A, %swap3A_54], %mul3A_53 {strides = array<i32>} : memref<128x128xf32, #tpu.memory_space<vmem>>, vector<16xf32>,
        %get3A_56 = arith.index_cast %add3A_33 : i32 to index
        %get3A_57 = arith.constant 16 : index
        %get3A_58 = tpu.vector_load %arg5[%get3A_56, %get3A_57] {strides = array<i32>} : memref<128x128xf32, #tpu.memory_space<vmem>>, vector<16xf32>,
        %get3A_59 = arith.index_cast %add3A_33 : i32 to index
        %get3A_60 = arith.constant 16 : index
        %get3A_61 = tpu.vector_load %arg6[%get3A_59, %get3A_60] {strides = array<i32>} : memref<128x128xf32, #tpu.memory_space<vmem>>, vector<16xf32>,
        %add3A_62 = arith.addf %get3A_58, %get3A_61 : vector<16xf32>
        %mul3A_63 = arith.mulf %add3A_62, %select_n3A : vector<16xf32>
        %swap3A_64 = arith.index_cast %add3A_33 : i32 to index
        %swap3A_65 = arith.constant 16 : index
        %swap3A_66 = tpu.vector_load %arg5[%swap3A_64, %swap3A_65] {strides = array<i32>} : memref<128x128xf32, #tpu.memory_space<vmem>>, vector<16xf32>,
        tpu.vector_store %arg5[%swap3A_64, %swap3A_65], %mul3A_63 {strides = array<i32>} : memref<128x128xf32, #tpu.memory_space<vmem>>, vector<16xf32>,
        %get3A_67 = arith.index_cast %add3A_33 : i32 to index
        %get3A_68 = arith.constant 32 : index
        %get3A_69 = tpu.vector_load %arg5[%get3A_67, %get3A_68] {strides = array<i32>} : memref<128x128xf32, #tpu.memory_space<vmem>>, vector<16xf32>,
        %get3A_70 = arith.index_cast %add3A_33 : i32 to index
        %get3A_71 = arith.constant 32 : index
        %get3A_72 = tpu.vector_load %arg6[%get3A_70, %get3A_71] {strides = array<i32>} : memref<128x128xf32, #tpu.memory_space<vmem>>, vector<16xf32>,
        %add3A_73 = arith.addf %get3A_69, %get3A_72 : vector<16xf32>
        %mul3A_74 = arith.mulf %add3A_73, %select_n3A : vector<16xf32>
        %swap3A_75 = arith.index_cast %add3A_33 : i32 to index
        %swap3A_76 = arith.constant 32 : index
        %swap3A_77 = tpu.vector_load %arg5[%swap3A_75, %swap3A_76] {strides = array<i32>} : memref<128x128xf32, #tpu.memory_space<vmem>>, vector<16xf32>,
        tpu.vector_store %arg5[%swap3A_75, %swap3A_76], %mul3A_74 {strides = array<i32>} : memref<128x128xf32, #tpu.memory_space<vmem>>, vector<16xf32>,
        %get3A_78 = arith.index_cast %add3A_33 : i32 to index
        %get3A_79 = arith.constant 48 : index
        %get3A_80 = tpu.vector_load %arg5[%get3A_78, %get3A_79] {strides = array<i32>} : memref<128x128xf32, #tpu.memory_space<vmem>>, vector<16xf32>,
        %get3A_81 = arith.index_cast %add3A_33 : i32 to index
        %get3A_82 = arith.constant 48 : index
        %get3A_83 = tpu.vector_load %arg6[%get3A_81, %get3A_82] {strides = array<i32>} : memref<128x128xf32, #tpu.memory_space<vmem>>, vector<16xf32>,
        %add3A_84 = arith.addf %get3A_80, %get3A_83 : vector<16xf32>
        %mul3A_85 = arith.mulf %add3A_84, %select_n3A : vector<16xf32>
        %swap3A_86 = arith.index_cast %add3A_33 : i32 to index
        %swap3A_87 = arith.constant 48 : index
        %swap3A_88 = tpu.vector_load %arg5[%swap3A_86, %swap3A_87] {strides = array<i32>} : memref<128x128xf32, #tpu.memory_space<vmem>>, vector<16xf32>,
        tpu.vector_store %arg5[%swap3A_86, %swap3A_87], %mul3A_85 {strides = array<i32>} : memref<128x128xf32, #tpu.memory_space<vmem>>, vector<16xf32>,
        %get3A_89 = arith.index_cast %add3A_33 : i32 to index
        %get3A_90 = arith.constant 64 : index
        %get3A_91 = tpu.vector_load %arg5[%get3A_89, %get3A_90] {strides = array<i32>} : memref<128x128xf32, #tpu.memory_space<vmem>>, vector<16xf32>,
        %get3A_92 = arith.index_cast %add3A_33 : i32 to index
        %get3A_93 = arith.constant 64 : index
        %get3A_94 = tpu.vector_load %arg6[%get3A_92, %get3A_93] {strides = array<i32>} : memref<128x128xf32, #tpu.memory_space<vmem>>, vector<16xf32>,
        %add3A_95 = arith.addf %get3A_91, %get3A_94 : vector<16xf32>
        %mul3A_96 = arith.mulf %add3A_95, %select_n3A : vector<16xf32>
        %swap3A_97 = arith.index_cast %add3A_33 : i32 to index
        %swap3A_98 = arith.constant 64 : index
        %swap3A_99 = tpu.vector_load %arg5[%swap3A_97, %swap3A_98] {strides = array<i32>} : memref<128x128xf32, #tpu.memory_space<vmem>>, vector<16xf32>,
        tpu.vector_store %arg5[%swap3A_97, %swap3A_98], %mul3A_96 {strides = array<i32>} : memref<128x128xf32, #tpu.memory_space<vmem>>, vector<16xf32>,
        %get3A_100 = arith.index_cast %add3A_33 : i32 to index
        %get3A_101 = arith.constant 80 : index
        %get3A_102 = tpu.vector_load %arg5[%get3A_100, %get3A_101] {strides = array<i32>} : memref<128x128xf32, #tpu.memory_space<vmem>>, vector<16xf32>,
        %get3A_103 = arith.index_cast %add3A_33 : i32 to index
        %get3A_104 = arith.constant 80 : index
        %get3A_105 = tpu.vector_load %arg6[%get3A_103, %get3A_104] {strides = array<i32>} : memref<128x128xf32, #tpu.memory_space<vmem>>, vector<16xf32>,
        %add3A_106 = arith.addf %get3A_102, %get3A_105 : vector<16xf32>
        %mul3A_107 = arith.mulf %add3A_106, %select_n3A : vector<16xf32>
        %swap3A_108 = arith.index_cast %add3A_33 : i32 to index
        %swap3A_109 = arith.constant 80 : index
        %swap3A_110 = tpu.vector_load %arg5[%swap3A_108, %swap3A_109] {strides = array<i32>} : memref<128x128xf32, #tpu.memory_space<vmem>>, vector<16xf32>,
        tpu.vector_store %arg5[%swap3A_108, %swap3A_109], %mul3A_107 {strides = array<i32>} : memref<128x128xf32, #tpu.memory_space<vmem>>, vector<16xf32>,
        %get3A_111 = arith.index_cast %add3A_33 : i32 to index
        %get3A_112 = arith.constant 96 : index
        %get3A_113 = tpu.vector_load %arg5[%get3A_111, %get3A_112] {strides = array<i32>} : memref<128x128xf32, #tpu.memory_space<vmem>>, vector<16xf32>,
        %get3A_114 = arith.index_cast %add3A_33 : i32 to index
        %get3A_115 = arith.constant 96 : index
        %get3A_116 = tpu.vector_load %arg6[%get3A_114, %get3A_115] {strides = array<i32>} : memref<128x128xf32, #tpu.memory_space<vmem>>, vector<16xf32>,
        %add3A_117 = arith.addf %get3A_113, %get3A_116 : vector<16xf32>
        %mul3A_118 = arith.mulf %add3A_117, %select_n3A : vector<16xf32>
        %swap3A_119 = arith.index_cast %add3A_33 : i32 to index
        %swap3A_120 = arith.constant 96 : index
        %swap3A_121 = tpu.vector_load %arg5[%swap3A_119, %swap3A_120] {strides = array<i32>} : memref<128x128xf32, #tpu.memory_space<vmem>>, vector<16xf32>,
        tpu.vector_store %arg5[%swap3A_119, %swap3A_120], %mul3A_118 {strides = array<i32>} : memref<128x128xf32, #tpu.memory_space<vmem>>, vector<16xf32>,
        %get3A_122 = arith.index_cast %add3A_33 : i32 to index
        %get3A_123 = arith.constant 112 : index
        %get3A_124 = tpu.vector_load %arg5[%get3A_122, %get3A_123] {strides = array<i32>} : memref<128x128xf32, #tpu.memory_space<vmem>>, vector<16xf32>,
        %get3A_125 = arith.index_cast %add3A_33 : i32 to index
        %get3A_126 = arith.constant 112 : index
        %get3A_127 = tpu.vector_load %arg6[%get3A_125, %get3A_126] {strides = array<i32>} : memref<128x128xf32, #tpu.memory_space<vmem>>, vector<16xf32>,
        %add3A_128 = arith.addf %get3A_124, %get3A_127 : vector<16xf32>
        %mul3A_129 = arith.mulf %add3A_128, %select_n3A : vector<16xf32>
        %swap3A_130 = arith.index_cast %add3A_33 : i32 to index
        %swap3A_131 = arith.constant 112 : index
        %swap3A_132 = tpu.vector_load %arg5[%swap3A_130, %swap3A_131] {strides = array<i32>} : memref<128x128xf32, #tpu.memory_space<vmem>>, vector<16xf32>,
        tpu.vector_store %arg5[%swap3A_130, %swap3A_131], %mul3A_129 {strides = array<i32>} : memref<128x128xf32, #tpu.memory_space<vmem>>, vector<16xf32>,
      }
      %scan3A_28 = arith.constant 128 : i32
      "tpu.region"() ({
        %run_scoped3A = tpu.sem_alloc : memref<!tpu.dma_semaphore, #tpu.memory_space<semaphore_mem>>
        %dma_start3A = arith.constant 0 : i32
        %dma_start3A_29 = tpu.memref_slice %arg4[%multiple_of3A, %dma_start3A] : memref<10112x128xf32, #tpu.memory_space<hbm>> -> memref<128x128xf32, #tpu.memory_space<hbm>>
        %dma_start3A_30 = arith.constant 0 : i32
        %dma_start3A_31 = tpu.memref_slice %arg4[%multiple_of3A, %dma_start3A_30] : memref<10112x128xf32, #tpu.memory_space<hbm>> -> memref<128x128xf32, #tpu.memory_space<hbm>>
        tpu.enqueue_dma source(%arg5 : memref<128x128xf32, #tpu.memory_space<vmem>>) target(%dma_start3A_31 : memref<128x128xf32, #tpu.memory_space<hbm>>) target_semaphore(%run_scoped3A : memref<!tpu.dma_semaphore, #tpu.memory_space<semaphore_mem>>)
        %dma_wait3A = arith.constant 0 : i32
        %dma_wait3A_32 = tpu.memref_slice %arg4[%multiple_of3A, %dma_wait3A] : memref<10112x128xf32, #tpu.memory_space<hbm>> -> memref<128x128xf32, #tpu.memory_space<hbm>>
        %dma_wait3A_33 = arith.constant 0 : i32
        %dma_wait3A_34 = tpu.memref_slice %arg4[%multiple_of3A, %dma_wait3A_33] : memref<10112x128xf32, #tpu.memory_space<hbm>> -> memref<128x128xf32, #tpu.memory_space<hbm>>
        tpu.wait_dma2 semaphore(%run_scoped3A : memref<!tpu.dma_semaphore, #tpu.memory_space<semaphore_mem>>) src(%arg5 : memref<128x128xf32, #tpu.memory_space<vmem>>) dst(%dma_wait3A_34 : memref<128x128xf32, #tpu.memory_space<hbm>>)
        tpu.yield
      }) : () -> ()
    } else {
    }
    return
  }
}

#map = affine_map<(d0, d1) -> (0, 0)>
#map1 = affine_map<(d0, d1) -> (0)>
module attributes {stable_mosaic.version = 14 : i64} {
  func.func @k(%arg0: i32, %arg1: i32, %arg2: memref<10000x128xf32, #tpu.memory_space<hbm>>, %arg3: memref<323584xi32, #tpu.memory_space<hbm>>, %arg4: memref<323584xi32, #tpu.memory_space<hbm>>, %arg5: memref<20224x128xf32, #tpu.memory_space<hbm>>, %arg6: memref<128xi32, #tpu.memory_space<vmem>>, %arg7: memref<128xi32, #tpu.memory_space<vmem>>, %arg8: memref<128x128xf32, #tpu.memory_space<vmem>>, %arg9: memref<10112x128xf32, #tpu.memory_space<vmem_shared>>, %arg10: memref<!tpu.dma_semaphore, #tpu.memory_space<semaphore_mem>>, %arg11: memref<!tpu.dma_semaphore, #tpu.memory_space<semaphore_mem>>, %arg12: memref<!tpu.dma_semaphore, #tpu.memory_space<semaphore_mem>>) attributes {dimension_semantics = [#tpu.dimension_semantics<core_parallel>, #tpu.dimension_semantics<subcore_parallel>], iteration_bounds = array<i64: 2, 16>, scalar_prefetch = 0 : i64, scratch_operands = 7 : i64, tpu.core_type = #tpu.core_type<sc_vector_subcore>, window_params = [{transform_indices = #map}, {transform_indices = #map1}, {transform_indices = #map1}, {transform_indices = #map}]} {
    %mul3A = arith.constant 2 : i32
    %mul3A_0 = arith.muli %arg1, %mul3A : i32
    %add3A = arith.addi %mul3A_0, %arg0 : i32
    %broadcast_in_dim3A = arith.constant 0.000000e+00 : f32
    %broadcast_in_dim3A_1 = vector.broadcast %broadcast_in_dim3A : f32 to vector<16xf32>
    %scan3A = arith.constant 0 : i32
    %scan3A_2 = arith.constant 128 : i32
    %scan3A_3 = arith.addi %scan3A, %scan3A_2 : i32
    %scan3A_4 = arith.constant 1 : i32
    scf.for %scan3A_52 = %scan3A to %scan3A_3 step %scan3A_4  : i32 {
      %mul3A_53 = arith.constant 1 : i32
      %mul3A_54 = arith.muli %scan3A_52, %mul3A_53 : i32
      %add3A_55 = arith.constant 0 : i32
      %add3A_56 = arith.addi %add3A_55, %mul3A_54 : i32
      %swap3A = arith.index_cast %add3A_56 : i32 to index
      %swap3A_57 = arith.constant 0 : index
      %swap3A_58 = tpu.vector_load %arg8[%swap3A, %swap3A_57] {strides = array<i32>} : memref<128x128xf32, #tpu.memory_space<vmem>>, vector<16xf32>,
      tpu.vector_store %arg8[%swap3A, %swap3A_57], %broadcast_in_dim3A_1 {strides = array<i32>} : memref<128x128xf32, #tpu.memory_space<vmem>>, vector<16xf32>,
      %swap3A_59 = arith.index_cast %add3A_56 : i32 to index
      %swap3A_60 = arith.constant 16 : index
      %swap3A_61 = tpu.vector_load %arg8[%swap3A_59, %swap3A_60] {strides = array<i32>} : memref<128x128xf32, #tpu.memory_space<vmem>>, vector<16xf32>,
      tpu.vector_store %arg8[%swap3A_59, %swap3A_60], %broadcast_in_dim3A_1 {strides = array<i32>} : memref<128x128xf32, #tpu.memory_space<vmem>>, vector<16xf32>,
      %swap3A_62 = arith.index_cast %add3A_56 : i32 to index
      %swap3A_63 = arith.constant 32 : index
      %swap3A_64 = tpu.vector_load %arg8[%swap3A_62, %swap3A_63] {strides = array<i32>} : memref<128x128xf32, #tpu.memory_space<vmem>>, vector<16xf32>,
      tpu.vector_store %arg8[%swap3A_62, %swap3A_63], %broadcast_in_dim3A_1 {strides = array<i32>} : memref<128x128xf32, #tpu.memory_space<vmem>>, vector<16xf32>,
      %swap3A_65 = arith.index_cast %add3A_56 : i32 to index
      %swap3A_66 = arith.constant 48 : index
      %swap3A_67 = tpu.vector_load %arg8[%swap3A_65, %swap3A_66] {strides = array<i32>} : memref<128x128xf32, #tpu.memory_space<vmem>>, vector<16xf32>,
      tpu.vector_store %arg8[%swap3A_65, %swap3A_66], %broadcast_in_dim3A_1 {strides = array<i32>} : memref<128x128xf32, #tpu.memory_space<vmem>>, vector<16xf32>,
      %swap3A_68 = arith.index_cast %add3A_56 : i32 to index
      %swap3A_69 = arith.constant 64 : index
      %swap3A_70 = tpu.vector_load %arg8[%swap3A_68, %swap3A_69] {strides = array<i32>} : memref<128x128xf32, #tpu.memory_space<vmem>>, vector<16xf32>,
      tpu.vector_store %arg8[%swap3A_68, %swap3A_69], %broadcast_in_dim3A_1 {strides = array<i32>} : memref<128x128xf32, #tpu.memory_space<vmem>>, vector<16xf32>,
      %swap3A_71 = arith.index_cast %add3A_56 : i32 to index
      %swap3A_72 = arith.constant 80 : index
      %swap3A_73 = tpu.vector_load %arg8[%swap3A_71, %swap3A_72] {strides = array<i32>} : memref<128x128xf32, #tpu.memory_space<vmem>>, vector<16xf32>,
      tpu.vector_store %arg8[%swap3A_71, %swap3A_72], %broadcast_in_dim3A_1 {strides = array<i32>} : memref<128x128xf32, #tpu.memory_space<vmem>>, vector<16xf32>,
      %swap3A_74 = arith.index_cast %add3A_56 : i32 to index
      %swap3A_75 = arith.constant 96 : index
      %swap3A_76 = tpu.vector_load %arg8[%swap3A_74, %swap3A_75] {strides = array<i32>} : memref<128x128xf32, #tpu.memory_space<vmem>>, vector<16xf32>,
      tpu.vector_store %arg8[%swap3A_74, %swap3A_75], %broadcast_in_dim3A_1 {strides = array<i32>} : memref<128x128xf32, #tpu.memory_space<vmem>>, vector<16xf32>,
      %swap3A_77 = arith.index_cast %add3A_56 : i32 to index
      %swap3A_78 = arith.constant 112 : index
      %swap3A_79 = tpu.vector_load %arg8[%swap3A_77, %swap3A_78] {strides = array<i32>} : memref<128x128xf32, #tpu.memory_space<vmem>>, vector<16xf32>,
      tpu.vector_store %arg8[%swap3A_77, %swap3A_78], %broadcast_in_dim3A_1 {strides = array<i32>} : memref<128x128xf32, #tpu.memory_space<vmem>>, vector<16xf32>,
    }
    %scan3A_5 = arith.constant 128 : i32
    %mul3A_6 = arith.constant 632 : i32
    %mul3A_7 = arith.muli %arg1, %mul3A_6 : i32
    %multiple_of3A = tpu.assume_multiple %mul3A_7, 8 : i32
    %add3A_8 = arith.constant 0 : i32
    %add3A_9 = arith.addi %multiple_of3A, %add3A_8 : i32
    "tpu.region"() ({
      %run_scoped3A = tpu.sem_alloc : memref<!tpu.dma_semaphore, #tpu.memory_space<semaphore_mem>>
      %dma_start3A = arith.constant 0 : i32
      %dma_start3A_52 = arith.constant 0 : i32
      %dma_start3A_53 = tpu.memref_slice %arg8[%dma_start3A, %dma_start3A_52] : memref<128x128xf32, #tpu.memory_space<vmem>> -> memref<128x128xf32, #tpu.memory_space<vmem>>
      %dma_start3A_54 = arith.constant 0 : i32
      %dma_start3A_55 = tpu.memref_slice %arg9[%add3A_9, %dma_start3A_54] : memref<10112x128xf32, #tpu.memory_space<vmem_shared>> -> memref<128x128xf32, #tpu.memory_space<vmem_shared>>
      %dma_start3A_56 = arith.constant 0 : i32
      %dma_start3A_57 = tpu.memref_slice %arg9[%add3A_9, %dma_start3A_56] : memref<10112x128xf32, #tpu.memory_space<vmem_shared>> -> memref<128x128xf32, #tpu.memory_space<vmem_shared>>
      %dma_start3A_58 = arith.constant 0 : i32
      %dma_start3A_59 = arith.constant 0 : i32
      %dma_start3A_60 = tpu.memref_slice %arg8[%dma_start3A_58, %dma_start3A_59] : memref<128x128xf32, #tpu.memory_space<vmem>> -> memref<128x128xf32, #tpu.memory_space<vmem>>
      tpu.enqueue_dma source(%dma_start3A_60 : memref<128x128xf32, #tpu.memory_space<vmem>>) target(%dma_start3A_57 : memref<128x128xf32, #tpu.memory_space<vmem_shared>>) target_semaphore(%run_scoped3A : memref<!tpu.dma_semaphore, #tpu.memory_space<semaphore_mem>>)
      %dma_wait3A = arith.constant 0 : i32
      %dma_wait3A_61 = arith.constant 0 : i32
      %dma_wait3A_62 = tpu.memref_slice %arg8[%dma_wait3A, %dma_wait3A_61] : memref<128x128xf32, #tpu.memory_space<vmem>> -> memref<128x128xf32, #tpu.memory_space<vmem>>
      %dma_wait3A_63 = arith.constant 0 : i32
      %dma_wait3A_64 = tpu.memref_slice %arg9[%add3A_9, %dma_wait3A_63] : memref<10112x128xf32, #tpu.memory_space<vmem_shared>> -> memref<128x128xf32, #tpu.memory_space<vmem_shared>>
      %dma_wait3A_65 = arith.constant 0 : i32
      %dma_wait3A_66 = tpu.memref_slice %arg9[%add3A_9, %dma_wait3A_65] : memref<10112x128xf32, #tpu.memory_space<vmem_shared>> -> memref<128x128xf32, #tpu.memory_space<vmem_shared>>
      %dma_wait3A_67 = arith.constant 0 : i32
      %dma_wait3A_68 = arith.constant 0 : i32
      %dma_wait3A_69 = tpu.memref_slice %arg8[%dma_wait3A_67, %dma_wait3A_68] : memref<128x128xf32, #tpu.memory_space<vmem>> -> memref<128x128xf32, #tpu.memory_space<vmem>>
      tpu.wait_dma2 semaphore(%run_scoped3A : memref<!tpu.dma_semaphore, #tpu.memory_space<semaphore_mem>>) src(%dma_wait3A_69 : memref<128x128xf32, #tpu.memory_space<vmem>>) dst(%dma_wait3A_66 : memref<128x128xf32, #tpu.memory_space<vmem_shared>>)
      tpu.yield
    }) : () -> ()
    %add3A_10 = arith.constant 128 : i32
    %add3A_11 = arith.addi %multiple_of3A, %add3A_10 : i32
    "tpu.region"() ({
      %run_scoped3A = tpu.sem_alloc : memref<!tpu.dma_semaphore, #tpu.memory_space<semaphore_mem>>
      %dma_start3A = arith.constant 0 : i32
      %dma_start3A_52 = arith.constant 0 : i32
      %dma_start3A_53 = tpu.memref_slice %arg8[%dma_start3A, %dma_start3A_52] : memref<128x128xf32, #tpu.memory_space<vmem>> -> memref<128x128xf32, #tpu.memory_space<vmem>>
      %dma_start3A_54 = arith.constant 0 : i32
      %dma_start3A_55 = tpu.memref_slice %arg9[%add3A_11, %dma_start3A_54] : memref<10112x128xf32, #tpu.memory_space<vmem_shared>> -> memref<128x128xf32, #tpu.memory_space<vmem_shared>>
      %dma_start3A_56 = arith.constant 0 : i32
      %dma_start3A_57 = tpu.memref_slice %arg9[%add3A_11, %dma_start3A_56] : memref<10112x128xf32, #tpu.memory_space<vmem_shared>> -> memref<128x128xf32, #tpu.memory_space<vmem_shared>>
      %dma_start3A_58 = arith.constant 0 : i32
      %dma_start3A_59 = arith.constant 0 : i32
      %dma_start3A_60 = tpu.memref_slice %arg8[%dma_start3A_58, %dma_start3A_59] : memref<128x128xf32, #tpu.memory_space<vmem>> -> memref<128x128xf32, #tpu.memory_space<vmem>>
      tpu.enqueue_dma source(%dma_start3A_60 : memref<128x128xf32, #tpu.memory_space<vmem>>) target(%dma_start3A_57 : memref<128x128xf32, #tpu.memory_space<vmem_shared>>) target_semaphore(%run_scoped3A : memref<!tpu.dma_semaphore, #tpu.memory_space<semaphore_mem>>)
      %dma_wait3A = arith.constant 0 : i32
      %dma_wait3A_61 = arith.constant 0 : i32
      %dma_wait3A_62 = tpu.memref_slice %arg8[%dma_wait3A, %dma_wait3A_61] : memref<128x128xf32, #tpu.memory_space<vmem>> -> memref<128x128xf32, #tpu.memory_space<vmem>>
      %dma_wait3A_63 = arith.constant 0 : i32
      %dma_wait3A_64 = tpu.memref_slice %arg9[%add3A_11, %dma_wait3A_63] : memref<10112x128xf32, #tpu.memory_space<vmem_shared>> -> memref<128x128xf32, #tpu.memory_space<vmem_shared>>
      %dma_wait3A_65 = arith.constant 0 : i32
      %dma_wait3A_66 = tpu.memref_slice %arg9[%add3A_11, %dma_wait3A_65] : memref<10112x128xf32, #tpu.memory_space<vmem_shared>> -> memref<128x128xf32, #tpu.memory_space<vmem_shared>>
      %dma_wait3A_67 = arith.constant 0 : i32
      %dma_wait3A_68 = arith.constant 0 : i32
      %dma_wait3A_69 = tpu.memref_slice %arg8[%dma_wait3A_67, %dma_wait3A_68] : memref<128x128xf32, #tpu.memory_space<vmem>> -> memref<128x128xf32, #tpu.memory_space<vmem>>
      tpu.wait_dma2 semaphore(%run_scoped3A : memref<!tpu.dma_semaphore, #tpu.memory_space<semaphore_mem>>) src(%dma_wait3A_69 : memref<128x128xf32, #tpu.memory_space<vmem>>) dst(%dma_wait3A_66 : memref<128x128xf32, #tpu.memory_space<vmem_shared>>)
      tpu.yield
    }) : () -> ()
    %add3A_12 = arith.constant 256 : i32
    %add3A_13 = arith.addi %multiple_of3A, %add3A_12 : i32
    "tpu.region"() ({
      %run_scoped3A = tpu.sem_alloc : memref<!tpu.dma_semaphore, #tpu.memory_space<semaphore_mem>>
      %dma_start3A = arith.constant 0 : i32
      %dma_start3A_52 = arith.constant 0 : i32
      %dma_start3A_53 = tpu.memref_slice %arg8[%dma_start3A, %dma_start3A_52] : memref<128x128xf32, #tpu.memory_space<vmem>> -> memref<128x128xf32, #tpu.memory_space<vmem>>
      %dma_start3A_54 = arith.constant 0 : i32
      %dma_start3A_55 = tpu.memref_slice %arg9[%add3A_13, %dma_start3A_54] : memref<10112x128xf32, #tpu.memory_space<vmem_shared>> -> memref<128x128xf32, #tpu.memory_space<vmem_shared>>
      %dma_start3A_56 = arith.constant 0 : i32
      %dma_start3A_57 = tpu.memref_slice %arg9[%add3A_13, %dma_start3A_56] : memref<10112x128xf32, #tpu.memory_space<vmem_shared>> -> memref<128x128xf32, #tpu.memory_space<vmem_shared>>
      %dma_start3A_58 = arith.constant 0 : i32
      %dma_start3A_59 = arith.constant 0 : i32
      %dma_start3A_60 = tpu.memref_slice %arg8[%dma_start3A_58, %dma_start3A_59] : memref<128x128xf32, #tpu.memory_space<vmem>> -> memref<128x128xf32, #tpu.memory_space<vmem>>
      tpu.enqueue_dma source(%dma_start3A_60 : memref<128x128xf32, #tpu.memory_space<vmem>>) target(%dma_start3A_57 : memref<128x128xf32, #tpu.memory_space<vmem_shared>>) target_semaphore(%run_scoped3A : memref<!tpu.dma_semaphore, #tpu.memory_space<semaphore_mem>>)
      %dma_wait3A = arith.constant 0 : i32
      %dma_wait3A_61 = arith.constant 0 : i32
      %dma_wait3A_62 = tpu.memref_slice %arg8[%dma_wait3A, %dma_wait3A_61] : memref<128x128xf32, #tpu.memory_space<vmem>> -> memref<128x128xf32, #tpu.memory_space<vmem>>
      %dma_wait3A_63 = arith.constant 0 : i32
      %dma_wait3A_64 = tpu.memref_slice %arg9[%add3A_13, %dma_wait3A_63] : memref<10112x128xf32, #tpu.memory_space<vmem_shared>> -> memref<128x128xf32, #tpu.memory_space<vmem_shared>>
      %dma_wait3A_65 = arith.constant 0 : i32
      %dma_wait3A_66 = tpu.memref_slice %arg9[%add3A_13, %dma_wait3A_65] : memref<10112x128xf32, #tpu.memory_space<vmem_shared>> -> memref<128x128xf32, #tpu.memory_space<vmem_shared>>
      %dma_wait3A_67 = arith.constant 0 : i32
      %dma_wait3A_68 = arith.constant 0 : i32
      %dma_wait3A_69 = tpu.memref_slice %arg8[%dma_wait3A_67, %dma_wait3A_68] : memref<128x128xf32, #tpu.memory_space<vmem>> -> memref<128x128xf32, #tpu.memory_space<vmem>>
      tpu.wait_dma2 semaphore(%run_scoped3A : memref<!tpu.dma_semaphore, #tpu.memory_space<semaphore_mem>>) src(%dma_wait3A_69 : memref<128x128xf32, #tpu.memory_space<vmem>>) dst(%dma_wait3A_66 : memref<128x128xf32, #tpu.memory_space<vmem_shared>>)
      tpu.yield
    }) : () -> ()
    %add3A_14 = arith.constant 384 : i32
    %add3A_15 = arith.addi %multiple_of3A, %add3A_14 : i32
    "tpu.region"() ({
      %run_scoped3A = tpu.sem_alloc : memref<!tpu.dma_semaphore, #tpu.memory_space<semaphore_mem>>
      %dma_start3A = arith.constant 0 : i32
      %dma_start3A_52 = arith.constant 0 : i32
      %dma_start3A_53 = tpu.memref_slice %arg8[%dma_start3A, %dma_start3A_52] : memref<128x128xf32, #tpu.memory_space<vmem>> -> memref<128x128xf32, #tpu.memory_space<vmem>>
      %dma_start3A_54 = arith.constant 0 : i32
      %dma_start3A_55 = tpu.memref_slice %arg9[%add3A_15, %dma_start3A_54] : memref<10112x128xf32, #tpu.memory_space<vmem_shared>> -> memref<128x128xf32, #tpu.memory_space<vmem_shared>>
      %dma_start3A_56 = arith.constant 0 : i32
      %dma_start3A_57 = tpu.memref_slice %arg9[%add3A_15, %dma_start3A_56] : memref<10112x128xf32, #tpu.memory_space<vmem_shared>> -> memref<128x128xf32, #tpu.memory_space<vmem_shared>>
      %dma_start3A_58 = arith.constant 0 : i32
      %dma_start3A_59 = arith.constant 0 : i32
      %dma_start3A_60 = tpu.memref_slice %arg8[%dma_start3A_58, %dma_start3A_59] : memref<128x128xf32, #tpu.memory_space<vmem>> -> memref<128x128xf32, #tpu.memory_space<vmem>>
      tpu.enqueue_dma source(%dma_start3A_60 : memref<128x128xf32, #tpu.memory_space<vmem>>) target(%dma_start3A_57 : memref<128x128xf32, #tpu.memory_space<vmem_shared>>) target_semaphore(%run_scoped3A : memref<!tpu.dma_semaphore, #tpu.memory_space<semaphore_mem>>)
      %dma_wait3A = arith.constant 0 : i32
      %dma_wait3A_61 = arith.constant 0 : i32
      %dma_wait3A_62 = tpu.memref_slice %arg8[%dma_wait3A, %dma_wait3A_61] : memref<128x128xf32, #tpu.memory_space<vmem>> -> memref<128x128xf32, #tpu.memory_space<vmem>>
      %dma_wait3A_63 = arith.constant 0 : i32
      %dma_wait3A_64 = tpu.memref_slice %arg9[%add3A_15, %dma_wait3A_63] : memref<10112x128xf32, #tpu.memory_space<vmem_shared>> -> memref<128x128xf32, #tpu.memory_space<vmem_shared>>
      %dma_wait3A_65 = arith.constant 0 : i32
      %dma_wait3A_66 = tpu.memref_slice %arg9[%add3A_15, %dma_wait3A_65] : memref<10112x128xf32, #tpu.memory_space<vmem_shared>> -> memref<128x128xf32, #tpu.memory_space<vmem_shared>>
      %dma_wait3A_67 = arith.constant 0 : i32
      %dma_wait3A_68 = arith.constant 0 : i32
      %dma_wait3A_69 = tpu.memref_slice %arg8[%dma_wait3A_67, %dma_wait3A_68] : memref<128x128xf32, #tpu.memory_space<vmem>> -> memref<128x128xf32, #tpu.memory_space<vmem>>
      tpu.wait_dma2 semaphore(%run_scoped3A : memref<!tpu.dma_semaphore, #tpu.memory_space<semaphore_mem>>) src(%dma_wait3A_69 : memref<128x128xf32, #tpu.memory_space<vmem>>) dst(%dma_wait3A_66 : memref<128x128xf32, #tpu.memory_space<vmem_shared>>)
      tpu.yield
    }) : () -> ()
    %add3A_16 = arith.constant 512 : i32
    %add3A_17 = arith.addi %multiple_of3A, %add3A_16 : i32
    "tpu.region"() ({
      %run_scoped3A = tpu.sem_alloc : memref<!tpu.dma_semaphore, #tpu.memory_space<semaphore_mem>>
      %dma_start3A = arith.constant 0 : i32
      %dma_start3A_52 = arith.constant 0 : i32
      %dma_start3A_53 = tpu.memref_slice %arg8[%dma_start3A, %dma_start3A_52] : memref<128x128xf32, #tpu.memory_space<vmem>> -> memref<120x128xf32, #tpu.memory_space<vmem>>
      %dma_start3A_54 = arith.constant 0 : i32
      %dma_start3A_55 = tpu.memref_slice %arg9[%add3A_17, %dma_start3A_54] : memref<10112x128xf32, #tpu.memory_space<vmem_shared>> -> memref<120x128xf32, #tpu.memory_space<vmem_shared>>
      %dma_start3A_56 = arith.constant 0 : i32
      %dma_start3A_57 = tpu.memref_slice %arg9[%add3A_17, %dma_start3A_56] : memref<10112x128xf32, #tpu.memory_space<vmem_shared>> -> memref<120x128xf32, #tpu.memory_space<vmem_shared>>
      %dma_start3A_58 = arith.constant 0 : i32
      %dma_start3A_59 = arith.constant 0 : i32
      %dma_start3A_60 = tpu.memref_slice %arg8[%dma_start3A_58, %dma_start3A_59] : memref<128x128xf32, #tpu.memory_space<vmem>> -> memref<120x128xf32, #tpu.memory_space<vmem>>
      tpu.enqueue_dma source(%dma_start3A_60 : memref<120x128xf32, #tpu.memory_space<vmem>>) target(%dma_start3A_57 : memref<120x128xf32, #tpu.memory_space<vmem_shared>>) target_semaphore(%run_scoped3A : memref<!tpu.dma_semaphore, #tpu.memory_space<semaphore_mem>>)
      %dma_wait3A = arith.constant 0 : i32
      %dma_wait3A_61 = arith.constant 0 : i32
      %dma_wait3A_62 = tpu.memref_slice %arg8[%dma_wait3A, %dma_wait3A_61] : memref<128x128xf32, #tpu.memory_space<vmem>> -> memref<120x128xf32, #tpu.memory_space<vmem>>
      %dma_wait3A_63 = arith.constant 0 : i32
      %dma_wait3A_64 = tpu.memref_slice %arg9[%add3A_17, %dma_wait3A_63] : memref<10112x128xf32, #tpu.memory_space<vmem_shared>> -> memref<120x128xf32, #tpu.memory_space<vmem_shared>>
      %dma_wait3A_65 = arith.constant 0 : i32
      %dma_wait3A_66 = tpu.memref_slice %arg9[%add3A_17, %dma_wait3A_65] : memref<10112x128xf32, #tpu.memory_space<vmem_shared>> -> memref<120x128xf32, #tpu.memory_space<vmem_shared>>
      %dma_wait3A_67 = arith.constant 0 : i32
      %dma_wait3A_68 = arith.constant 0 : i32
      %dma_wait3A_69 = tpu.memref_slice %arg8[%dma_wait3A_67, %dma_wait3A_68] : memref<128x128xf32, #tpu.memory_space<vmem>> -> memref<120x128xf32, #tpu.memory_space<vmem>>
      tpu.wait_dma2 semaphore(%run_scoped3A : memref<!tpu.dma_semaphore, #tpu.memory_space<semaphore_mem>>) src(%dma_wait3A_69 : memref<120x128xf32, #tpu.memory_space<vmem>>) dst(%dma_wait3A_66 : memref<120x128xf32, #tpu.memory_space<vmem_shared>>)
      tpu.yield
    }) : () -> ()
    %barrier3A = arith.constant 0 : index
    tpu.barrier barrier_id(%barrier3A)
    %broadcast_in_dim3A_18 = arith.constant 10104 : i32
    %broadcast_in_dim3A_19 = vector.broadcast %broadcast_in_dim3A_18 : i32 to vector<16xi32>
    %scan3A_20 = arith.constant 0 : i32
    %scan3A_21 = arith.constant 79 : i32
    %scan3A_22 = arith.addi %scan3A_20, %scan3A_21 : i32
    %scan3A_23 = arith.constant 1 : i32
    scf.for %scan3A_52 = %scan3A_20 to %scan3A_22 step %scan3A_23  : i32 {
      %mul3A_53 = arith.constant 1 : i32
      %mul3A_54 = arith.muli %scan3A_52, %mul3A_53 : i32
      %add3A_55 = arith.constant 0 : i32
      %add3A_56 = arith.addi %add3A_55, %mul3A_54 : i32
      %mul3A_57 = arith.constant 10112 : i32
      %mul3A_58 = arith.muli %add3A, %mul3A_57 : i32
      %mul3A_59 = arith.constant 128 : i32
      %mul3A_60 = arith.muli %add3A_56, %mul3A_59 : i32
      %add3A_61 = arith.addi %mul3A_58, %mul3A_60 : i32
      %multiple_of3A_62 = tpu.assume_multiple %add3A_61, 128 : i32
      %dma_start3A = tpu.memref_slice %arg3[%multiple_of3A_62] : memref<323584xi32, #tpu.memory_space<hbm>> -> memref<128xi32, #tpu.memory_space<hbm>>
      %dma_start3A_63 = tpu.memref_slice %arg3[%multiple_of3A_62] : memref<323584xi32, #tpu.memory_space<hbm>> -> memref<128xi32, #tpu.memory_space<hbm>>
      tpu.enqueue_dma source(%dma_start3A_63 : memref<128xi32, #tpu.memory_space<hbm>>) target(%arg6 : memref<128xi32, #tpu.memory_space<vmem>>) target_semaphore(%arg10 : memref<!tpu.dma_semaphore, #tpu.memory_space<semaphore_mem>>)
      %dma_start3A_64 = tpu.memref_slice %arg4[%multiple_of3A_62] : memref<323584xi32, #tpu.memory_space<hbm>> -> memref<128xi32, #tpu.memory_space<hbm>>
      %dma_start3A_65 = tpu.memref_slice %arg4[%multiple_of3A_62] : memref<323584xi32, #tpu.memory_space<hbm>> -> memref<128xi32, #tpu.memory_space<hbm>>
      tpu.enqueue_dma source(%dma_start3A_65 : memref<128xi32, #tpu.memory_space<hbm>>) target(%arg7 : memref<128xi32, #tpu.memory_space<vmem>>) target_semaphore(%arg11 : memref<!tpu.dma_semaphore, #tpu.memory_space<semaphore_mem>>)
      %dma_wait3A = tpu.memref_slice %arg3[%multiple_of3A_62] : memref<323584xi32, #tpu.memory_space<hbm>> -> memref<128xi32, #tpu.memory_space<hbm>>
      %dma_wait3A_66 = tpu.memref_slice %arg3[%multiple_of3A_62] : memref<323584xi32, #tpu.memory_space<hbm>> -> memref<128xi32, #tpu.memory_space<hbm>>
      tpu.wait_dma2 semaphore(%arg10 : memref<!tpu.dma_semaphore, #tpu.memory_space<semaphore_mem>>) src(%dma_wait3A_66 : memref<128xi32, #tpu.memory_space<hbm>>) dst(%arg6 : memref<128xi32, #tpu.memory_space<vmem>>)
      %dma_start3A_67 = arith.constant 0 : i32
      %dma_start3A_68 = arith.constant 0 : i32
      %dma_start3A_69 = tpu.memref_slice %arg2[%dma_start3A_67, %dma_start3A_68] : memref<10000x128xf32, #tpu.memory_space<hbm>> -> memref<10000x128xf32, #tpu.memory_space<hbm>>
      tpu.enqueue_indirect_dma source(%dma_start3A_69 : memref<10000x128xf32, #tpu.memory_space<hbm>>) target(%arg8 : memref<128x128xf32, #tpu.memory_space<vmem>>) offsets(%arg6 : memref<128xi32, #tpu.memory_space<vmem>>) semaphore(%arg12 : memref<!tpu.dma_semaphore, #tpu.memory_space<semaphore_mem>>)
      %dma_wait3A_70 = tpu.memref_slice %arg4[%multiple_of3A_62] : memref<323584xi32, #tpu.memory_space<hbm>> -> memref<128xi32, #tpu.memory_space<hbm>>
      %dma_wait3A_71 = tpu.memref_slice %arg4[%multiple_of3A_62] : memref<323584xi32, #tpu.memory_space<hbm>> -> memref<128xi32, #tpu.memory_space<hbm>>
      tpu.wait_dma2 semaphore(%arg11 : memref<!tpu.dma_semaphore, #tpu.memory_space<semaphore_mem>>) src(%dma_wait3A_71 : memref<128xi32, #tpu.memory_space<hbm>>) dst(%arg7 : memref<128xi32, #tpu.memory_space<vmem>>)
      %get3A = arith.constant 0 : index
      %get3A_72 = tpu.vector_load %arg7[%get3A] {strides = array<i32>} : memref<128xi32, #tpu.memory_space<vmem>>, vector<16xi32>,
      %min3A = arith.minsi %get3A_72, %broadcast_in_dim3A_19 : vector<16xi32>
      %swap3A = arith.constant 0 : index
      %swap3A_73 = tpu.vector_load %arg7[%swap3A] {strides = array<i32>} : memref<128xi32, #tpu.memory_space<vmem>>, vector<16xi32>,
      tpu.vector_store %arg7[%swap3A], %min3A {strides = array<i32>} : memref<128xi32, #tpu.memory_space<vmem>>, vector<16xi32>,
      %get3A_74 = arith.constant 16 : index
      %get3A_75 = tpu.vector_load %arg7[%get3A_74] {strides = array<i32>} : memref<128xi32, #tpu.memory_space<vmem>>, vector<16xi32>,
      %min3A_76 = arith.minsi %get3A_75, %broadcast_in_dim3A_19 : vector<16xi32>
      %swap3A_77 = arith.constant 16 : index
      %swap3A_78 = tpu.vector_load %arg7[%swap3A_77] {strides = array<i32>} : memref<128xi32, #tpu.memory_space<vmem>>, vector<16xi32>,
      tpu.vector_store %arg7[%swap3A_77], %min3A_76 {strides = array<i32>} : memref<128xi32, #tpu.memory_space<vmem>>, vector<16xi32>,
      %get3A_79 = arith.constant 32 : index
      %get3A_80 = tpu.vector_load %arg7[%get3A_79] {strides = array<i32>} : memref<128xi32, #tpu.memory_space<vmem>>, vector<16xi32>,
      %min3A_81 = arith.minsi %get3A_80, %broadcast_in_dim3A_19 : vector<16xi32>
      %swap3A_82 = arith.constant 32 : index
      %swap3A_83 = tpu.vector_load %arg7[%swap3A_82] {strides = array<i32>} : memref<128xi32, #tpu.memory_space<vmem>>, vector<16xi32>,
      tpu.vector_store %arg7[%swap3A_82], %min3A_81 {strides = array<i32>} : memref<128xi32, #tpu.memory_space<vmem>>, vector<16xi32>,
      %get3A_84 = arith.constant 48 : index
      %get3A_85 = tpu.vector_load %arg7[%get3A_84] {strides = array<i32>} : memref<128xi32, #tpu.memory_space<vmem>>, vector<16xi32>,
      %min3A_86 = arith.minsi %get3A_85, %broadcast_in_dim3A_19 : vector<16xi32>
      %swap3A_87 = arith.constant 48 : index
      %swap3A_88 = tpu.vector_load %arg7[%swap3A_87] {strides = array<i32>} : memref<128xi32, #tpu.memory_space<vmem>>, vector<16xi32>,
      tpu.vector_store %arg7[%swap3A_87], %min3A_86 {strides = array<i32>} : memref<128xi32, #tpu.memory_space<vmem>>, vector<16xi32>,
      %get3A_89 = arith.constant 64 : index
      %get3A_90 = tpu.vector_load %arg7[%get3A_89] {strides = array<i32>} : memref<128xi32, #tpu.memory_space<vmem>>, vector<16xi32>,
      %min3A_91 = arith.minsi %get3A_90, %broadcast_in_dim3A_19 : vector<16xi32>
      %swap3A_92 = arith.constant 64 : index
      %swap3A_93 = tpu.vector_load %arg7[%swap3A_92] {strides = array<i32>} : memref<128xi32, #tpu.memory_space<vmem>>, vector<16xi32>,
      tpu.vector_store %arg7[%swap3A_92], %min3A_91 {strides = array<i32>} : memref<128xi32, #tpu.memory_space<vmem>>, vector<16xi32>,
      %get3A_94 = arith.constant 80 : index
      %get3A_95 = tpu.vector_load %arg7[%get3A_94] {strides = array<i32>} : memref<128xi32, #tpu.memory_space<vmem>>, vector<16xi32>,
      %min3A_96 = arith.minsi %get3A_95, %broadcast_in_dim3A_19 : vector<16xi32>
      %swap3A_97 = arith.constant 80 : index
      %swap3A_98 = tpu.vector_load %arg7[%swap3A_97] {strides = array<i32>} : memref<128xi32, #tpu.memory_space<vmem>>, vector<16xi32>,
      tpu.vector_store %arg7[%swap3A_97], %min3A_96 {strides = array<i32>} : memref<128xi32, #tpu.memory_space<vmem>>, vector<16xi32>,
      %get3A_99 = arith.constant 96 : index
      %get3A_100 = tpu.vector_load %arg7[%get3A_99] {strides = array<i32>} : memref<128xi32, #tpu.memory_space<vmem>>, vector<16xi32>,
      %min3A_101 = arith.minsi %get3A_100, %broadcast_in_dim3A_19 : vector<16xi32>
      %swap3A_102 = arith.constant 96 : index
      %swap3A_103 = tpu.vector_load %arg7[%swap3A_102] {strides = array<i32>} : memref<128xi32, #tpu.memory_space<vmem>>, vector<16xi32>,
      tpu.vector_store %arg7[%swap3A_102], %min3A_101 {strides = array<i32>} : memref<128xi32, #tpu.memory_space<vmem>>, vector<16xi32>,
      %get3A_104 = arith.constant 112 : index
      %get3A_105 = tpu.vector_load %arg7[%get3A_104] {strides = array<i32>} : memref<128xi32, #tpu.memory_space<vmem>>, vector<16xi32>,
      %min3A_106 = arith.minsi %get3A_105, %broadcast_in_dim3A_19 : vector<16xi32>
      %swap3A_107 = arith.constant 112 : index
      %swap3A_108 = tpu.vector_load %arg7[%swap3A_107] {strides = array<i32>} : memref<128xi32, #tpu.memory_space<vmem>>, vector<16xi32>,
      tpu.vector_store %arg7[%swap3A_107], %min3A_106 {strides = array<i32>} : memref<128xi32, #tpu.memory_space<vmem>>, vector<16xi32>,
      %dma_wait3A_109 = arith.constant 0 : i32
      %dma_wait3A_110 = arith.constant 0 : i32
      %dma_wait3A_111 = tpu.memref_slice %arg2[%dma_wait3A_109, %dma_wait3A_110] : memref<10000x128xf32, #tpu.memory_space<hbm>> -> memref<10000x128xf32, #tpu.memory_space<hbm>>
      tpu.wait_indirect_dma semaphore(%arg12 : memref<!tpu.dma_semaphore, #tpu.memory_space<semaphore_mem>>) src(%dma_wait3A_111 : memref<10000x128xf32, #tpu.memory_space<hbm>>) dst(%arg8 : memref<128x128xf32, #tpu.memory_space<vmem>>)
      "tpu.region"() ({
        %run_scoped3A = tpu.sem_alloc : memref<!tpu.dma_semaphore, #tpu.memory_space<semaphore_mem>>
        %dma_start3A_112 = arith.constant 0 : i32
        %dma_start3A_113 = arith.constant 0 : i32
        %dma_start3A_114 = tpu.memref_slice %arg9[%dma_start3A_112, %dma_start3A_113] : memref<10112x128xf32, #tpu.memory_space<vmem_shared>> -> memref<10112x128xf32, #tpu.memory_space<vmem_shared>>
        tpu.enqueue_indirect_dma source(%arg8 : memref<128x128xf32, #tpu.memory_space<vmem>>) target(%dma_start3A_114 : memref<10112x128xf32, #tpu.memory_space<vmem_shared>>) offsets(%arg7 : memref<128xi32, #tpu.memory_space<vmem>>) semaphore(%run_scoped3A : memref<!tpu.dma_semaphore, #tpu.memory_space<semaphore_mem>>) {add = true}
        %dma_wait3A_115 = arith.constant 0 : i32
        %dma_wait3A_116 = arith.constant 0 : i32
        %dma_wait3A_117 = tpu.memref_slice %arg9[%dma_wait3A_115, %dma_wait3A_116] : memref<10112x128xf32, #tpu.memory_space<vmem_shared>> -> memref<10112x128xf32, #tpu.memory_space<vmem_shared>>
        tpu.wait_indirect_dma semaphore(%run_scoped3A : memref<!tpu.dma_semaphore, #tpu.memory_space<semaphore_mem>>) src(%arg8 : memref<128x128xf32, #tpu.memory_space<vmem>>) dst(%dma_wait3A_117 : memref<10112x128xf32, #tpu.memory_space<vmem_shared>>)
        tpu.yield
      }) : () -> ()
    }
    %scan3A_24 = arith.constant 79 : i32
    %barrier3A_25 = arith.constant 0 : index
    tpu.barrier barrier_id(%barrier3A_25)
    %mul3A_26 = arith.constant 10112 : i32
    %mul3A_27 = arith.muli %arg0, %mul3A_26 : i32
    %mul3A_28 = arith.constant 632 : i32
    %mul3A_29 = arith.muli %arg1, %mul3A_28 : i32
    %add3A_30 = arith.addi %mul3A_27, %mul3A_29 : i32
    %multiple_of3A_31 = tpu.assume_multiple %add3A_30, 8 : i32
    %add3A_32 = arith.constant 0 : i32
    %add3A_33 = arith.addi %multiple_of3A, %add3A_32 : i32
    "tpu.region"() ({
      %run_scoped3A = tpu.sem_alloc : memref<!tpu.dma_semaphore, #tpu.memory_space<semaphore_mem>>
      %dma_start3A = arith.constant 0 : i32
      %dma_start3A_52 = arith.constant 0 : i32
      %dma_start3A_53 = tpu.memref_slice %arg8[%dma_start3A, %dma_start3A_52] : memref<128x128xf32, #tpu.memory_space<vmem>> -> memref<128x128xf32, #tpu.memory_space<vmem>>
      %dma_start3A_54 = arith.constant 0 : i32
      %dma_start3A_55 = tpu.memref_slice %arg9[%add3A_33, %dma_start3A_54] : memref<10112x128xf32, #tpu.memory_space<vmem_shared>> -> memref<128x128xf32, #tpu.memory_space<vmem_shared>>
      %dma_start3A_56 = arith.constant 0 : i32
      %dma_start3A_57 = arith.constant 0 : i32
      %dma_start3A_58 = tpu.memref_slice %arg8[%dma_start3A_56, %dma_start3A_57] : memref<128x128xf32, #tpu.memory_space<vmem>> -> memref<128x128xf32, #tpu.memory_space<vmem>>
      %dma_start3A_59 = arith.constant 0 : i32
      %dma_start3A_60 = tpu.memref_slice %arg9[%add3A_33, %dma_start3A_59] : memref<10112x128xf32, #tpu.memory_space<vmem_shared>> -> memref<128x128xf32, #tpu.memory_space<vmem_shared>>
      tpu.enqueue_dma source(%dma_start3A_60 : memref<128x128xf32, #tpu.memory_space<vmem_shared>>) target(%dma_start3A_58 : memref<128x128xf32, #tpu.memory_space<vmem>>) target_semaphore(%run_scoped3A : memref<!tpu.dma_semaphore, #tpu.memory_space<semaphore_mem>>)
      %dma_wait3A = arith.constant 0 : i32
      %dma_wait3A_61 = arith.constant 0 : i32
      %dma_wait3A_62 = tpu.memref_slice %arg8[%dma_wait3A, %dma_wait3A_61] : memref<128x128xf32, #tpu.memory_space<vmem>> -> memref<128x128xf32, #tpu.memory_space<vmem>>
      %dma_wait3A_63 = arith.constant 0 : i32
      %dma_wait3A_64 = tpu.memref_slice %arg9[%add3A_33, %dma_wait3A_63] : memref<10112x128xf32, #tpu.memory_space<vmem_shared>> -> memref<128x128xf32, #tpu.memory_space<vmem_shared>>
      %dma_wait3A_65 = arith.constant 0 : i32
      %dma_wait3A_66 = arith.constant 0 : i32
      %dma_wait3A_67 = tpu.memref_slice %arg8[%dma_wait3A_65, %dma_wait3A_66] : memref<128x128xf32, #tpu.memory_space<vmem>> -> memref<128x128xf32, #tpu.memory_space<vmem>>
      %dma_wait3A_68 = arith.constant 0 : i32
      %dma_wait3A_69 = tpu.memref_slice %arg9[%add3A_33, %dma_wait3A_68] : memref<10112x128xf32, #tpu.memory_space<vmem_shared>> -> memref<128x128xf32, #tpu.memory_space<vmem_shared>>
      tpu.wait_dma2 semaphore(%run_scoped3A : memref<!tpu.dma_semaphore, #tpu.memory_space<semaphore_mem>>) src(%dma_wait3A_69 : memref<128x128xf32, #tpu.memory_space<vmem_shared>>) dst(%dma_wait3A_67 : memref<128x128xf32, #tpu.memory_space<vmem>>)
      tpu.yield
    }) : () -> ()
    %add3A_34 = arith.constant 0 : i32
    %add3A_35 = arith.addi %multiple_of3A_31, %add3A_34 : i32
    "tpu.region"() ({
      %run_scoped3A = tpu.sem_alloc : memref<!tpu.dma_semaphore, #tpu.memory_space<semaphore_mem>>
      %dma_start3A = arith.constant 0 : i32
      %dma_start3A_52 = arith.constant 0 : i32
      %dma_start3A_53 = tpu.memref_slice %arg8[%dma_start3A, %dma_start3A_52] : memref<128x128xf32, #tpu.memory_space<vmem>> -> memref<128x128xf32, #tpu.memory_space<vmem>>
      %dma_start3A_54 = arith.constant 0 : i32
      %dma_start3A_55 = tpu.memref_slice %arg5[%add3A_35, %dma_start3A_54] : memref<20224x128xf32, #tpu.memory_space<hbm>> -> memref<128x128xf32, #tpu.memory_space<hbm>>
      %dma_start3A_56 = arith.constant 0 : i32
      %dma_start3A_57 = tpu.memref_slice %arg5[%add3A_35, %dma_start3A_56] : memref<20224x128xf32, #tpu.memory_space<hbm>> -> memref<128x128xf32, #tpu.memory_space<hbm>>
      %dma_start3A_58 = arith.constant 0 : i32
      %dma_start3A_59 = arith.constant 0 : i32
      %dma_start3A_60 = tpu.memref_slice %arg8[%dma_start3A_58, %dma_start3A_59] : memref<128x128xf32, #tpu.memory_space<vmem>> -> memref<128x128xf32, #tpu.memory_space<vmem>>
      tpu.enqueue_dma source(%dma_start3A_60 : memref<128x128xf32, #tpu.memory_space<vmem>>) target(%dma_start3A_57 : memref<128x128xf32, #tpu.memory_space<hbm>>) target_semaphore(%run_scoped3A : memref<!tpu.dma_semaphore, #tpu.memory_space<semaphore_mem>>)
      %dma_wait3A = arith.constant 0 : i32
      %dma_wait3A_61 = arith.constant 0 : i32
      %dma_wait3A_62 = tpu.memref_slice %arg8[%dma_wait3A, %dma_wait3A_61] : memref<128x128xf32, #tpu.memory_space<vmem>> -> memref<128x128xf32, #tpu.memory_space<vmem>>
      %dma_wait3A_63 = arith.constant 0 : i32
      %dma_wait3A_64 = tpu.memref_slice %arg5[%add3A_35, %dma_wait3A_63] : memref<20224x128xf32, #tpu.memory_space<hbm>> -> memref<128x128xf32, #tpu.memory_space<hbm>>
      %dma_wait3A_65 = arith.constant 0 : i32
      %dma_wait3A_66 = tpu.memref_slice %arg5[%add3A_35, %dma_wait3A_65] : memref<20224x128xf32, #tpu.memory_space<hbm>> -> memref<128x128xf32, #tpu.memory_space<hbm>>
      %dma_wait3A_67 = arith.constant 0 : i32
      %dma_wait3A_68 = arith.constant 0 : i32
      %dma_wait3A_69 = tpu.memref_slice %arg8[%dma_wait3A_67, %dma_wait3A_68] : memref<128x128xf32, #tpu.memory_space<vmem>> -> memref<128x128xf32, #tpu.memory_space<vmem>>
      tpu.wait_dma2 semaphore(%run_scoped3A : memref<!tpu.dma_semaphore, #tpu.memory_space<semaphore_mem>>) src(%dma_wait3A_69 : memref<128x128xf32, #tpu.memory_space<vmem>>) dst(%dma_wait3A_66 : memref<128x128xf32, #tpu.memory_space<hbm>>)
      tpu.yield
    }) : () -> ()
    %add3A_36 = arith.constant 128 : i32
    %add3A_37 = arith.addi %multiple_of3A, %add3A_36 : i32
    "tpu.region"() ({
      %run_scoped3A = tpu.sem_alloc : memref<!tpu.dma_semaphore, #tpu.memory_space<semaphore_mem>>
      %dma_start3A = arith.constant 0 : i32
      %dma_start3A_52 = arith.constant 0 : i32
      %dma_start3A_53 = tpu.memref_slice %arg8[%dma_start3A, %dma_start3A_52] : memref<128x128xf32, #tpu.memory_space<vmem>> -> memref<128x128xf32, #tpu.memory_space<vmem>>
      %dma_start3A_54 = arith.constant 0 : i32
      %dma_start3A_55 = tpu.memref_slice %arg9[%add3A_37, %dma_start3A_54] : memref<10112x128xf32, #tpu.memory_space<vmem_shared>> -> memref<128x128xf32, #tpu.memory_space<vmem_shared>>
      %dma_start3A_56 = arith.constant 0 : i32
      %dma_start3A_57 = arith.constant 0 : i32
      %dma_start3A_58 = tpu.memref_slice %arg8[%dma_start3A_56, %dma_start3A_57] : memref<128x128xf32, #tpu.memory_space<vmem>> -> memref<128x128xf32, #tpu.memory_space<vmem>>
      %dma_start3A_59 = arith.constant 0 : i32
      %dma_start3A_60 = tpu.memref_slice %arg9[%add3A_37, %dma_start3A_59] : memref<10112x128xf32, #tpu.memory_space<vmem_shared>> -> memref<128x128xf32, #tpu.memory_space<vmem_shared>>
      tpu.enqueue_dma source(%dma_start3A_60 : memref<128x128xf32, #tpu.memory_space<vmem_shared>>) target(%dma_start3A_58 : memref<128x128xf32, #tpu.memory_space<vmem>>) target_semaphore(%run_scoped3A : memref<!tpu.dma_semaphore, #tpu.memory_space<semaphore_mem>>)
      %dma_wait3A = arith.constant 0 : i32
      %dma_wait3A_61 = arith.constant 0 : i32
      %dma_wait3A_62 = tpu.memref_slice %arg8[%dma_wait3A, %dma_wait3A_61] : memref<128x128xf32, #tpu.memory_space<vmem>> -> memref<128x128xf32, #tpu.memory_space<vmem>>
      %dma_wait3A_63 = arith.constant 0 : i32
      %dma_wait3A_64 = tpu.memref_slice %arg9[%add3A_37, %dma_wait3A_63] : memref<10112x128xf32, #tpu.memory_space<vmem_shared>> -> memref<128x128xf32, #tpu.memory_space<vmem_shared>>
      %dma_wait3A_65 = arith.constant 0 : i32
      %dma_wait3A_66 = arith.constant 0 : i32
      %dma_wait3A_67 = tpu.memref_slice %arg8[%dma_wait3A_65, %dma_wait3A_66] : memref<128x128xf32, #tpu.memory_space<vmem>> -> memref<128x128xf32, #tpu.memory_space<vmem>>
      %dma_wait3A_68 = arith.constant 0 : i32
      %dma_wait3A_69 = tpu.memref_slice %arg9[%add3A_37, %dma_wait3A_68] : memref<10112x128xf32, #tpu.memory_space<vmem_shared>> -> memref<128x128xf32, #tpu.memory_space<vmem_shared>>
      tpu.wait_dma2 semaphore(%run_scoped3A : memref<!tpu.dma_semaphore, #tpu.memory_space<semaphore_mem>>) src(%dma_wait3A_69 : memref<128x128xf32, #tpu.memory_space<vmem_shared>>) dst(%dma_wait3A_67 : memref<128x128xf32, #tpu.memory_space<vmem>>)
      tpu.yield
    }) : () -> ()
    %add3A_38 = arith.constant 128 : i32
    %add3A_39 = arith.addi %multiple_of3A_31, %add3A_38 : i32
    "tpu.region"() ({
      %run_scoped3A = tpu.sem_alloc : memref<!tpu.dma_semaphore, #tpu.memory_space<semaphore_mem>>
      %dma_start3A = arith.constant 0 : i32
      %dma_start3A_52 = arith.constant 0 : i32
      %dma_start3A_53 = tpu.memref_slice %arg8[%dma_start3A, %dma_start3A_52] : memref<128x128xf32, #tpu.memory_space<vmem>> -> memref<128x128xf32, #tpu.memory_space<vmem>>
      %dma_start3A_54 = arith.constant 0 : i32
      %dma_start3A_55 = tpu.memref_slice %arg5[%add3A_39, %dma_start3A_54] : memref<20224x128xf32, #tpu.memory_space<hbm>> -> memref<128x128xf32, #tpu.memory_space<hbm>>
      %dma_start3A_56 = arith.constant 0 : i32
      %dma_start3A_57 = tpu.memref_slice %arg5[%add3A_39, %dma_start3A_56] : memref<20224x128xf32, #tpu.memory_space<hbm>> -> memref<128x128xf32, #tpu.memory_space<hbm>>
      %dma_start3A_58 = arith.constant 0 : i32
      %dma_start3A_59 = arith.constant 0 : i32
      %dma_start3A_60 = tpu.memref_slice %arg8[%dma_start3A_58, %dma_start3A_59] : memref<128x128xf32, #tpu.memory_space<vmem>> -> memref<128x128xf32, #tpu.memory_space<vmem>>
      tpu.enqueue_dma source(%dma_start3A_60 : memref<128x128xf32, #tpu.memory_space<vmem>>) target(%dma_start3A_57 : memref<128x128xf32, #tpu.memory_space<hbm>>) target_semaphore(%run_scoped3A : memref<!tpu.dma_semaphore, #tpu.memory_space<semaphore_mem>>)
      %dma_wait3A = arith.constant 0 : i32
      %dma_wait3A_61 = arith.constant 0 : i32
      %dma_wait3A_62 = tpu.memref_slice %arg8[%dma_wait3A, %dma_wait3A_61] : memref<128x128xf32, #tpu.memory_space<vmem>> -> memref<128x128xf32, #tpu.memory_space<vmem>>
      %dma_wait3A_63 = arith.constant 0 : i32
      %dma_wait3A_64 = tpu.memref_slice %arg5[%add3A_39, %dma_wait3A_63] : memref<20224x128xf32, #tpu.memory_space<hbm>> -> memref<128x128xf32, #tpu.memory_space<hbm>>
      %dma_wait3A_65 = arith.constant 0 : i32
      %dma_wait3A_66 = tpu.memref_slice %arg5[%add3A_39, %dma_wait3A_65] : memref<20224x128xf32, #tpu.memory_space<hbm>> -> memref<128x128xf32, #tpu.memory_space<hbm>>
      %dma_wait3A_67 = arith.constant 0 : i32
      %dma_wait3A_68 = arith.constant 0 : i32
      %dma_wait3A_69 = tpu.memref_slice %arg8[%dma_wait3A_67, %dma_wait3A_68] : memref<128x128xf32, #tpu.memory_space<vmem>> -> memref<128x128xf32, #tpu.memory_space<vmem>>
      tpu.wait_dma2 semaphore(%run_scoped3A : memref<!tpu.dma_semaphore, #tpu.memory_space<semaphore_mem>>) src(%dma_wait3A_69 : memref<128x128xf32, #tpu.memory_space<vmem>>) dst(%dma_wait3A_66 : memref<128x128xf32, #tpu.memory_space<hbm>>)
      tpu.yield
    }) : () -> ()
    %add3A_40 = arith.constant 256 : i32
    %add3A_41 = arith.addi %multiple_of3A, %add3A_40 : i32
    "tpu.region"() ({
      %run_scoped3A = tpu.sem_alloc : memref<!tpu.dma_semaphore, #tpu.memory_space<semaphore_mem>>
      %dma_start3A = arith.constant 0 : i32
      %dma_start3A_52 = arith.constant 0 : i32
      %dma_start3A_53 = tpu.memref_slice %arg8[%dma_start3A, %dma_start3A_52] : memref<128x128xf32, #tpu.memory_space<vmem>> -> memref<128x128xf32, #tpu.memory_space<vmem>>
      %dma_start3A_54 = arith.constant 0 : i32
      %dma_start3A_55 = tpu.memref_slice %arg9[%add3A_41, %dma_start3A_54] : memref<10112x128xf32, #tpu.memory_space<vmem_shared>> -> memref<128x128xf32, #tpu.memory_space<vmem_shared>>
      %dma_start3A_56 = arith.constant 0 : i32
      %dma_start3A_57 = arith.constant 0 : i32
      %dma_start3A_58 = tpu.memref_slice %arg8[%dma_start3A_56, %dma_start3A_57] : memref<128x128xf32, #tpu.memory_space<vmem>> -> memref<128x128xf32, #tpu.memory_space<vmem>>
      %dma_start3A_59 = arith.constant 0 : i32
      %dma_start3A_60 = tpu.memref_slice %arg9[%add3A_41, %dma_start3A_59] : memref<10112x128xf32, #tpu.memory_space<vmem_shared>> -> memref<128x128xf32, #tpu.memory_space<vmem_shared>>
      tpu.enqueue_dma source(%dma_start3A_60 : memref<128x128xf32, #tpu.memory_space<vmem_shared>>) target(%dma_start3A_58 : memref<128x128xf32, #tpu.memory_space<vmem>>) target_semaphore(%run_scoped3A : memref<!tpu.dma_semaphore, #tpu.memory_space<semaphore_mem>>)
      %dma_wait3A = arith.constant 0 : i32
      %dma_wait3A_61 = arith.constant 0 : i32
      %dma_wait3A_62 = tpu.memref_slice %arg8[%dma_wait3A, %dma_wait3A_61] : memref<128x128xf32, #tpu.memory_space<vmem>> -> memref<128x128xf32, #tpu.memory_space<vmem>>
      %dma_wait3A_63 = arith.constant 0 : i32
      %dma_wait3A_64 = tpu.memref_slice %arg9[%add3A_41, %dma_wait3A_63] : memref<10112x128xf32, #tpu.memory_space<vmem_shared>> -> memref<128x128xf32, #tpu.memory_space<vmem_shared>>
      %dma_wait3A_65 = arith.constant 0 : i32
      %dma_wait3A_66 = arith.constant 0 : i32
      %dma_wait3A_67 = tpu.memref_slice %arg8[%dma_wait3A_65, %dma_wait3A_66] : memref<128x128xf32, #tpu.memory_space<vmem>> -> memref<128x128xf32, #tpu.memory_space<vmem>>
      %dma_wait3A_68 = arith.constant 0 : i32
      %dma_wait3A_69 = tpu.memref_slice %arg9[%add3A_41, %dma_wait3A_68] : memref<10112x128xf32, #tpu.memory_space<vmem_shared>> -> memref<128x128xf32, #tpu.memory_space<vmem_shared>>
      tpu.wait_dma2 semaphore(%run_scoped3A : memref<!tpu.dma_semaphore, #tpu.memory_space<semaphore_mem>>) src(%dma_wait3A_69 : memref<128x128xf32, #tpu.memory_space<vmem_shared>>) dst(%dma_wait3A_67 : memref<128x128xf32, #tpu.memory_space<vmem>>)
      tpu.yield
    }) : () -> ()
    %add3A_42 = arith.constant 256 : i32
    %add3A_43 = arith.addi %multiple_of3A_31, %add3A_42 : i32
    "tpu.region"() ({
      %run_scoped3A = tpu.sem_alloc : memref<!tpu.dma_semaphore, #tpu.memory_space<semaphore_mem>>
      %dma_start3A = arith.constant 0 : i32
      %dma_start3A_52 = arith.constant 0 : i32
      %dma_start3A_53 = tpu.memref_slice %arg8[%dma_start3A, %dma_start3A_52] : memref<128x128xf32, #tpu.memory_space<vmem>> -> memref<128x128xf32, #tpu.memory_space<vmem>>
      %dma_start3A_54 = arith.constant 0 : i32
      %dma_start3A_55 = tpu.memref_slice %arg5[%add3A_43, %dma_start3A_54] : memref<20224x128xf32, #tpu.memory_space<hbm>> -> memref<128x128xf32, #tpu.memory_space<hbm>>
      %dma_start3A_56 = arith.constant 0 : i32
      %dma_start3A_57 = tpu.memref_slice %arg5[%add3A_43, %dma_start3A_56] : memref<20224x128xf32, #tpu.memory_space<hbm>> -> memref<128x128xf32, #tpu.memory_space<hbm>>
      %dma_start3A_58 = arith.constant 0 : i32
      %dma_start3A_59 = arith.constant 0 : i32
      %dma_start3A_60 = tpu.memref_slice %arg8[%dma_start3A_58, %dma_start3A_59] : memref<128x128xf32, #tpu.memory_space<vmem>> -> memref<128x128xf32, #tpu.memory_space<vmem>>
      tpu.enqueue_dma source(%dma_start3A_60 : memref<128x128xf32, #tpu.memory_space<vmem>>) target(%dma_start3A_57 : memref<128x128xf32, #tpu.memory_space<hbm>>) target_semaphore(%run_scoped3A : memref<!tpu.dma_semaphore, #tpu.memory_space<semaphore_mem>>)
      %dma_wait3A = arith.constant 0 : i32
      %dma_wait3A_61 = arith.constant 0 : i32
      %dma_wait3A_62 = tpu.memref_slice %arg8[%dma_wait3A, %dma_wait3A_61] : memref<128x128xf32, #tpu.memory_space<vmem>> -> memref<128x128xf32, #tpu.memory_space<vmem>>
      %dma_wait3A_63 = arith.constant 0 : i32
      %dma_wait3A_64 = tpu.memref_slice %arg5[%add3A_43, %dma_wait3A_63] : memref<20224x128xf32, #tpu.memory_space<hbm>> -> memref<128x128xf32, #tpu.memory_space<hbm>>
      %dma_wait3A_65 = arith.constant 0 : i32
      %dma_wait3A_66 = tpu.memref_slice %arg5[%add3A_43, %dma_wait3A_65] : memref<20224x128xf32, #tpu.memory_space<hbm>> -> memref<128x128xf32, #tpu.memory_space<hbm>>
      %dma_wait3A_67 = arith.constant 0 : i32
      %dma_wait3A_68 = arith.constant 0 : i32
      %dma_wait3A_69 = tpu.memref_slice %arg8[%dma_wait3A_67, %dma_wait3A_68] : memref<128x128xf32, #tpu.memory_space<vmem>> -> memref<128x128xf32, #tpu.memory_space<vmem>>
      tpu.wait_dma2 semaphore(%run_scoped3A : memref<!tpu.dma_semaphore, #tpu.memory_space<semaphore_mem>>) src(%dma_wait3A_69 : memref<128x128xf32, #tpu.memory_space<vmem>>) dst(%dma_wait3A_66 : memref<128x128xf32, #tpu.memory_space<hbm>>)
      tpu.yield
    }) : () -> ()
    %add3A_44 = arith.constant 384 : i32
    %add3A_45 = arith.addi %multiple_of3A, %add3A_44 : i32
    "tpu.region"() ({
      %run_scoped3A = tpu.sem_alloc : memref<!tpu.dma_semaphore, #tpu.memory_space<semaphore_mem>>
      %dma_start3A = arith.constant 0 : i32
      %dma_start3A_52 = arith.constant 0 : i32
      %dma_start3A_53 = tpu.memref_slice %arg8[%dma_start3A, %dma_start3A_52] : memref<128x128xf32, #tpu.memory_space<vmem>> -> memref<128x128xf32, #tpu.memory_space<vmem>>
      %dma_start3A_54 = arith.constant 0 : i32
      %dma_start3A_55 = tpu.memref_slice %arg9[%add3A_45, %dma_start3A_54] : memref<10112x128xf32, #tpu.memory_space<vmem_shared>> -> memref<128x128xf32, #tpu.memory_space<vmem_shared>>
      %dma_start3A_56 = arith.constant 0 : i32
      %dma_start3A_57 = arith.constant 0 : i32
      %dma_start3A_58 = tpu.memref_slice %arg8[%dma_start3A_56, %dma_start3A_57] : memref<128x128xf32, #tpu.memory_space<vmem>> -> memref<128x128xf32, #tpu.memory_space<vmem>>
      %dma_start3A_59 = arith.constant 0 : i32
      %dma_start3A_60 = tpu.memref_slice %arg9[%add3A_45, %dma_start3A_59] : memref<10112x128xf32, #tpu.memory_space<vmem_shared>> -> memref<128x128xf32, #tpu.memory_space<vmem_shared>>
      tpu.enqueue_dma source(%dma_start3A_60 : memref<128x128xf32, #tpu.memory_space<vmem_shared>>) target(%dma_start3A_58 : memref<128x128xf32, #tpu.memory_space<vmem>>) target_semaphore(%run_scoped3A : memref<!tpu.dma_semaphore, #tpu.memory_space<semaphore_mem>>)
      %dma_wait3A = arith.constant 0 : i32
      %dma_wait3A_61 = arith.constant 0 : i32
      %dma_wait3A_62 = tpu.memref_slice %arg8[%dma_wait3A, %dma_wait3A_61] : memref<128x128xf32, #tpu.memory_space<vmem>> -> memref<128x128xf32, #tpu.memory_space<vmem>>
      %dma_wait3A_63 = arith.constant 0 : i32
      %dma_wait3A_64 = tpu.memref_slice %arg9[%add3A_45, %dma_wait3A_63] : memref<10112x128xf32, #tpu.memory_space<vmem_shared>> -> memref<128x128xf32, #tpu.memory_space<vmem_shared>>
      %dma_wait3A_65 = arith.constant 0 : i32
      %dma_wait3A_66 = arith.constant 0 : i32
      %dma_wait3A_67 = tpu.memref_slice %arg8[%dma_wait3A_65, %dma_wait3A_66] : memref<128x128xf32, #tpu.memory_space<vmem>> -> memref<128x128xf32, #tpu.memory_space<vmem>>
      %dma_wait3A_68 = arith.constant 0 : i32
      %dma_wait3A_69 = tpu.memref_slice %arg9[%add3A_45, %dma_wait3A_68] : memref<10112x128xf32, #tpu.memory_space<vmem_shared>> -> memref<128x128xf32, #tpu.memory_space<vmem_shared>>
      tpu.wait_dma2 semaphore(%run_scoped3A : memref<!tpu.dma_semaphore, #tpu.memory_space<semaphore_mem>>) src(%dma_wait3A_69 : memref<128x128xf32, #tpu.memory_space<vmem_shared>>) dst(%dma_wait3A_67 : memref<128x128xf32, #tpu.memory_space<vmem>>)
      tpu.yield
    }) : () -> ()
    %add3A_46 = arith.constant 384 : i32
    %add3A_47 = arith.addi %multiple_of3A_31, %add3A_46 : i32
    "tpu.region"() ({
      %run_scoped3A = tpu.sem_alloc : memref<!tpu.dma_semaphore, #tpu.memory_space<semaphore_mem>>
      %dma_start3A = arith.constant 0 : i32
      %dma_start3A_52 = arith.constant 0 : i32
      %dma_start3A_53 = tpu.memref_slice %arg8[%dma_start3A, %dma_start3A_52] : memref<128x128xf32, #tpu.memory_space<vmem>> -> memref<128x128xf32, #tpu.memory_space<vmem>>
      %dma_start3A_54 = arith.constant 0 : i32
      %dma_start3A_55 = tpu.memref_slice %arg5[%add3A_47, %dma_start3A_54] : memref<20224x128xf32, #tpu.memory_space<hbm>> -> memref<128x128xf32, #tpu.memory_space<hbm>>
      %dma_start3A_56 = arith.constant 0 : i32
      %dma_start3A_57 = tpu.memref_slice %arg5[%add3A_47, %dma_start3A_56] : memref<20224x128xf32, #tpu.memory_space<hbm>> -> memref<128x128xf32, #tpu.memory_space<hbm>>
      %dma_start3A_58 = arith.constant 0 : i32
      %dma_start3A_59 = arith.constant 0 : i32
      %dma_start3A_60 = tpu.memref_slice %arg8[%dma_start3A_58, %dma_start3A_59] : memref<128x128xf32, #tpu.memory_space<vmem>> -> memref<128x128xf32, #tpu.memory_space<vmem>>
      tpu.enqueue_dma source(%dma_start3A_60 : memref<128x128xf32, #tpu.memory_space<vmem>>) target(%dma_start3A_57 : memref<128x128xf32, #tpu.memory_space<hbm>>) target_semaphore(%run_scoped3A : memref<!tpu.dma_semaphore, #tpu.memory_space<semaphore_mem>>)
      %dma_wait3A = arith.constant 0 : i32
      %dma_wait3A_61 = arith.constant 0 : i32
      %dma_wait3A_62 = tpu.memref_slice %arg8[%dma_wait3A, %dma_wait3A_61] : memref<128x128xf32, #tpu.memory_space<vmem>> -> memref<128x128xf32, #tpu.memory_space<vmem>>
      %dma_wait3A_63 = arith.constant 0 : i32
      %dma_wait3A_64 = tpu.memref_slice %arg5[%add3A_47, %dma_wait3A_63] : memref<20224x128xf32, #tpu.memory_space<hbm>> -> memref<128x128xf32, #tpu.memory_space<hbm>>
      %dma_wait3A_65 = arith.constant 0 : i32
      %dma_wait3A_66 = tpu.memref_slice %arg5[%add3A_47, %dma_wait3A_65] : memref<20224x128xf32, #tpu.memory_space<hbm>> -> memref<128x128xf32, #tpu.memory_space<hbm>>
      %dma_wait3A_67 = arith.constant 0 : i32
      %dma_wait3A_68 = arith.constant 0 : i32
      %dma_wait3A_69 = tpu.memref_slice %arg8[%dma_wait3A_67, %dma_wait3A_68] : memref<128x128xf32, #tpu.memory_space<vmem>> -> memref<128x128xf32, #tpu.memory_space<vmem>>
      tpu.wait_dma2 semaphore(%run_scoped3A : memref<!tpu.dma_semaphore, #tpu.memory_space<semaphore_mem>>) src(%dma_wait3A_69 : memref<128x128xf32, #tpu.memory_space<vmem>>) dst(%dma_wait3A_66 : memref<128x128xf32, #tpu.memory_space<hbm>>)
      tpu.yield
    }) : () -> ()
    %add3A_48 = arith.constant 512 : i32
    %add3A_49 = arith.addi %multiple_of3A, %add3A_48 : i32
    "tpu.region"() ({
      %run_scoped3A = tpu.sem_alloc : memref<!tpu.dma_semaphore, #tpu.memory_space<semaphore_mem>>
      %dma_start3A = arith.constant 0 : i32
      %dma_start3A_52 = arith.constant 0 : i32
      %dma_start3A_53 = tpu.memref_slice %arg8[%dma_start3A, %dma_start3A_52] : memref<128x128xf32, #tpu.memory_space<vmem>> -> memref<120x128xf32, #tpu.memory_space<vmem>>
      %dma_start3A_54 = arith.constant 0 : i32
      %dma_start3A_55 = tpu.memref_slice %arg9[%add3A_49, %dma_start3A_54] : memref<10112x128xf32, #tpu.memory_space<vmem_shared>> -> memref<120x128xf32, #tpu.memory_space<vmem_shared>>
      %dma_start3A_56 = arith.constant 0 : i32
      %dma_start3A_57 = arith.constant 0 : i32
      %dma_start3A_58 = tpu.memref_slice %arg8[%dma_start3A_56, %dma_start3A_57] : memref<128x128xf32, #tpu.memory_space<vmem>> -> memref<120x128xf32, #tpu.memory_space<vmem>>
      %dma_start3A_59 = arith.constant 0 : i32
      %dma_start3A_60 = tpu.memref_slice %arg9[%add3A_49, %dma_start3A_59] : memref<10112x128xf32, #tpu.memory_space<vmem_shared>> -> memref<120x128xf32, #tpu.memory_space<vmem_shared>>
      tpu.enqueue_dma source(%dma_start3A_60 : memref<120x128xf32, #tpu.memory_space<vmem_shared>>) target(%dma_start3A_58 : memref<120x128xf32, #tpu.memory_space<vmem>>) target_semaphore(%run_scoped3A : memref<!tpu.dma_semaphore, #tpu.memory_space<semaphore_mem>>)
      %dma_wait3A = arith.constant 0 : i32
      %dma_wait3A_61 = arith.constant 0 : i32
      %dma_wait3A_62 = tpu.memref_slice %arg8[%dma_wait3A, %dma_wait3A_61] : memref<128x128xf32, #tpu.memory_space<vmem>> -> memref<120x128xf32, #tpu.memory_space<vmem>>
      %dma_wait3A_63 = arith.constant 0 : i32
      %dma_wait3A_64 = tpu.memref_slice %arg9[%add3A_49, %dma_wait3A_63] : memref<10112x128xf32, #tpu.memory_space<vmem_shared>> -> memref<120x128xf32, #tpu.memory_space<vmem_shared>>
      %dma_wait3A_65 = arith.constant 0 : i32
      %dma_wait3A_66 = arith.constant 0 : i32
      %dma_wait3A_67 = tpu.memref_slice %arg8[%dma_wait3A_65, %dma_wait3A_66] : memref<128x128xf32, #tpu.memory_space<vmem>> -> memref<120x128xf32, #tpu.memory_space<vmem>>
      %dma_wait3A_68 = arith.constant 0 : i32
      %dma_wait3A_69 = tpu.memref_slice %arg9[%add3A_49, %dma_wait3A_68] : memref<10112x128xf32, #tpu.memory_space<vmem_shared>> -> memref<120x128xf32, #tpu.memory_space<vmem_shared>>
      tpu.wait_dma2 semaphore(%run_scoped3A : memref<!tpu.dma_semaphore, #tpu.memory_space<semaphore_mem>>) src(%dma_wait3A_69 : memref<120x128xf32, #tpu.memory_space<vmem_shared>>) dst(%dma_wait3A_67 : memref<120x128xf32, #tpu.memory_space<vmem>>)
      tpu.yield
    }) : () -> ()
    %add3A_50 = arith.constant 512 : i32
    %add3A_51 = arith.addi %multiple_of3A_31, %add3A_50 : i32
    "tpu.region"() ({
      %run_scoped3A = tpu.sem_alloc : memref<!tpu.dma_semaphore, #tpu.memory_space<semaphore_mem>>
      %dma_start3A = arith.constant 0 : i32
      %dma_start3A_52 = arith.constant 0 : i32
      %dma_start3A_53 = tpu.memref_slice %arg8[%dma_start3A, %dma_start3A_52] : memref<128x128xf32, #tpu.memory_space<vmem>> -> memref<120x128xf32, #tpu.memory_space<vmem>>
      %dma_start3A_54 = arith.constant 0 : i32
      %dma_start3A_55 = tpu.memref_slice %arg5[%add3A_51, %dma_start3A_54] : memref<20224x128xf32, #tpu.memory_space<hbm>> -> memref<120x128xf32, #tpu.memory_space<hbm>>
      %dma_start3A_56 = arith.constant 0 : i32
      %dma_start3A_57 = tpu.memref_slice %arg5[%add3A_51, %dma_start3A_56] : memref<20224x128xf32, #tpu.memory_space<hbm>> -> memref<120x128xf32, #tpu.memory_space<hbm>>
      %dma_start3A_58 = arith.constant 0 : i32
      %dma_start3A_59 = arith.constant 0 : i32
      %dma_start3A_60 = tpu.memref_slice %arg8[%dma_start3A_58, %dma_start3A_59] : memref<128x128xf32, #tpu.memory_space<vmem>> -> memref<120x128xf32, #tpu.memory_space<vmem>>
      tpu.enqueue_dma source(%dma_start3A_60 : memref<120x128xf32, #tpu.memory_space<vmem>>) target(%dma_start3A_57 : memref<120x128xf32, #tpu.memory_space<hbm>>) target_semaphore(%run_scoped3A : memref<!tpu.dma_semaphore, #tpu.memory_space<semaphore_mem>>)
      %dma_wait3A = arith.constant 0 : i32
      %dma_wait3A_61 = arith.constant 0 : i32
      %dma_wait3A_62 = tpu.memref_slice %arg8[%dma_wait3A, %dma_wait3A_61] : memref<128x128xf32, #tpu.memory_space<vmem>> -> memref<120x128xf32, #tpu.memory_space<vmem>>
      %dma_wait3A_63 = arith.constant 0 : i32
      %dma_wait3A_64 = tpu.memref_slice %arg5[%add3A_51, %dma_wait3A_63] : memref<20224x128xf32, #tpu.memory_space<hbm>> -> memref<120x128xf32, #tpu.memory_space<hbm>>
      %dma_wait3A_65 = arith.constant 0 : i32
      %dma_wait3A_66 = tpu.memref_slice %arg5[%add3A_51, %dma_wait3A_65] : memref<20224x128xf32, #tpu.memory_space<hbm>> -> memref<120x128xf32, #tpu.memory_space<hbm>>
      %dma_wait3A_67 = arith.constant 0 : i32
      %dma_wait3A_68 = arith.constant 0 : i32
      %dma_wait3A_69 = tpu.memref_slice %arg8[%dma_wait3A_67, %dma_wait3A_68] : memref<128x128xf32, #tpu.memory_space<vmem>> -> memref<120x128xf32, #tpu.memory_space<vmem>>
      tpu.wait_dma2 semaphore(%run_scoped3A : memref<!tpu.dma_semaphore, #tpu.memory_space<semaphore_mem>>) src(%dma_wait3A_69 : memref<120x128xf32, #tpu.memory_space<vmem>>) dst(%dma_wait3A_66 : memref<120x128xf32, #tpu.memory_space<hbm>>)
      tpu.yield
    }) : () -> ()
    return
  }
}

</mosaic_0001>

<sc_bundles>
// kernel: kernel.11.cloned.1.call-start
scs
__scs_entry_jumppad:
0x0: {  	(pc) =	sbr.rel $0x88, $3  }
0x1: {  	(tag) =	ssettag $0x0;
	lr =	simm.s32 $0x1  }
0x2: {  	[smem:$0x3F9E] =	sst lr;
	_ =	strace $0xD0000000  }
0x3: {  	_ = 	snop  }
0x4: {  	_ = 	snop  }
0x5: {  	_ = 	snop  }
0x6: {  	_ = 	snop  }
0x7: {  	_ = 	snop  }
__scs_overlays_trampoline_lowered:
0x8: {  	[smem:$0x3FAD] =	sst s0  }
0x9: {  	[smem:$0x3FAE] =	sst s1  }
0xa: {  	[smem:$0x3FAF] =	sst s2  }
0xb: {  	[smem:$0x3FB0] =	sst s3  }
0xc: {  	[smem:$0x3FB1] =	sst s4  }
0xd: {  	[smem:$0x3FB2] =	sst s5  }
0xe: {  	[smem:$0x3FB3] =	sst s6  }
0xf: {  	[smem:$0x3FB4] =	sst s7  }
0x10: {  	[smem:$0x3FB5] =	sst s8  }
0x11: {  	[smem:$0x3FB6] =	sst s9;
	s0 =	simm.s32 @!p0 $0x0  }
0x12: {  	s1 =	sld [smem:$0x3F9C];
	s0 =	simm.s32 @p0 $0x1  }
0x13: {  	[smem:$0x3FB7] =	sst s0;
	s0 =	simm.s32 @!p1 $0x0  }
0x14: {  	s2 =	sld [smem:$0x3F9B];
	s0 =	simm.s32 @p1 $0x1  }
0x15: {  	[smem:$0x3FB8] =	sst s0;
	s0 =	simm.s32 @!p2 $0x0  }
0x16: {  	s3 =	sld [smem:$0x3FDB];
	s0 =	simm.s32 @p2 $0x1  }
0x17: {  	s4 =	simm.s32 $0x1BF5;
	[smem:$0x3FBA] =	sst s0  }
0x18: {  	s0 =	sld [smem:$0x3F9D];
	_ =	swait.ge [sflag:s4], $0x0  }
0x19: {  	s7 =	sld [smem:$0x3F9E]  }
0x1a: {  	s8 =	sadd.s32 $0xFFFFE003, lr  }
0x1b: {  	s9 =	sadd.s32 $0xFFFFFEF7, lr;
	s5 =	simm.s32 $0xFFFFFFFF;
	p2 =	slt.u32 s8, $0xFFFFF086  }
0x1c: {  	p1 =	slt.u32 s9, $0xF7A;
	s5 =	simm.s32 @!p2 $0x0  }
0x1d: {  	s5 =	simm.s32 @p1 $0x1;
	p0 =	seq.s32 s7, s2  }
0x1e: {  	s7 =	smul.u32 @!p0 $0xF7A, s2;
	p2 =	seq.s32 @!p0 s5, $0x0  }
0x1f: {  	s9 =	smul.u32 $0xF7A, s1;
	s8 =	simm.s32 @!p0 $0x1BF5;
	p2 =	por !p2, p0  }
0x20: {  	[sflag:s8] =	ssyncset.s32 @!p0 $0xFFFFF086;
	s6 =	sadd.s32 @!p0 s3, s7;
	s7 =	simm.s32 @!p0 $0x108  }
0x21: {  	s3 =	sadd.s32 s3, s9;
	s6 =	sadd.s32 @!p0 $0x88, s6;
	s7 =	simm.s32 @p2 $0x1082  }
0x22: {  	[simem:s7], [sflag:s8] =	dma.local @!p0 [hbm:s6], $0xF7A  }
0x23: {  	s9 =	sor.u32 $0xD0000000, s2;
	s6 =	simm.s32 $0x108;
	_ =	swait.ge @!p0 [sflag:s8], $0x0  }
0x24: {  	s3 =	sadd.s32 $0x88, s3;
	s6 =	simm.s32 @!p1 $0x1082;
	[sflag:s4] =	ssyncset.s32 $0xFFFFF086  }
0x25: {  	[simem:s6], [sflag:s4] =	dma.local [hbm:s3], $0xF7A  }
0x26: {  	[smem:$0x3F9E] =	sst s1;
	(tag) =	ssettag s2;
	_ =	strace s9  }
0x27: {  	s1 =	sld [smem:$0x3FAE]  }
0x28: {  	s2 =	sld [smem:$0x3FAF]  }
0x29: {  	s4 =	sld [smem:$0x3FB1]  }
0x2a: {  	p0 =	seq.s32 s5, $0x0;
	s5 =	sld [smem:$0x3FB2]  }
0x2b: {  	s6 =	sld [smem:$0x3FB3]  }
0x2c: {  	s7 =	sld [smem:$0x3FB4]  }
0x2d: {  	s3 =	simm.s32 $0x108;
	s8 =	sld [smem:$0x3FB5]  }
0x2e: {  	s3 =	simm.s32 @!p0 $0x1082;
	s9 =	sld [smem:$0x3FB6]  }
0x2f: {  	lr =	sadd.s32 s0, s3;
	s0 =	sld [smem:$0x3FAD]  }
0x30: {  	s3 =	sld [smem:$0x3FB0]  }
0x31: {  	[smem:$0x3FB9] =	sst s10  }
0x32: {  	s10 =	sld [smem:$0x3FB7];
	_ =	sdelay $0x3  }
0x33: {  	p0 =	seq.s32 s10, $0x1;
	s10 =	sld [smem:$0x3FB9];
	_ =	sdelay $0x3  }
0x34: {  	[smem:$0x3FB9] =	sst s10  }
0x35: {  	s10 =	sld [smem:$0x3FB8];
	_ =	sdelay $0x3  }
0x36: {  	p1 =	seq.s32 s10, $0x1;
	s10 =	sld [smem:$0x3FB9];
	_ =	sdelay $0x3  }
0x37: {  	[smem:$0x3FB9] =	sst s10  }
0x38: {  	s10 =	sld [smem:$0x3FBA]  }
0x39: {  	_ = 	snop;
	(pc) =	sbr.ind lr, $3  }
0x3a: {  	_ = 	snop  }
0x3b: {  	_ = 	snop  }
0x3c: {  	p2 =	seq.s32 s10, $0x1;
	s10 =	sld [smem:$0x3FB9]  }
0x3d: {  	_ =	shalt  }
0x3e: {  	_ =	shalt  }
0x3f: {  	_ =	shalt  }
0x40: {  	_ =	shalt  }
0x41: {  	_ =	shalt  }
0x42: {  	_ =	shalt  }
0x43: {  	_ =	shalt  }
0x44: {  	_ =	shalt  }
0x45: {  	_ =	shalt  }
0x46: {  	_ =	shalt  }
0x47: {  	_ =	shalt  }
0x48: {  	_ =	shalt  }
0x49: {  	_ =	shalt  }
0x4a: {  	_ =	shalt  }
0x4b: {  	_ =	shalt  }
0x4c: {  	_ =	shalt  }
0x4d: {  	_ =	shalt  }
0x4e: {  	_ =	shalt  }
0x4f: {  	_ =	shalt  }
0x50: {  	_ =	shalt  }
0x51: {  	_ =	shalt  }
0x52: {  	_ =	shalt  }
0x53: {  	_ =	shalt  }
0x54: {  	_ =	shalt  }
0x55: {  	_ =	shalt  }
0x56: {  	_ =	shalt  }
0x57: {  	_ =	shalt  }
0x58: {  	_ =	shalt  }
0x59: {  	_ =	shalt  }
0x5a: {  	_ =	shalt  }
0x5b: {  	_ =	shalt  }
0x5c: {  	_ =	shalt  }
0x5d: {  	_ =	shalt  }
0x5e: {  	_ =	shalt  }
0x5f: {  	_ =	shalt  }
0x60: {  	_ =	shalt  }
0x61: {  	_ =	shalt  }
0x62: {  	_ =	shalt  }
0x63: {  	_ =	shalt  }
0x64: {  	_ =	shalt  }
0x65: {  	_ =	shalt  }
0x66: {  	_ =	shalt  }
0x67: {  	_ =	shalt  }
0x68: {  	_ =	shalt  }
0x69: {  	_ =	shalt  }
0x6a: {  	_ =	shalt  }
0x6b: {  	_ =	shalt  }
0x6c: {  	_ =	shalt  }
0x6d: {  	_ =	shalt  }
0x6e: {  	_ =	shalt  }
0x6f: {  	_ =	shalt  }
0x70: {  	_ =	shalt  }
0x71: {  	_ =	shalt  }
0x72: {  	_ =	shalt  }
0x73: {  	_ =	shalt  }
0x74: {  	_ =	shalt  }
0x75: {  	_ =	shalt  }
0x76: {  	_ =	shalt  }
0x77: {  	_ =	shalt  }
0x78: {  	_ =	shalt  }
0x79: {  	_ =	shalt  }
0x7a: {  	_ =	shalt  }
0x7b: {  	_ =	shalt  }
0x7c: {  	_ =	shalt  }
0x7d: {  	_ =	shalt  }
0x7e: {  	_ =	shalt  }
0x7f: {  	_ =	shalt  }
0x80: {  	_ =	shalt  }
0x81: {  	_ =	shalt  }
0x82: {  	_ =	shalt  }
0x83: {  	_ =	shalt  }
0x84: {  	_ =	shalt  }
0x85: {  	_ =	shalt  }
0x86: {  	_ =	shalt  }
0x87: {  	_ =	shalt  }
.Lfunc_end0:
.L_simem_size_0:
called_computation.2_lowered:
.L_overlay_start_0:
0x88: {  	s2 =	sld [smem:$0x3FD9]  }
0x89: {  	s3 =	sld [smem:$0x3FFE];
	_ =	sdelay $0x1  }
0x8a: {  	s1 =	srdreg.scid  }
0x8b: {  	s0 =	sand.u32 $0x1, s1  }
0x8c: {  	s16 =	sshll.u32 s0, $0xA;
	s2 =	sadd.s32 s3, s2  }
0x8d: {  	s2 =	sadd.s32 s2, s16  }
0x8e: {  	[smem:$0x3FC5] =	sst s2  }
0x8f: {  	_ = 	snop  }
0x90: {  	(tm) =	ssettm $0x1  }
0x91: {  	s17 =	sld [smem:$0x3FFB];
	_ =	sdelay $0x3  }
0x92: {  	_ =	strace s17  }
0x93: {  	s2 =	sld [smem:$0x3FFC];
	_ =	sdelay $0x3  }
0x94: {  	_ =	strace s2  }
0x95: {  	s2 =	sld [smem:$0x3FFD];
	_ =	sdelay $0x3  }
0x96: {  	_ =	strace s2  }
0x97: {  	_ =	strace $0x8FFFFFFF  }
0x98: {  	s18 =	sld [smem:$0x3FDB];
	_ =	sdelay $0x1  }
0x99: {  	s19 =	simm.s32 $_scs_section_size  }
0x9a: {  	s4 =	simm.s32 $_size__tile_overlayer_lowered;
	s5 =	simm.s32 $_tile_overlayer_lowered  }
0x9b: {  	s22 =	simm.s32 $0x1BFF;
	s21 =	sshll.u32 s5, $0x1;
	s2 =	sadd.s32 s19, s18  }
0x9c: {  	s6 =	simm.s32 $0x0;
	s20 =	sshll.u32 s4, $0x1;
	s4 =	sadd.s32 s21, s2  }
0x9d: {  	[timem:s6], [sflag:s22] =	dma.local [hbm:s4], s20  }
0x9e: {  	_ =	swait.ge [sflag:s22], s20  }
0x9f: {  	s3 =	ssub.s32 $0x0, s20;
	[sflag:s22] =	ssyncset.done $0x0  }
0xa0: {  	[sflag:s22] =	ssyncadd.s32 s3;
	_ =	sdelay $0x1  }
0xa1: {  	s23 =	simm.s32 $0x1B8B  }
0xa2: {  	_ =	swait.ge [sflag:s23], $0x1  }
0xa3: {  	[sflag:s23] =	ssyncset.done $0x0  }
0xa4: {  	s25 =	simm.s32 $0x1B8E;
	s24 =	sld [smem:$0x3FFE];
	[sflag:s23] =	ssyncadd.s32 $0xFFFFFFFF  }
0xa5: {  	s26 =	simm.s32 $execute0_lowered;
	[smem:$0x3FD2] =	sst s25  }
0xa6: {  	s4 =	sshll.u32 s26, $0x1;
	_ =	strace $0x8000004C;
	[dreg:$0x1] =	wrdreg $0xFFFFFFFF  }
0xa7: {  	s28 =	simm.s32 $_size_execute0_lowered;
	s2 =	sadd.s32 s2, s4;
	[dreg:$0x0] =	wrdreg $0x0  }
0xa8: {  	s4 =	sshll.u32 s28, $0x1;
	[dreg:$0x2] =	wrdreg s2  }
0xa9: {  	[dreg:$0x3] =	wrdreg s4  }
0xaa: {  	[dreg:$0x4] =	wrdreg $0xC0  }
0xab: {  	_ =	task [dreg:s6], $0x5FFFF  }
0xac: {  	[dreg:$0x1] =	wrdreg $0xFFFFFFFF  }
0xad: {  	[dreg:$0x0] =	wrdreg $0x60  }
0xae: {  	[dreg:$0x2] =	wrdreg s24  }
0xaf: {  	[dreg:$0x3] =	wrdreg $0x9  }
0xb0: {  	_ =	task.clear_ibuf [dreg:s6], $0x4FFFF;
	_ =	strace $0x9000004C  }
0xb1: {  	s29 =	simm.s32 $0x9;
	_ =	strace $0x8000004E  }
0xb2: {  	_ =	swait.ge [sflag:s29], $0x1  }
0xb3: {  	[sflag:s29] =	ssyncadd.s32 $0xFFFFFFFF  }
0xb4: {  	_ =	strace $0x9000004E  }
0xb5: {  	_ =	sfence  }
0xb6: {  	s30 =	sld [smem:$0x0];
	_ =	sdelay $0x2  }
0xb7: {  	s31 =	sshll.u32 s1, $0xD;
	s1 =	sshrl.u32 s1, $0x2  }
0xb8: {  	s3 =	sand.u32 $0x4000, s31;
	s1 =	sadd.s32 s1, s30  }
0xb9: {  	s0 =	sor.u32 s3, s0;
	s1 =	sshll.u32 s1, $0x11  }
0xba: {  	s0 =	sor.u32 s1, s0  }
0xbb: {  	s0 =	sadd.s32 $0x8F2B, s0  }
0xbc: {  	[sflag:s0] =	ssyncadd.remote.s32 $0x1  }
0xbd: {  	_ =	sfence.sel $0xFFFF  }
0xbe: {  	[dreg:$0x0] =	wrdreg $0xFFFFFFFF;
	(pc) =	sbr.abs _section_cstart, $3  }
0xbf: {  	[dreg:$0x1] =	wrdreg $0xFFFFFFFF  }
0xc0: {  	_ =	task.clear_ibuf [dreg:s6], $0x2FFFF;
	_ =	strace $0x9FFFFFFF  }
0xc1: {  	(tm) =	ssettm $0x7FFFFFFF  }
tec
execute0_lowered:
.L_overlay_start_1:
0x0: {  	(tag) =	ssettag $0x1  }
0x1: {  	s3 =	rddreg [dreg:$0x0]  }
0x2: {  	s0 =	rddreg [dreg:$0x1];
	s2 =	simm.s32 $0x0  }
0x3: {  	s4 =	srdreg.scid;
	s1 =	stileid.u32;
	s21 =	simm.s32 $0x8000  }
0x4: {  	s22 =	simm.s32 $0xC000;
	[smem:$0x7FF] =	sst s2;
	s4 =	sand.u32 $0x1, s4  }
0x5: {  	s5 =	sshll.u32 s1, $0x1;
	s14 =	sadd.s32 $0xAA00, s3;
	s16 =	sadd.s32 $0x59A00, s3  }
0x6: {  	s17 =	sadd.s32 $0xA8A00, s3;
	s23 =	sor.u32 s4, s5;
	s4 =	ssub.s32 $0x2, s4  }
0x7: {  	_ =	strace $0x8000004D;
	s13 =	sshll.u32 s23, $0xB;
	s31 =	sshrl.u32 s4, $0x1  }
0x8: {  	p0 =	sgt.u32 s23, $0xE;
	s23 =	simm.s32 $0x0;
	s6 =	sadd.s32 $0x27800, s13  }
0x9: {  	s18 =	ssub.s32 s4, s31;
	s3 =	sadd.s32 s14, s13;
	s5 =	sadd.s32 s16, s13  }
0xa: {  	s12 =	sor.u32 $0x10000, s13;
	s7 =	sadd.s32 s17, s13;
	s11 =	sadd.s32 $0x37800, s13  }
0xb: {  	s19 =	sor.u32 $0x20000, s13;
	s20 =	sadd.s32 $0x47800, s13;
	s4 =	sadd.s32 s14, s6  }
.Ltmp0:
0xc: {  	s6 =	sadd.s32 s16, s6;
	s8 =	sadd.s32 s14, s12;
	(pc) =	sbr.rel .LBB2_1-.Ltmp0, $4  }
0xd: {  	s9 =	sadd.s32 s14, s11;
	s10 =	sadd.s32 s16, s12;
	s11 =	sadd.s32 s16, s11  }
0xe: {  	s12 =	sadd.s32 s17, s12;
	s13 =	sadd.s32 s14, s19;
	s14 =	sadd.s32 s14, s20  }
0xf: {  	s15 =	sadd.s32 s16, s19;
	s16 =	sadd.s32 s16, s20;
	s17 =	sadd.s32 s17, s19  }
0x10: {  	s18 =	smax.u32 s18, $0x1;
	s19 =	simm.s32 $0x1;
	s20 =	simm.s32 $0x4000  }
.LBB2_8:
0x11: {  	v47 =	vmax.f32 v6, $1.000000000e+00  }
0x12: {  	v11 =	vld [tilespmem:s24+$0x4050];
	[tilespmem:s25+$0x40] =	vst v8;
	v7 =	vmul.f32 v7, v5;
	(erf) = vrcp.f32 v47  }
0x13: {  	v48 =	vmul.f32 v10, v5;
	v12 =	vld [tilespmem:s24+$0x4060];
	[tilespmem:s25+$0x50] =	vst v9  }
0x14: {  	v49 =	vld [tilespmem:s24+$0x4070];
	[tilespmem:s25+$0x60] =	vst v7  }
0x15: {  	[tilespmem:s25+$0x70] =	vst v48  }
0x16: {  	v5 =	vld [tilespmem:s24+$0x0]  }
0x17: {  	v7 =	vld [tilespmem:s24+$0x10]  }
0x18: {  	v9 =	vld [tilespmem:s24+$0x20]  }
0x19: {  	v50 =	vld [tilespmem:s24+$0x30]  }
0x1a: {  	v13 =	vld [tilespmem:s24+$0x40]  }
0x1b: {  	vm0 =	vgt.f32 v6, $0.0e+00;
	v51 =	vld [tilespmem:s24+$0x50];
	v2 =	vadd.f32 v2, v5;
	v52 =	vpop (erf)  }
0x1c: {  	v53 =	vld [tilespmem:s24+$0x60];
	v0 =	vadd.f32 v0, v7;
	v6 =	vnsel vm0, $0x0, v52  }
0x1d: {  	v54 =	vld [tilespmem:s24+$0x70];
	v1 =	vadd.f32 v1, v9;
	v2 =	vmul.f32 v6, v2  }
0x1e: {  	v3 =	vadd.f32 v3, v50;
	v0 =	vmul.f32 v0, v6  }
0x1f: {  	v55 =	vadd.f32 v4, v13;
	v1 =	vmul.f32 v1, v6;
	[tilespmem:s24+$0x0] =	vst v2  }
0x20: {  	v57 =	vadd.f32 v11, v51;
	v56 =	vmul.f32 v3, v6;
	[tilespmem:s24+$0x10] =	vst v0  }
0x21: {  	v59 =	vadd.f32 v12, v53;
	v58 =	vmul.f32 v55, v6;
	[tilespmem:s24+$0x20] =	vst v1  }
0x22: {  	v61 =	vadd.f32 v49, v54;
	v60 =	vmul.f32 v57, v6;
	[tilespmem:s24+$0x30] =	vst v56  }
0x23: {  	v62 =	vmul.f32 v59, v6;
	[tilespmem:s24+$0x40] =	vst v58  }
0x24: {  	v63 =	vmul.f32 v61, v6;
	[tilespmem:s24+$0x50] =	vst v60  }
0x25: {  	[tilespmem:s24+$0x60] =	vst v62  }
0x26: {  	[tilespmem:s24+$0x70] =	vst v63  }
0x27: {  	[hbm4b:s17+s2] =	stream.linear.scatter [tilespmem:s2], [sflag:$0x1], $0x4000, $0x38;
	[tilespmem:$0x10000] =	vst v63  }
0x28: {  	_ =	swait.ge [sflag:s19], $0x4000  }
0x29: {  	[sflag:s19] =	ssyncset.done $0x0  }
0x2a: {  	[sflag:s19] =	ssyncadd.s32 $0xFFFFC000  }
.LBB2_9:
0x2b: {  	s23 =	sadd.s32 $0x1, s23  }
0x2c: {  	p1 =	sne.s32 s23, s18  }
.Ltmp1:
0x2d: {  	_ = 	snop;
	(pc) =	sbr.rel @!p1 .LBB2_10-.Ltmp1, $1  }
0x2e: {  	_ =	sdelay $0x3  }
.LBB2_1:
0x2f: {  	[tilespmem:s2], [sflag:$0x1] =	stream.linear.gather [hbm4b:s3+s2], $0x4000, $0x38;
	[tilespmem:$0x10000] =	vst v63  }
0x30: {  	_ =	swait.ge [sflag:s19], $0x4000  }
0x31: {  	[sflag:s19] =	ssyncset.done $0x0  }
0x32: {  	[sflag:s19] =	ssyncadd.s32 $0xFFFFC000  }
0x33: {  	[tilespmem:s20], [sflag:$0x1] =	stream.linear.gather [hbm4b:s4+s2], $0x4000, $0x38;
	[tilespmem:$0x10000] =	vst v63  }
0x34: {  	_ =	swait.ge [sflag:s19], $0x4000  }
0x35: {  	[sflag:s19] =	ssyncset.done $0x0  }
0x36: {  	[sflag:s19] =	ssyncadd.s32 $0xFFFFC000  }
0x37: {  	[tilespmem:s21], [sflag:$0x1] =	stream.linear.gather [hbm4b:s5+s2], $0x4000, $0x38;
	[tilespmem:$0x10000] =	vst v63  }
0x38: {  	_ =	swait.ge [sflag:s19], $0x4000  }
0x39: {  	[sflag:s19] =	ssyncset.done $0x0  }
0x3a: {  	[sflag:s19] =	ssyncadd.s32 $0xFFFFC000  }
0x3b: {  	[tilespmem:s22], [sflag:$0x1] =	stream.linear.gather [hbm4b:s6+s2], $0x4000, $0x38;
	[tilespmem:$0x10000] =	vst v63  }
0x3c: {  	_ =	swait.ge [sflag:s19], $0x4000  }
0x3d: {  	[sflag:s19] =	ssyncset.done $0x0  }
0x3e: {  	s25 =	simm.s32 $0x0;
	[sflag:s19] =	ssyncadd.s32 $0xFFFFC000  }
0x3f: {  	v0 =	vld [tilespmem:s25+$0x8000]  }
0x40: {  	v1 =	vld [tilespmem:s25+$0xC000];
	_ =	sdelay $0x1  }
0x41: {  	v2 =	vld [tilespmem:s25+$0x4000]  }
0x42: {  	v3 =	vld [tilespmem:s25+$0x4010]  }
0x43: {  	v4 =	vld [tilespmem:s25+$0x4020]  }
0x44: {  	v6 =	vld [tilespmem:s25+$0x4030];
	v0 =	vadd.f32 v1, v0  }
0x45: {  	v7 =	vld [tilespmem:s25+$0x4040]  }
0x46: {  	v8 =	vld [tilespmem:s25+$0x4050];
	v1 =	vmax.f32 v0, $1.000000000e+00  }
0x47: {  	v9 =	vld [tilespmem:s25+$0x4060];
	(erf) = vrcp.f32 v1  }
0x48: {  	s24 =	simm.s32 $0x80;
	v10 =	vld [tilespmem:s25+$0x4070]  }
0x49: {  	v11 =	vld [tilespmem:s24+$0x8000]  }
0x4a: {  	v12 =	vld [tilespmem:s24+$0xC000]  }
0x4b: {  	v1 =	vld [tilespmem:s25+$0x0]  }
0x4c: {  	v13 =	vld [tilespmem:s25+$0x10]  }
0x4d: {  	v14 =	vld [tilespmem:s25+$0x20]  }
0x4e: {  	v15 =	vld [tilespmem:s25+$0x30]  }
0x4f: {  	v16 =	vld [tilespmem:s25+$0x40]  }
0x50: {  	v17 =	vld [tilespmem:s25+$0x50];
	vm0 =	vgt.f32 v0, $0.0e+00;
	v0 =	vadd.f32 v2, v1;
	v1 =	vpop (erf)  }
0x51: {  	v18 =	vld [tilespmem:s25+$0x60];
	v5 =	vnsel vm0, $0x0, v1;
	v1 =	vadd.f32 v3, v13  }
0x52: {  	v19 =	vld [tilespmem:s25+$0x70];
	v4 =	vadd.f32 v4, v14;
	v3 =	vmul.f32 v5, v0  }
0x53: {  	v6 =	vadd.f32 v6, v15;
	v2 =	vld [tilespmem:s24+$0x4000];
	v13 =	vmul.f32 v1, v5  }
0x54: {  	v7 =	vadd.f32 v7, v16;
	v0 =	vld [tilespmem:s24+$0x4010];
	v4 =	vmul.f32 v4, v5;
	[tilespmem:s25+$0x0] =	vst v3  }
0x55: {  	v63 =	vadd.f32 v8, v17;
	v62 =	vmul.f32 v6, v5;
	v1 =	vld [tilespmem:s24+$0x4020];
	[tilespmem:s25+$0x10] =	vst v13  }
0x56: {  	v6 =	vadd.f32 v12, v11;
	v8 =	vmul.f32 v7, v5;
	v7 =	vadd.f32 v9, v18;
	v3 =	vld [tilespmem:s24+$0x4030];
	[tilespmem:s25+$0x20] =	vst v4  }
0x57: {  	s26 =	simm.s32 $0x400;
	v10 =	vadd.f32 v10, v19;
	v9 =	vmul.f32 v63, v5;
	v4 =	vld [tilespmem:s24+$0x4040];
	[tilespmem:s25+$0x30] =	vst v62  }
.LBB2_2:
0x58: {  	p1 =	sne.s32 s26, $0xFE00;
	v11 =	vmax.f32 v6, $1.000000000e+00;
	v12 =	vld [tilespmem:s24+$0x4050];
	[tilespmem:s25+$0x40] =	vst v8;
	v7 =	vmul.f32 v7, v5  }
0x59: {  	v13 =	vld [tilespmem:s24+$0x4060];
	(erf) = vrcp.f32 v11;
	[tilespmem:s25+$0x50] =	vst v9;
	v5 =	vmul.f32 v10, v5  }
0x5a: {  	s28 =	sshra.s32 s26, $0x2;
	v10 =	vld [tilespmem:s24+$0x4070];
	[tilespmem:s25+$0x60] =	vst v7  }
0x5b: {  	v7 =	vld [tilespmem:s28+$0x8000];
	[tilespmem:s25+$0x70] =	vst v5;
	s25 =	smov.u32 s24;
	s24 =	smov.u32 s28  }
0x5c: {  	v8 =	vld [tilespmem:s24+$0xC000]  }
0x5d: {  	v5 =	vld [tilespmem:s25+$0x0]  }
0x5e: {  	v9 =	vld [tilespmem:s25+$0x10]  }
0x5f: {  	v11 =	vld [tilespmem:s25+$0x20]  }
0x60: {  	v14 =	vld [tilespmem:s25+$0x30]  }
0x61: {  	v15 =	vld [tilespmem:s25+$0x40]  }
0x62: {  	vm0 =	vgt.f32 v6, $0.0e+00;
	v2 =	vadd.f32 v2, v5;
	v6 =	vld [tilespmem:s25+$0x50];
	v5 =	vpop (erf)  }
0x63: {  	v5 =	vnsel vm0, $0x0, v5;
	v0 =	vadd.f32 v0, v9;
	v9 =	vld [tilespmem:s25+$0x60]  }
0x64: {  	v16 =	vmul.f32 v5, v2;
	v1 =	vadd.f32 v1, v11;
	v11 =	vld [tilespmem:s25+$0x70]  }
.Ltmp2:
0x65: {  	v2 =	vld [tilespmem:s24+$0x4000];
	v17 =	vmul.f32 v0, v5;
	v3 =	vadd.f32 v3, v14;
	(pc) =	sbr.rel @p1 .LBB2_2-.Ltmp2, $4  }
0x66: {  	v0 =	vld [tilespmem:s24+$0x4010];
	[tilespmem:s25+$0x0] =	vst v16;
	v14 =	vmul.f32 v1, v5;
	v4 =	vadd.f32 v4, v15  }
0x67: {  	v1 =	vld [tilespmem:s24+$0x4020];
	[tilespmem:s25+$0x10] =	vst v17;
	v15 =	vmul.f32 v3, v5;
	v12 =	vadd.f32 v12, v6  }
0x68: {  	v6 =	vadd.f32 v8, v7;
	v3 =	vld [tilespmem:s24+$0x4030];
	[tilespmem:s25+$0x20] =	vst v14;
	v8 =	vmul.f32 v4, v5;
	v7 =	vadd.f32 v13, v9  }
0x69: {  	s26 =	sadd.s32 $0x200, s26;
	v4 =	vld [tilespmem:s24+$0x4040];
	[tilespmem:s25+$0x30] =	vst v15;
	v9 =	vmul.f32 v12, v5;
	v10 =	vadd.f32 v10, v11  }
0x6a: {  	v11 =	vld [tilespmem:s24+$0x4050];
	[tilespmem:s25+$0x40] =	vst v8;
	v8 =	vmax.f32 v6, $1.000000000e+00  }
0x6b: {  	v7 =	vmul.f32 v7, v5;
	(erf) = vrcp.f32 v8  }
0x6c: {  	v12 =	vld [tilespmem:s24+$0x4060];
	[tilespmem:s25+$0x50] =	vst v9;
	v5 =	vmul.f32 v10, v5  }
0x6d: {  	v8 =	vld [tilespmem:s24+$0x4070];
	[tilespmem:s25+$0x60] =	vst v7  }
0x6e: {  	[tilespmem:s25+$0x70] =	vst v5  }
0x6f: {  	v5 =	vld [tilespmem:s24+$0x0]  }
0x70: {  	v7 =	vld [tilespmem:s24+$0x10]  }
0x71: {  	v9 =	vld [tilespmem:s24+$0x20]  }
0x72: {  	v10 =	vld [tilespmem:s24+$0x30]  }
0x73: {  	v13 =	vld [tilespmem:s24+$0x40]  }
0x74: {  	vm0 =	vgt.f32 v6, $0.0e+00;
	v2 =	vadd.f32 v2, v5;
	v5 =	vld [tilespmem:s24+$0x50];
	v6 =	vpop (erf)  }
0x75: {  	v0 =	vadd.f32 v0, v7;
	v7 =	vld [tilespmem:s24+$0x60];
	v6 =	vnsel vm0, $0x0, v6  }
0x76: {  	v1 =	vadd.f32 v1, v9;
	v9 =	vld [tilespmem:s24+$0x70];
	v2 =	vmul.f32 v6, v2  }
0x77: {  	v3 =	vadd.f32 v3, v10;
	v0 =	vmul.f32 v0, v6  }
0x78: {  	v1 =	vmul.f32 v1, v6;
	[tilespmem:s24+$0x0] =	vst v2;
	v2 =	vadd.f32 v4, v13  }
0x79: {  	[tilespmem:s24+$0x10] =	vst v0;
	v0 =	vmul.f32 v3, v6;
	v3 =	vadd.f32 v11, v5  }
0x7a: {  	[tilespmem:s24+$0x20] =	vst v1;
	v1 =	vmul.f32 v2, v6;
	v2 =	vadd.f32 v12, v7  }
0x7b: {  	[tilespmem:s24+$0x30] =	vst v0;
	v0 =	vmul.f32 v3, v6;
	v3 =	vadd.f32 v8, v9  }
0x7c: {  	[tilespmem:s24+$0x40] =	vst v1;
	v1 =	vmul.f32 v2, v6  }
0x7d: {  	[tilespmem:s24+$0x50] =	vst v0;
	v0 =	vmul.f32 v3, v6  }
0x7e: {  	[tilespmem:s24+$0x60] =	vst v1  }
0x7f: {  	s31 =	simm.s32 $0x0;
	[tilespmem:s24+$0x70] =	vst v0  }
0x80: {  	[hbm4b:s7+s31] =	stream.linear.scatter [tilespmem:s31], [sflag:$0x1], $0x4000, $0x38;
	[tilespmem:$0x10000] =	vst v63  }
0x81: {  	_ =	swait.ge [sflag:s19], $0x4000  }
0x82: {  	[sflag:s19] =	ssyncset.done $0x0  }
0x83: {  	[sflag:s19] =	ssyncadd.s32 $0xFFFFC000  }
0x84: {  	[tilespmem:s31], [sflag:$0x1] =	stream.linear.gather [hbm4b:s8+s31], $0x4000, $0x38;
	[tilespmem:$0x10000] =	vst v63  }
0x85: {  	_ =	swait.ge [sflag:s19], $0x4000  }
0x86: {  	[sflag:s19] =	ssyncset.done $0x0  }
0x87: {  	[sflag:s19] =	ssyncadd.s32 $0xFFFFC000  }
0x88: {  	[tilespmem:s20], [sflag:$0x1] =	stream.linear.gather [hbm4b:s9+s31], $0x4000, $0x38;
	[tilespmem:$0x10000] =	vst v63  }
0x89: {  	_ =	swait.ge [sflag:s19], $0x4000  }
0x8a: {  	[sflag:s19] =	ssyncset.done $0x0  }
0x8b: {  	[sflag:s19] =	ssyncadd.s32 $0xFFFFC000  }
0x8c: {  	[tilespmem:s21], [sflag:$0x1] =	stream.linear.gather [hbm4b:s10+s31], $0x4000, $0x38;
	[tilespmem:$0x10000] =	vst v63  }
0x8d: {  	_ =	swait.ge [sflag:s19], $0x4000  }
0x8e: {  	[sflag:s19] =	ssyncset.done $0x0  }
0x8f: {  	[sflag:s19] =	ssyncadd.s32 $0xFFFFC000  }
0x90: {  	[tilespmem:s22], [sflag:$0x1] =	stream.linear.gather [hbm4b:s11+s31], $0x4000, $0x38;
	[tilespmem:$0x10000] =	vst v63  }
0x91: {  	_ =	swait.ge [sflag:s19], $0x4000  }
0x92: {  	[sflag:s19] =	ssyncset.done $0x0  }
0x93: {  	s25 =	simm.s32 $0x0;
	[sflag:s19] =	ssyncadd.s32 $0xFFFFC000  }
0x94: {  	v0 =	vld [tilespmem:s25+$0x8000]  }
0x95: {  	v1 =	vld [tilespmem:s25+$0xC000];
	_ =	sdelay $0x1  }
0x96: {  	v2 =	vld [tilespmem:s25+$0x4000]  }
0x97: {  	v3 =	vld [tilespmem:s25+$0x4010]  }
0x98: {  	v4 =	vld [tilespmem:s25+$0x4020]  }
0x99: {  	v6 =	vld [tilespmem:s25+$0x4030];
	v0 =	vadd.f32 v1, v0  }
0x9a: {  	v7 =	vld [tilespmem:s25+$0x4040]  }
0x9b: {  	v8 =	vld [tilespmem:s25+$0x4050];
	v1 =	vmax.f32 v0, $1.000000000e+00  }
0x9c: {  	v9 =	vld [tilespmem:s25+$0x4060];
	(erf) = vrcp.f32 v1  }
0x9d: {  	s24 =	simm.s32 $0x80;
	v10 =	vld [tilespmem:s25+$0x4070]  }
0x9e: {  	v11 =	vld [tilespmem:s24+$0x8000]  }
0x9f: {  	v60 =	vld [tilespmem:s24+$0xC000]  }
0xa0: {  	v1 =	vld [tilespmem:s25+$0x0]  }
0xa1: {  	v61 =	vld [tilespmem:s25+$0x10]  }
0xa2: {  	v14 =	vld [tilespmem:s25+$0x20]  }
0xa3: {  	v15 =	vld [tilespmem:s25+$0x30]  }
0xa4: {  	v16 =	vld [tilespmem:s25+$0x40]  }
0xa5: {  	v17 =	vld [tilespmem:s25+$0x50];
	vm15 =	vgt.f32 v0, $0.0e+00;
	v0 =	vadd.f32 v2, v1;
	v1 =	vpop (erf)  }
0xa6: {  	v18 =	vld [tilespmem:s25+$0x60];
	v5 =	vnsel vm15, $0x0, v1;
	v1 =	vadd.f32 v3, v61  }
0xa7: {  	v19 =	vld [tilespmem:s25+$0x70];
	v4 =	vadd.f32 v4, v14;
	v3 =	vmul.f32 v5, v0  }
0xa8: {  	v6 =	vadd.f32 v6, v15;
	v2 =	vld [tilespmem:s24+$0x4000];
	v13 =	vmul.f32 v1, v5  }
0xa9: {  	v7 =	vadd.f32 v7, v16;
	v0 =	vld [tilespmem:s24+$0x4010];
	v4 =	vmul.f32 v4, v5;
	[tilespmem:s25+$0x0] =	vst v3  }
0xaa: {  	v63 =	vadd.f32 v8, v17;
	v62 =	vmul.f32 v6, v5;
	v1 =	vld [tilespmem:s24+$0x4020];
	[tilespmem:s25+$0x10] =	vst v13  }
0xab: {  	v6 =	vadd.f32 v60, v11;
	v8 =	vmul.f32 v7, v5;
	v7 =	vadd.f32 v9, v18;
	v3 =	vld [tilespmem:s24+$0x4030];
	[tilespmem:s25+$0x20] =	vst v4  }
0xac: {  	s26 =	simm.s32 $0x400;
	v10 =	vadd.f32 v10, v19;
	v9 =	vmul.f32 v63, v5;
	v4 =	vld [tilespmem:s24+$0x4040];
	[tilespmem:s25+$0x30] =	vst v62  }
.LBB2_4:
0xad: {  	p1 =	sne.s32 s26, $0xFE00;
	v11 =	vmax.f32 v6, $1.000000000e+00;
	v12 =	vld [tilespmem:s24+$0x4050];
	[tilespmem:s25+$0x40] =	vst v8;
	v7 =	vmul.f32 v7, v5  }
0xae: {  	v13 =	vld [tilespmem:s24+$0x4060];
	(erf) = vrcp.f32 v11;
	[tilespmem:s25+$0x50] =	vst v9;
	v5 =	vmul.f32 v10, v5  }
0xaf: {  	s28 =	sshra.s32 s26, $0x2;
	v10 =	vld [tilespmem:s24+$0x4070];
	[tilespmem:s25+$0x60] =	vst v7  }
0xb0: {  	v7 =	vld [tilespmem:s28+$0x8000];
	[tilespmem:s25+$0x70] =	vst v5;
	s25 =	smov.u32 s24;
	s24 =	smov.u32 s28  }
0xb1: {  	v8 =	vld [tilespmem:s24+$0xC000]  }
0xb2: {  	v5 =	vld [tilespmem:s25+$0x0]  }
0xb3: {  	v9 =	vld [tilespmem:s25+$0x10]  }
0xb4: {  	v11 =	vld [tilespmem:s25+$0x20]  }
0xb5: {  	v14 =	vld [tilespmem:s25+$0x30]  }
0xb6: {  	v15 =	vld [tilespmem:s25+$0x40]  }
0xb7: {  	vm0 =	vgt.f32 v6, $0.0e+00;
	v2 =	vadd.f32 v2, v5;
	v6 =	vld [tilespmem:s25+$0x50];
	v5 =	vpop (erf)  }
0xb8: {  	v5 =	vnsel vm0, $0x0, v5;
	v0 =	vadd.f32 v0, v9;
	v9 =	vld [tilespmem:s25+$0x60]  }
0xb9: {  	v16 =	vmul.f32 v5, v2;
	v1 =	vadd.f32 v1, v11;
	v11 =	vld [tilespmem:s25+$0x70]  }
.Ltmp3:
0xba: {  	v2 =	vld [tilespmem:s24+$0x4000];
	v17 =	vmul.f32 v0, v5;
	v3 =	vadd.f32 v3, v14;
	(pc) =	sbr.rel @p1 .LBB2_4-.Ltmp3, $4  }
0xbb: {  	v0 =	vld [tilespmem:s24+$0x4010];
	[tilespmem:s25+$0x0] =	vst v16;
	v14 =	vmul.f32 v1, v5;
	v4 =	vadd.f32 v4, v15  }
0xbc: {  	v1 =	vld [tilespmem:s24+$0x4020];
	[tilespmem:s25+$0x10] =	vst v17;
	v15 =	vmul.f32 v3, v5;
	v12 =	vadd.f32 v12, v6  }
0xbd: {  	v6 =	vadd.f32 v8, v7;
	v3 =	vld [tilespmem:s24+$0x4030];
	[tilespmem:s25+$0x20] =	vst v14;
	v8 =	vmul.f32 v4, v5;
	v7 =	vadd.f32 v13, v9  }
0xbe: {  	s26 =	sadd.s32 $0x200, s26;
	v4 =	vld [tilespmem:s24+$0x4040];
	[tilespmem:s25+$0x30] =	vst v15;
	v9 =	vmul.f32 v12, v5;
	v10 =	vadd.f32 v10, v11  }
0xbf: {  	v47 =	vmax.f32 v6, $1.000000000e+00  }
0xc0: {  	v11 =	vld [tilespmem:s24+$0x4050];
	[tilespmem:s25+$0x40] =	vst v8;
	v7 =	vmul.f32 v7, v5;
	(erf) = vrcp.f32 v47  }
0xc1: {  	v12 =	vld [tilespmem:s24+$0x4060];
	[tilespmem:s25+$0x50] =	vst v9;
	v48 =	vmul.f32 v10, v5  }
0xc2: {  	v49 =	vld [tilespmem:s24+$0x4070];
	[tilespmem:s25+$0x60] =	vst v7  }
0xc3: {  	[tilespmem:s25+$0x70] =	vst v48  }
0xc4: {  	v5 =	vld [tilespmem:s24+$0x0]  }
0xc5: {  	v7 =	vld [tilespmem:s24+$0x10]  }
0xc6: {  	v9 =	vld [tilespmem:s24+$0x20]  }
0xc7: {  	v50 =	vld [tilespmem:s24+$0x30]  }
0xc8: {  	v13 =	vld [tilespmem:s24+$0x40]  }
0xc9: {  	vm0 =	vgt.f32 v6, $0.0e+00;
	v51 =	vld [tilespmem:s24+$0x50];
	v2 =	vadd.f32 v2, v5;
	v52 =	vpop (erf)  }
0xca: {  	v53 =	vld [tilespmem:s24+$0x60];
	v0 =	vadd.f32 v0, v7;
	v6 =	vnsel vm0, $0x0, v52  }
0xcb: {  	v54 =	vld [tilespmem:s24+$0x70];
	v1 =	vadd.f32 v1, v9;
	v2 =	vmul.f32 v6, v2  }
0xcc: {  	v3 =	vadd.f32 v3, v50;
	v0 =	vmul.f32 v0, v6  }
0xcd: {  	v55 =	vadd.f32 v4, v13;
	v1 =	vmul.f32 v1, v6;
	[tilespmem:s24+$0x0] =	vst v2  }
0xce: {  	v57 =	vadd.f32 v11, v51;
	v56 =	vmul.f32 v3, v6;
	[tilespmem:s24+$0x10] =	vst v0  }
0xcf: {  	v59 =	vadd.f32 v12, v53;
	v58 =	vmul.f32 v55, v6;
	[tilespmem:s24+$0x20] =	vst v1  }
0xd0: {  	v61 =	vadd.f32 v49, v54;
	v60 =	vmul.f32 v57, v6;
	[tilespmem:s24+$0x30] =	vst v56  }
0xd1: {  	v62 =	vmul.f32 v59, v6;
	[tilespmem:s24+$0x40] =	vst v58  }
0xd2: {  	v63 =	vmul.f32 v61, v6;
	[tilespmem:s24+$0x50] =	vst v60  }
0xd3: {  	[tilespmem:s24+$0x60] =	vst v62  }
.Ltmp4:
0xd4: {  	[tilespmem:s24+$0x70] =	vst v63;
	(pc) =	sbr.rel @p0 .LBB2_9-.Ltmp4, $4  }
0xd5: {  	[hbm4b:s12+s2] =	stream.linear.scatter [tilespmem:s2], [sflag:$0x1], $0x4000, $0x38;
	[tilespmem:$0x10000] =	vst v63  }
0xd6: {  	_ =	swait.ge [sflag:s19], $0x4000  }
0xd7: {  	[sflag:s19] =	ssyncset.done $0x0  }
0xd8: {  	[sflag:s19] =	ssyncadd.s32 $0xFFFFC000  }
0xd9: {  	s24 =	simm.s32 $0x0  }
0xda: {  	[tilespmem:s24], [sflag:$0x1] =	stream.linear.gather [hbm4b:s13+s24], $0x4000, $0x38;
	[tilespmem:$0x10000] =	vst v63  }
0xdb: {  	_ =	swait.ge [sflag:s19], $0x4000  }
0xdc: {  	[sflag:s19] =	ssyncset.done $0x0  }
0xdd: {  	[sflag:s19] =	ssyncadd.s32 $0xFFFFC000  }
0xde: {  	[tilespmem:s20], [sflag:$0x1] =	stream.linear.gather [hbm4b:s14+s24], $0x4000, $0x38;
	[tilespmem:$0x10000] =	vst v63  }
0xdf: {  	_ =	swait.ge [sflag:s19], $0x4000  }
0xe0: {  	[sflag:s19] =	ssyncset.done $0x0  }
0xe1: {  	[sflag:s19] =	ssyncadd.s32 $0xFFFFC000  }
0xe2: {  	[tilespmem:s21], [sflag:$0x1] =	stream.linear.gather [hbm4b:s15+s24], $0x4000, $0x38;
	[tilespmem:$0x10000] =	vst v63  }
0xe3: {  	_ =	swait.ge [sflag:s19], $0x4000  }
0xe4: {  	[sflag:s19] =	ssyncset.done $0x0  }
0xe5: {  	[sflag:s19] =	ssyncadd.s32 $0xFFFFC000  }
0xe6: {  	[tilespmem:s22], [sflag:$0x1] =	stream.linear.gather [hbm4b:s16+s24], $0x4000, $0x38;
	[tilespmem:$0x10000] =	vst v63  }
0xe7: {  	_ =	swait.ge [sflag:s19], $0x4000  }
0xe8: {  	[sflag:s19] =	ssyncset.done $0x0  }
0xe9: {  	s25 =	simm.s32 $0x0;
	[sflag:s19] =	ssyncadd.s32 $0xFFFFC000  }
0xea: {  	v0 =	vld [tilespmem:s25+$0x8000]  }
0xeb: {  	v1 =	vld [tilespmem:s25+$0xC000];
	_ =	sdelay $0x1  }
0xec: {  	v2 =	vld [tilespmem:s25+$0x4000]  }
0xed: {  	v3 =	vld [tilespmem:s25+$0x4010]  }
0xee: {  	v4 =	vld [tilespmem:s25+$0x4020]  }
0xef: {  	v6 =	vld [tilespmem:s25+$0x4030];
	v0 =	vadd.f32 v1, v0  }
0xf0: {  	v7 =	vld [tilespmem:s25+$0x4040]  }
0xf1: {  	v8 =	vld [tilespmem:s25+$0x4050];
	v1 =	vmax.f32 v0, $1.000000000e+00  }
0xf2: {  	v9 =	vld [tilespmem:s25+$0x4060];
	(erf) = vrcp.f32 v1  }
0xf3: {  	s24 =	simm.s32 $0x80;
	v10 =	vld [tilespmem:s25+$0x4070]  }
0xf4: {  	v11 =	vld [tilespmem:s24+$0x8000]  }
0xf5: {  	v12 =	vld [tilespmem:s24+$0xC000]  }
0xf6: {  	v1 =	vld [tilespmem:s25+$0x0]  }
0xf7: {  	v13 =	vld [tilespmem:s25+$0x10]  }
0xf8: {  	v14 =	vld [tilespmem:s25+$0x20]  }
0xf9: {  	v15 =	vld [tilespmem:s25+$0x30]  }
0xfa: {  	v16 =	vld [tilespmem:s25+$0x40]  }
0xfb: {  	v17 =	vld [tilespmem:s25+$0x50];
	vm0 =	vgt.f32 v0, $0.0e+00;
	v0 =	vadd.f32 v2, v1;
	v1 =	vpop (erf)  }
0xfc: {  	v18 =	vld [tilespmem:s25+$0x60];
	v5 =	vnsel vm0, $0x0, v1;
	v1 =	vadd.f32 v3, v13  }
0xfd: {  	v19 =	vld [tilespmem:s25+$0x70];
	v4 =	vadd.f32 v4, v14;
	v3 =	vmul.f32 v5, v0  }
0xfe: {  	v6 =	vadd.f32 v6, v15;
	v2 =	vld [tilespmem:s24+$0x4000];
	v13 =	vmul.f32 v1, v5  }
0xff: {  	v7 =	vadd.f32 v7, v16;
	v0 =	vld [tilespmem:s24+$0x4010];
	v4 =	vmul.f32 v4, v5;
	[tilespmem:s25+$0x0] =	vst v3  }
0x100: {  	v63 =	vadd.f32 v8, v17;
	v62 =	vmul.f32 v6, v5;
	v1 =	vld [tilespmem:s24+$0x4020];
	[tilespmem:s25+$0x10] =	vst v13  }
0x101: {  	v6 =	vadd.f32 v12, v11;
	v8 =	vmul.f32 v7, v5;
	v7 =	vadd.f32 v9, v18;
	v3 =	vld [tilespmem:s24+$0x4030];
	[tilespmem:s25+$0x20] =	vst v4  }
0x102: {  	s26 =	simm.s32 $0x400;
	v10 =	vadd.f32 v10, v19;
	v9 =	vmul.f32 v63, v5;
	v4 =	vld [tilespmem:s24+$0x4040];
	[tilespmem:s25+$0x30] =	vst v62  }
.LBB2_7:
0x103: {  	p1 =	sne.s32 s26, $0xFE00;
	v11 =	vmax.f32 v6, $1.000000000e+00;
	v12 =	vld [tilespmem:s24+$0x4050];
	[tilespmem:s25+$0x40] =	vst v8;
	v7 =	vmul.f32 v7, v5  }
0x104: {  	v5 =	vmul.f32 v10, v5;
	v13 =	vld [tilespmem:s24+$0x4060];
	(erf) = vrcp.f32 v11;
	[tilespmem:s25+$0x50] =	vst v9  }
0x105: {  	s28 =	sshra.s32 s26, $0x2;
	v10 =	vld [tilespmem:s24+$0x4070];
	[tilespmem:s25+$0x60] =	vst v7  }
0x106: {  	v7 =	vld [tilespmem:s28+$0x8000];
	[tilespmem:s25+$0x70] =	vst v5;
	s25 =	smov.u32 s24;
	s24 =	smov.u32 s28  }
0x107: {  	v8 =	vld [tilespmem:s24+$0xC000]  }
0x108: {  	v5 =	vld [tilespmem:s25+$0x0]  }
0x109: {  	v9 =	vld [tilespmem:s25+$0x10]  }
0x10a: {  	v11 =	vld [tilespmem:s25+$0x20]  }
0x10b: {  	v14 =	vld [tilespmem:s25+$0x30]  }
0x10c: {  	v15 =	vld [tilespmem:s25+$0x40]  }
0x10d: {  	vm0 =	vgt.f32 v6, $0.0e+00;
	v2 =	vadd.f32 v2, v5;
	v6 =	vld [tilespmem:s25+$0x50];
	v5 =	vpop (erf)  }
0x10e: {  	v5 =	vnsel vm0, $0x0, v5;
	v0 =	vadd.f32 v0, v9;
	v9 =	vld [tilespmem:s25+$0x60]  }
0x10f: {  	v16 =	vmul.f32 v5, v2;
	v1 =	vadd.f32 v1, v11;
	v11 =	vld [tilespmem:s25+$0x70]  }
.Ltmp5:
0x110: {  	v2 =	vld [tilespmem:s24+$0x4000];
	v17 =	vmul.f32 v0, v5;
	v3 =	vadd.f32 v3, v14;
	(pc) =	sbr.rel @p1 .LBB2_7-.Ltmp5, $4  }
0x111: {  	v0 =	vld [tilespmem:s24+$0x4010];
	[tilespmem:s25+$0x0] =	vst v16;
	v14 =	vmul.f32 v1, v5;
	v4 =	vadd.f32 v4, v15  }
0x112: {  	v1 =	vld [tilespmem:s24+$0x4020];
	[tilespmem:s25+$0x10] =	vst v17;
	v15 =	vmul.f32 v3, v5;
	v12 =	vadd.f32 v12, v6  }
0x113: {  	v6 =	vadd.f32 v8, v7;
	v3 =	vld [tilespmem:s24+$0x4030];
	[tilespmem:s25+$0x20] =	vst v14;
	v8 =	vmul.f32 v4, v5;
	v7 =	vadd.f32 v13, v9  }
0x114: {  	s26 =	sadd.s32 $0x200, s26;
	v4 =	vld [tilespmem:s24+$0x4040];
	[tilespmem:s25+$0x30] =	vst v15;
	v9 =	vmul.f32 v12, v5;
	v10 =	vadd.f32 v10, v11  }
.Ltmp6:
0x115: {  	_ = 	snop;
	(pc) =	sbr.rel .LBB2_8-.Ltmp6, $1  }
0x116: {  	_ =	sdelay $0x3  }
.LBB2_10:
0x117: {  	_ =	sfence.sel $0x180000  }
0x118: {  	[bflag:$0x0] =	sbarrier.arrive $0xFFFF  }
0x119: {  	p0 =	sne.s32 s1, $0x0;
	_ =	strace $0x9000004D  }
0x11a: {  	s0 =	sadd.s32 @!p0 $0x100000, s0;
	[bflag:$0x2] =	sbarrier.arrive $0xFFFF  }
0x11b: {  	[sflag:s0] =	ssyncadd.tile.s32 @!p0 $0x1;
	_ =	shalt  }
.Lfunc_end2:
_tile_overlayer_lowered:
.L_overlay_start_2:
0x11c: {  	(tag) =	ssettag $0x2  }
0x11d: {  	s0 =	rddreg [dreg:$0x0];
	s2 =	stileid.u32  }
0x11e: {  	s1 =	rddreg [dreg:$0x1];
	p0 =	sne.s32 s2, $0x0  }
0x11f: {  	s3 =	rddreg [dreg:$0x2];
	[bflag:$0x3] =	sbarrier.arrive $0xFFFF;
	s2 =	simm.s32 @!p0 $0x1C01  }
0x120: {  	[timem:s3], [sflag:s2] =	dma.local @!p0 [hbm:s0], s1  }
0x121: {  	s0 =	simm.s32 @!p0 $0x1  }
0x122: {  	_ =	swait.ge @!p0 [sflag:s0], s1  }
0x123: {  	s1 =	ssub.s32 @!p0 $0x0, s1;
	[sflag:s0] =	ssyncset.done @!p0 $0x0  }
0x124: {  	[sflag:s0] =	ssyncadd.s32 @!p0 s1  }
0x125: {  	[bflag:$0x3] =	sbarrier.arrive $0xFFFF  }
0x126: {  	_ =	shalt  }

// kernel: kernel.5.cloned.1.call-start
scs
__scs_entry_jumppad:
0x0: {  	(pc) =	sbr.rel $0x88, $3  }
0x1: {  	(tag) =	ssettag $0x0;
	lr =	simm.s32 $0x1  }
0x2: {  	[smem:$0x3F9E] =	sst lr;
	_ =	strace $0xD0000000  }
0x3: {  	_ = 	snop  }
0x4: {  	_ = 	snop  }
0x5: {  	_ = 	snop  }
0x6: {  	_ = 	snop  }
0x7: {  	_ = 	snop  }
__scs_overlays_trampoline_lowered:
0x8: {  	[smem:$0x3FAD] =	sst s0  }
0x9: {  	[smem:$0x3FAE] =	sst s1  }
0xa: {  	[smem:$0x3FAF] =	sst s2  }
0xb: {  	[smem:$0x3FB0] =	sst s3  }
0xc: {  	[smem:$0x3FB1] =	sst s4  }
0xd: {  	[smem:$0x3FB2] =	sst s5  }
0xe: {  	[smem:$0x3FB3] =	sst s6  }
0xf: {  	[smem:$0x3FB4] =	sst s7  }
0x10: {  	[smem:$0x3FB5] =	sst s8  }
0x11: {  	[smem:$0x3FB6] =	sst s9;
	s0 =	simm.s32 @!p0 $0x0  }
0x12: {  	s1 =	sld [smem:$0x3F9C];
	s0 =	simm.s32 @p0 $0x1  }
0x13: {  	[smem:$0x3FB7] =	sst s0;
	s0 =	simm.s32 @!p1 $0x0  }
0x14: {  	s2 =	sld [smem:$0x3F9B];
	s0 =	simm.s32 @p1 $0x1  }
0x15: {  	[smem:$0x3FB8] =	sst s0;
	s0 =	simm.s32 @!p2 $0x0  }
0x16: {  	s3 =	sld [smem:$0x3FDB];
	s0 =	simm.s32 @p2 $0x1  }
0x17: {  	s4 =	simm.s32 $0x1BF5;
	[smem:$0x3FBA] =	sst s0  }
0x18: {  	s0 =	sld [smem:$0x3F9D];
	_ =	swait.ge [sflag:s4], $0x0  }
0x19: {  	s7 =	sld [smem:$0x3F9E]  }
0x1a: {  	s8 =	sadd.s32 $0xFFFFE003, lr  }
0x1b: {  	s9 =	sadd.s32 $0xFFFFFEF7, lr;
	s5 =	simm.s32 $0xFFFFFFFF;
	p2 =	slt.u32 s8, $0xFFFFF086  }
0x1c: {  	p1 =	slt.u32 s9, $0xF7A;
	s5 =	simm.s32 @!p2 $0x0  }
0x1d: {  	s5 =	simm.s32 @p1 $0x1;
	p0 =	seq.s32 s7, s2  }
0x1e: {  	s7 =	smul.u32 @!p0 $0xF7A, s2;
	p2 =	seq.s32 @!p0 s5, $0x0  }
0x1f: {  	s9 =	smul.u32 $0xF7A, s1;
	s8 =	simm.s32 @!p0 $0x1BF5;
	p2 =	por !p2, p0  }
0x20: {  	[sflag:s8] =	ssyncset.s32 @!p0 $0xFFFFF086;
	s6 =	sadd.s32 @!p0 s3, s7;
	s7 =	simm.s32 @!p0 $0x108  }
0x21: {  	s3 =	sadd.s32 s3, s9;
	s6 =	sadd.s32 @!p0 $0x88, s6;
	s7 =	simm.s32 @p2 $0x1082  }
0x22: {  	[simem:s7], [sflag:s8] =	dma.local @!p0 [hbm:s6], $0xF7A  }
0x23: {  	s9 =	sor.u32 $0xD0000000, s2;
	s6 =	simm.s32 $0x108;
	_ =	swait.ge @!p0 [sflag:s8], $0x0  }
0x24: {  	s3 =	sadd.s32 $0x88, s3;
	s6 =	simm.s32 @!p1 $0x1082;
	[sflag:s4] =	ssyncset.s32 $0xFFFFF086  }
0x25: {  	[simem:s6], [sflag:s4] =	dma.local [hbm:s3], $0xF7A  }
0x26: {  	[smem:$0x3F9E] =	sst s1;
	(tag) =	ssettag s2;
	_ =	strace s9  }
0x27: {  	s1 =	sld [smem:$0x3FAE]  }
0x28: {  	s2 =	sld [smem:$0x3FAF]  }
0x29: {  	s4 =	sld [smem:$0x3FB1]  }
0x2a: {  	p0 =	seq.s32 s5, $0x0;
	s5 =	sld [smem:$0x3FB2]  }
0x2b: {  	s6 =	sld [smem:$0x3FB3]  }
0x2c: {  	s7 =	sld [smem:$0x3FB4]  }
0x2d: {  	s3 =	simm.s32 $0x108;
	s8 =	sld [smem:$0x3FB5]  }
0x2e: {  	s3 =	simm.s32 @!p0 $0x1082;
	s9 =	sld [smem:$0x3FB6]  }
0x2f: {  	lr =	sadd.s32 s0, s3;
	s0 =	sld [smem:$0x3FAD]  }
0x30: {  	s3 =	sld [smem:$0x3FB0]  }
0x31: {  	[smem:$0x3FB9] =	sst s10  }
0x32: {  	s10 =	sld [smem:$0x3FB7];
	_ =	sdelay $0x3  }
0x33: {  	p0 =	seq.s32 s10, $0x1;
	s10 =	sld [smem:$0x3FB9];
	_ =	sdelay $0x3  }
0x34: {  	[smem:$0x3FB9] =	sst s10  }
0x35: {  	s10 =	sld [smem:$0x3FB8];
	_ =	sdelay $0x3  }
0x36: {  	p1 =	seq.s32 s10, $0x1;
	s10 =	sld [smem:$0x3FB9];
	_ =	sdelay $0x3  }
0x37: {  	[smem:$0x3FB9] =	sst s10  }
0x38: {  	s10 =	sld [smem:$0x3FBA]  }
0x39: {  	_ = 	snop;
	(pc) =	sbr.ind lr, $3  }
0x3a: {  	_ = 	snop  }
0x3b: {  	_ = 	snop  }
0x3c: {  	p2 =	seq.s32 s10, $0x1;
	s10 =	sld [smem:$0x3FB9]  }
0x3d: {  	_ =	shalt  }
0x3e: {  	_ =	shalt  }
0x3f: {  	_ =	shalt  }
0x40: {  	_ =	shalt  }
0x41: {  	_ =	shalt  }
0x42: {  	_ =	shalt  }
0x43: {  	_ =	shalt  }
0x44: {  	_ =	shalt  }
0x45: {  	_ =	shalt  }
0x46: {  	_ =	shalt  }
0x47: {  	_ =	shalt  }
0x48: {  	_ =	shalt  }
0x49: {  	_ =	shalt  }
0x4a: {  	_ =	shalt  }
0x4b: {  	_ =	shalt  }
0x4c: {  	_ =	shalt  }
0x4d: {  	_ =	shalt  }
0x4e: {  	_ =	shalt  }
0x4f: {  	_ =	shalt  }
0x50: {  	_ =	shalt  }
0x51: {  	_ =	shalt  }
0x52: {  	_ =	shalt  }
0x53: {  	_ =	shalt  }
0x54: {  	_ =	shalt  }
0x55: {  	_ =	shalt  }
0x56: {  	_ =	shalt  }
0x57: {  	_ =	shalt  }
0x58: {  	_ =	shalt  }
0x59: {  	_ =	shalt  }
0x5a: {  	_ =	shalt  }
0x5b: {  	_ =	shalt  }
0x5c: {  	_ =	shalt  }
0x5d: {  	_ =	shalt  }
0x5e: {  	_ =	shalt  }
0x5f: {  	_ =	shalt  }
0x60: {  	_ =	shalt  }
0x61: {  	_ =	shalt  }
0x62: {  	_ =	shalt  }
0x63: {  	_ =	shalt  }
0x64: {  	_ =	shalt  }
0x65: {  	_ =	shalt  }
0x66: {  	_ =	shalt  }
0x67: {  	_ =	shalt  }
0x68: {  	_ =	shalt  }
0x69: {  	_ =	shalt  }
0x6a: {  	_ =	shalt  }
0x6b: {  	_ =	shalt  }
0x6c: {  	_ =	shalt  }
0x6d: {  	_ =	shalt  }
0x6e: {  	_ =	shalt  }
0x6f: {  	_ =	shalt  }
0x70: {  	_ =	shalt  }
0x71: {  	_ =	shalt  }
0x72: {  	_ =	shalt  }
0x73: {  	_ =	shalt  }
0x74: {  	_ =	shalt  }
0x75: {  	_ =	shalt  }
0x76: {  	_ =	shalt  }
0x77: {  	_ =	shalt  }
0x78: {  	_ =	shalt  }
0x79: {  	_ =	shalt  }
0x7a: {  	_ =	shalt  }
0x7b: {  	_ =	shalt  }
0x7c: {  	_ =	shalt  }
0x7d: {  	_ =	shalt  }
0x7e: {  	_ =	shalt  }
0x7f: {  	_ =	shalt  }
0x80: {  	_ =	shalt  }
0x81: {  	_ =	shalt  }
0x82: {  	_ =	shalt  }
0x83: {  	_ =	shalt  }
0x84: {  	_ =	shalt  }
0x85: {  	_ =	shalt  }
0x86: {  	_ =	shalt  }
0x87: {  	_ =	shalt  }
.Lfunc_end0:
.L_simem_size_0:
called_computation_lowered:
.L_overlay_start_0:
0x88: {  	s2 =	sld [smem:$0x3FD9]  }
0x89: {  	s3 =	sld [smem:$0x3FFE];
	_ =	sdelay $0x1  }
0x8a: {  	s1 =	srdreg.scid  }
0x8b: {  	s0 =	sand.u32 $0x1, s1  }
0x8c: {  	s17 =	sshll.u32 s0, $0xA;
	s2 =	sadd.s32 s3, s2  }
0x8d: {  	s2 =	sadd.s32 s2, s17  }
0x8e: {  	[smem:$0x3FC5] =	sst s2  }
0x8f: {  	_ = 	snop  }
0x90: {  	s2 =	sld [smem:$0x3FC9]  }
0x91: {  	s18 =	sld [smem:$0x3FD0];
	(tm) =	ssettm $0x1  }
0x92: {  	s4 =	sld [smem:$0x3FFB];
	_ =	sdelay $0x3  }
0x93: {  	_ =	strace s4  }
0x94: {  	s4 =	sld [smem:$0x3FFC];
	_ =	sdelay $0x3  }
0x95: {  	_ =	strace s4  }
0x96: {  	s4 =	sld [smem:$0x3FFD];
	_ =	sdelay $0x3  }
0x97: {  	_ =	strace s4  }
0x98: {  	_ =	strace $0x8FFFFFFF  }
0x99: {  	s19 =	sld [smem:$0x3FDB];
	_ =	sdelay $0x1  }
0x9a: {  	s5 =	simm.s32 $_scs_section_size  }
0x9b: {  	s6 =	simm.s32 $_size__tile_overlayer_lowered;
	s7 =	simm.s32 $_tile_overlayer_lowered  }
0x9c: {  	s22 =	simm.s32 $0x1BFF;
	s21 =	sshll.u32 s7, $0x1;
	s4 =	sadd.s32 s5, s19  }
0x9d: {  	s8 =	simm.s32 $0x0;
	s20 =	sshll.u32 s6, $0x1;
	s6 =	sadd.s32 s21, s4  }
0x9e: {  	[timem:s8], [sflag:s22] =	dma.local [hbm:s6], s20  }
0x9f: {  	_ =	swait.ge [sflag:s22], s20  }
0xa0: {  	s5 =	ssub.s32 $0x0, s20;
	[sflag:s22] =	ssyncset.done $0x0  }
0xa1: {  	[sflag:s22] =	ssyncadd.s32 s5;
	_ =	sdelay $0x1  }
0xa2: {  	s23 =	simm.s32 $0x1B8B  }
0xa3: {  	_ =	swait.ge [sflag:s23], $0x1  }
0xa4: {  	[sflag:s23] =	ssyncset.done $0x0  }
0xa5: {  	s25 =	simm.s32 $0x1B8E;
	s24 =	sld [smem:$0x3FFE];
	[sflag:s23] =	ssyncadd.s32 $0xFFFFFFFF  }
0xa6: {  	s26 =	simm.s32 $execute0_lowered;
	[smem:$0x3FD2] =	sst s25  }
0xa7: {  	s6 =	sshll.u32 s26, $0x1;
	_ =	strace $0x80000046;
	[dreg:$0x1] =	wrdreg $0xFFFFFFFF  }
0xa8: {  	s28 =	simm.s32 $_size_execute0_lowered;
	s4 =	sadd.s32 s4, s6;
	[dreg:$0x0] =	wrdreg $0x0  }
0xa9: {  	s6 =	sshll.u32 s28, $0x1;
	[dreg:$0x2] =	wrdreg s4  }
0xaa: {  	[dreg:$0x3] =	wrdreg s6  }
0xab: {  	[dreg:$0x4] =	wrdreg $0xC0  }
0xac: {  	_ =	task [dreg:s8], $0x5FFFF  }
0xad: {  	[dreg:$0x1] =	wrdreg $0xFFFFFFFF  }
0xae: {  	[dreg:$0x0] =	wrdreg $0x60  }
0xaf: {  	[dreg:$0x2] =	wrdreg s2  }
0xb0: {  	[dreg:$0x3] =	wrdreg s18  }
0xb1: {  	[dreg:$0x4] =	wrdreg s24  }
0xb2: {  	[dreg:$0x5] =	wrdreg $0x41000  }
0xb3: {  	[dreg:$0x6] =	wrdreg $0x9  }
0xb4: {  	_ =	task.clear_ibuf [dreg:s8], $0x7FFFF;
	_ =	strace $0x90000046  }
0xb5: {  	s29 =	simm.s32 $0x9;
	_ =	strace $0x80000048  }
0xb6: {  	_ =	swait.ge [sflag:s29], $0x1  }
0xb7: {  	[sflag:s29] =	ssyncadd.s32 $0xFFFFFFFF  }
0xb8: {  	_ =	strace $0x90000048  }
0xb9: {  	_ =	sfence  }
0xba: {  	s30 =	sld [smem:$0x0];
	_ =	sdelay $0x2  }
0xbb: {  	s31 =	sshll.u32 s1, $0xD;
	s1 =	sshrl.u32 s1, $0x2  }
0xbc: {  	s3 =	sand.u32 $0x4000, s31;
	s1 =	sadd.s32 s1, s30  }
0xbd: {  	s0 =	sor.u32 s3, s0;
	s1 =	sshll.u32 s1, $0x11  }
0xbe: {  	s0 =	sor.u32 s1, s0  }
0xbf: {  	s0 =	sadd.s32 $0x8F2B, s0  }
0xc0: {  	[sflag:s0] =	ssyncadd.remote.s32 $0x1  }
0xc1: {  	_ =	sfence.sel $0xFFFF  }
0xc2: {  	[dreg:$0x0] =	wrdreg $0xFFFFFFFF;
	(pc) =	sbr.abs _section_cstart, $3  }
0xc3: {  	[dreg:$0x1] =	wrdreg $0xFFFFFFFF  }
0xc4: {  	_ =	task.clear_ibuf [dreg:s8], $0x2FFFF;
	_ =	strace $0x9FFFFFFF  }
0xc5: {  	(tm) =	ssettm $0x7FFFFFFF  }
tec
execute0_lowered:
.L_overlay_start_1:
0x0: {  	(tag) =	ssettag $0x1  }
0x1: {  	s1 =	rddreg [dreg:$0x0]  }
0x2: {  	s16 =	rddreg [dreg:$0x1]  }
0x3: {  	s6 =	rddreg [dreg:$0x2];
	s0 =	stileid.u32  }
0x4: {  	s2 =	srdreg.scid;
	s3 =	rddreg [dreg:$0x3];
	s4 =	simm.s32 $0x0  }
0x5: {  	s20 =	simm.s32 $0x80;
	s21 =	simm.s32 $0x1;
	s17 =	smul.u32 $0x9E0, s0  }
0x6: {  	s22 =	simm.s32 $0x2;
	s23 =	simm.s32 $0x3;
	s5 =	smul.u32 $0x278, s0  }
0x7: {  	s12 =	sand.u32 $0x1, s2;
	s2 =	rddreg [dreg:$0x4];
	s8 =	smul.u32 $0x4F000, s0  }
0x8: {  	s24 =	simm.s32 $0x0;
	[smem:$0x7FF] =	sst s4;
	s7 =	smul.u32 $0x2780, s12  }
0x9: {  	_ =	strace $0x80000047;
	s31 =	ssub.s32 $0x2, s12;
	s19 =	smul.u32 $0x4F0, s12  }
0xa: {  	s18 =	sadd.s32 s17, s6;
	s8 =	sshrl.u32 s8, $0x2;
	s10 =	sshrl.u32 s31, $0x1  }
0xb: {  	s17 =	sadd.s32 s17, s16;
	s5 =	sadd.s32 s5, s7;
	s15 =	ssub.s32 s31, s10  }
0xc: {  	s18 =	sadd.s32 s19, s18;
	s17 =	sadd.s32 s19, s17;
	s19 =	simm.s32 $0x4  }
0xd: {  	s9 =	sshll.u32 s5, $0x4;
	s5 =	sadd.s32 s8, s3;
	s15 =	smax.u32 s15, $0x1  }
0xe: {  	s16 =	sadd.s32 $0xC00, s18;
	s18 =	simm.s32 $0x100;
	s14 =	sadd.s32 s9, s6  }
0xf: {  	s6 =	sadd.s32 $0x4000, s5;
	s7 =	sadd.s32 $0x8000, s5;
	s8 =	sadd.s32 $0xC000, s5  }
0x10: {  	s9 =	sadd.s32 $0x10000, s5;
	s10 =	sadd.s32 $0xAA00, s14;
	s11 =	sadd.s32 $0xB200, s14  }
0x11: {  	v0 =	vimm.f32 $0.0e+00;
	s12 =	sadd.s32 $0xBA00, s14;
	s13 =	sadd.s32 $0xC200, s14;
	s14 =	sadd.s32 $0xCA00, s14  }
.LBB2_1:
0x12: {  	s25 =	simm.s32 $0x0;
	s26 =	simm.s32 $0x200  }
.LBB2_2:
0x13: {  	p0 =	sne.s32 s26, $0xFE00;
	[tilespmem:s25+$0x170] =	vst v0  }
0x14: {  	[tilespmem:s25+$0x100] =	vst v0  }
0x15: {  	[tilespmem:s25+$0x110] =	vst v0  }
.Ltmp0:
0x16: {  	[tilespmem:s25+$0x120] =	vst v0;
	(pc) =	sbr.rel @p0 .LBB2_2-.Ltmp0, $4  }
0x17: {  	[tilespmem:s25+$0x130] =	vst v0  }
0x18: {  	[tilespmem:s25+$0x140] =	vst v0  }
0x19: {  	[tilespmem:s25+$0x150] =	vst v0  }
0x1a: {  	[tilespmem:s25+$0x160] =	vst v0;
	s25 =	sshra.s32 s26, $0x2;
	s26 =	sadd.s32 $0x200, s26  }
0x1b: {  	[tilespmem:s25+$0x170] =	vst v0  }
0x1c: {  	[tilespmem:s25+$0x100] =	vst v0  }
0x1d: {  	[tilespmem:s25+$0x110] =	vst v0  }
0x1e: {  	[tilespmem:s25+$0x120] =	vst v0  }
0x1f: {  	[tilespmem:s25+$0x130] =	vst v0  }
0x20: {  	[tilespmem:s25+$0x140] =	vst v0  }
0x21: {  	[tilespmem:s25+$0x150] =	vst v0  }
0x22: {  	[tilespmem:s25+$0x160] =	vst v0  }
0x23: {  	[spmem:s5] =	stream.linear.scatter [tilespmem:s18], [sflag:$0x4], $0x4000, $0x38;
	[tilespmem:$0x17D00] =	vst v63  }
0x24: {  	_ =	swait.ge [sflag:s19], $0x4000  }
0x25: {  	[sflag:s19] =	ssyncset.done $0x0  }
0x26: {  	[sflag:s19] =	ssyncadd.s32 $0xFFFFC000  }
0x27: {  	[spmem:s6] =	stream.linear.scatter [tilespmem:s18], [sflag:$0x4], $0x4000, $0x38;
	[tilespmem:$0x17D00] =	vst v63  }
0x28: {  	_ =	swait.ge [sflag:s19], $0x4000  }
0x29: {  	[sflag:s19] =	ssyncset.done $0x0  }
0x2a: {  	[sflag:s19] =	ssyncadd.s32 $0xFFFFC000  }
0x2b: {  	[spmem:s7] =	stream.linear.scatter [tilespmem:s18], [sflag:$0x4], $0x4000, $0x38;
	[tilespmem:$0x17D00] =	vst v63  }
0x2c: {  	_ =	swait.ge [sflag:s19], $0x4000  }
0x2d: {  	[sflag:s19] =	ssyncset.done $0x0  }
0x2e: {  	[sflag:s19] =	ssyncadd.s32 $0xFFFFC000  }
0x2f: {  	[spmem:s8] =	stream.linear.scatter [tilespmem:s18], [sflag:$0x4], $0x4000, $0x38;
	[tilespmem:$0x17D00] =	vst v63  }
0x30: {  	_ =	swait.ge [sflag:s19], $0x4000  }
0x31: {  	[sflag:s19] =	ssyncset.done $0x0  }
0x32: {  	[sflag:s19] =	ssyncadd.s32 $0xFFFFC000  }
0x33: {  	[spmem:s9] =	stream.linear.scatter [tilespmem:s18], [sflag:$0x4], $0x3C00, $0x38;
	[tilespmem:$0x17D00] =	vst v63  }
0x34: {  	_ =	swait.ge [sflag:s19], $0x3C00  }
0x35: {  	[sflag:s19] =	ssyncset.done $0x0  }
0x36: {  	[sflag:s19] =	ssyncadd.s32 $0xFFFFC400  }
0x37: {  	s30 =	sadd.s32 $0x0, s17;
	[bflag:$0x0] =	sbarrier.arrive $0xFFFF  }
0x38: {  	[tilespmem:s4], [sflag:$0x1] =	stream.linear.gather [hbm4b:s30+s4], $0x80, $0x38;
	[tilespmem:$0x17D00] =	vst v63  }
0x39: {  	s31 =	sadd.s32 $0x0, s16  }
0x3a: {  	[tilespmem:s20], [sflag:$0x2] =	stream.linear.gather [hbm4b:s31+s4], $0x80, $0x38;
	[tilespmem:$0x17D00] =	vst v63  }
0x3b: {  	_ =	swait.ge [sflag:s21], $0x80  }
0x3c: {  	[sflag:s21] =	ssyncset.done $0x0  }
0x3d: {  	[sflag:s21] =	ssyncadd.s32 $0xFFFFFF80  }
0x3e: {  	[tilespmem:s18], [sflag:$0x3] =	stream.indirect.gather [hbm4b:s1+s20], $0x80, s4, s20, $0xb8;
	[tilespmem:$0x17D00] =	vst v63  }
0x3f: {  	_ =	swait.ge [sflag:s22], $0x80  }
0x40: {  	[sflag:s22] =	ssyncset.done $0x0  }
0x41: {  	[sflag:s22] =	ssyncadd.s32 $0xFFFFFF80  }
0x42: {  	v1 =	vld [tilespmem:$0xF0]  }
0x43: {  	v2 =	vld [tilespmem:$0xE0]  }
0x44: {  	v3 =	vld [tilespmem:$0xB0]  }
0x45: {  	v4 =	vld [tilespmem:$0xA0]  }
0x46: {  	v5 =	vld [tilespmem:$0x90]  }
0x47: {  	v7 =	vld [tilespmem:$0x80];
	vm0 =	vlt.s32 v1, $0x2778  }
0x48: {  	v6 =	vld [tilespmem:$0xC0];
	vm1 =	vlt.s32 v2, $0x2778;
	v1 =	vnsel vm0, $0x2778, v1  }
0x49: {  	v8 =	vld [tilespmem:$0xD0];
	vm10 =	vlt.s32 v3, $0x2778;
	v2 =	vnsel vm1, $0x2778, v2;
	[tilespmem:$0xF0] =	vst v1  }
0x4a: {  	vm11 =	vlt.s32 v4, $0x2778;
	v1 =	vnsel vm10, $0x2778, v3;
	[tilespmem:$0xE0] =	vst v2  }
0x4b: {  	vm12 =	vlt.s32 v5, $0x2778;
	v2 =	vnsel vm11, $0x2778, v4;
	[tilespmem:$0xB0] =	vst v1  }
0x4c: {  	vm14 =	vlt.s32 v7, $0x2778;
	v1 =	vnsel vm12, $0x2778, v5;
	[tilespmem:$0xA0] =	vst v2  }
0x4d: {  	vm13 =	vlt.s32 v6, $0x2778;
	v2 =	vnsel vm14, $0x2778, v7;
	[tilespmem:$0x90] =	vst v1  }
0x4e: {  	vm15 =	vlt.s32 v8, $0x2778;
	v1 =	vnsel vm13, $0x2778, v6;
	[tilespmem:$0x80] =	vst v2  }
0x4f: {  	s25 =	simm.s32 $0x10;
	[tilespmem:$0xC0] =	vst v1;
	v1 =	vnsel vm15, $0x2778, v8  }
.LBB2_4:
0x50: {  	p0 =	sne.s32 s25, $0x4E0;
	[tilespmem:$0xD0] =	vst v1;
	s26 =	smov.u32 s25;
	s25 =	sadd.s32 $0x10, s25  }
0x51: {  	_ =	swait.ge [sflag:s23], $0x4000  }
0x52: {  	[sflag:s23] =	ssyncset.done $0x0  }
0x53: {  	[sflag:s23] =	ssyncadd.s32 $0xFFFFC000  }
0x54: {  	[spmem:s3] =	stream.indirect.scatter.add.f32 [tilespmem:s18], [sflag:$0x4], $0x80, s20, s20, $0xb8;
	[tilespmem:$0x17D00] =	vst v63  }
0x55: {  	_ =	swait.ge [sflag:s19], $0x4000  }
0x56: {  	[sflag:s19] =	ssyncset.done $0x0  }
0x57: {  	s28 =	sadd.s32 s26, s17;
	[sflag:s19] =	ssyncadd.s32 $0xFFFFC000  }
0x58: {  	[tilespmem:s4], [sflag:$0x1] =	stream.linear.gather [hbm4b:s28+s4], $0x80, $0x38;
	[tilespmem:$0x17D00] =	vst v63  }
0x59: {  	s26 =	sadd.s32 s26, s16  }
0x5a: {  	[tilespmem:s20], [sflag:$0x2] =	stream.linear.gather [hbm4b:s26+s4], $0x80, $0x38;
	[tilespmem:$0x17D00] =	vst v63  }
0x5b: {  	_ =	swait.ge [sflag:s21], $0x80  }
0x5c: {  	[sflag:s21] =	ssyncset.done $0x0  }
0x5d: {  	[sflag:s21] =	ssyncadd.s32 $0xFFFFFF80  }
0x5e: {  	[tilespmem:s18], [sflag:$0x3] =	stream.indirect.gather [hbm4b:s1+s20], $0x80, s4, s20, $0xb8;
	[tilespmem:$0x17D00] =	vst v63  }
0x5f: {  	_ =	swait.ge [sflag:s22], $0x80  }
0x60: {  	[sflag:s22] =	ssyncset.done $0x0  }
0x61: {  	[sflag:s22] =	ssyncadd.s32 $0xFFFFFF80  }
0x62: {  	v1 =	vld [tilespmem:$0xF0]  }
0x63: {  	v2 =	vld [tilespmem:$0xE0]  }
0x64: {  	v3 =	vld [tilespmem:$0xB0]  }
0x65: {  	v4 =	vld [tilespmem:$0xA0]  }
0x66: {  	v5 =	vld [tilespmem:$0x90]  }
0x67: {  	v6 =	vld [tilespmem:$0xC0];
	vm0 =	vlt.s32 v1, $0x2778  }
0x68: {  	v7 =	vld [tilespmem:$0x80];
	vm1 =	vlt.s32 v2, $0x2778;
	v1 =	vnsel vm0, $0x2778, v1  }
0x69: {  	vm0 =	vlt.s32 v3, $0x2778;
	v8 =	vld [tilespmem:$0xD0];
	v2 =	vnsel vm1, $0x2778, v2;
	[tilespmem:$0xF0] =	vst v1  }
0x6a: {  	vm1 =	vlt.s32 v4, $0x2778;
	v1 =	vnsel vm0, $0x2778, v3;
	[tilespmem:$0xE0] =	vst v2  }
.Ltmp1:
0x6b: {  	vm0 =	vlt.s32 v5, $0x2778;
	v2 =	vnsel vm1, $0x2778, v4;
	[tilespmem:$0xB0] =	vst v1;
	(pc) =	sbr.rel @p0 .LBB2_4-.Ltmp1, $4  }
0x6c: {  	v1 =	vnsel vm0, $0x2778, v5;
	[tilespmem:$0xA0] =	vst v2;
	vm0 =	vlt.s32 v6, $0x2778  }
0x6d: {  	vm1 =	vlt.s32 v7, $0x2778;
	[tilespmem:$0x90] =	vst v1;
	v1 =	vnsel vm0, $0x2778, v6  }
0x6e: {  	v2 =	vnsel vm1, $0x2778, v7;
	[tilespmem:$0xC0] =	vst v1;
	vm0 =	vlt.s32 v8, $0x2778  }
0x6f: {  	[tilespmem:$0x80] =	vst v2;
	v1 =	vnsel vm0, $0x2778, v8  }
0x70: {  	[tilespmem:$0xD0] =	vst v1  }
0x71: {  	_ =	swait.ge [sflag:s23], $0x4000  }
0x72: {  	[sflag:s23] =	ssyncset.done $0x0  }
0x73: {  	[sflag:s23] =	ssyncadd.s32 $0xFFFFC000  }
0x74: {  	[spmem:s3] =	stream.indirect.scatter.add.f32 [tilespmem:s18], [sflag:$0x4], $0x80, s20, s20, $0xb8;
	[tilespmem:$0x17D00] =	vst v63  }
0x75: {  	_ =	swait.ge [sflag:s19], $0x4000  }
0x76: {  	[sflag:s19] =	ssyncset.done $0x0  }
0x77: {  	[sflag:s19] =	ssyncadd.s32 $0xFFFFC000  }
0x78: {  	[bflag:$0x0] =	sbarrier.arrive $0xFFFF  }
0x79: {  	[tilespmem:s18], [sflag:$0x4] =	stream.linear.gather [spmem:s5], $0x4000, $0x38;
	[tilespmem:$0x17D00] =	vst v63  }
0x7a: {  	_ =	swait.ge [sflag:s19], $0x4000  }
0x7b: {  	[sflag:s19] =	ssyncset.done $0x0  }
0x7c: {  	[sflag:s19] =	ssyncadd.s32 $0xFFFFC000  }
0x7d: {  	[hbm4b:s10+s4] =	stream.linear.scatter [tilespmem:s18], [sflag:$0x4], $0x4000, $0x38;
	[tilespmem:$0x17D00] =	vst v63  }
0x7e: {  	_ =	swait.ge [sflag:s19], $0x4000  }
0x7f: {  	[sflag:s19] =	ssyncset.done $0x0  }
0x80: {  	[sflag:s19] =	ssyncadd.s32 $0xFFFFC000  }
0x81: {  	[tilespmem:s18], [sflag:$0x4] =	stream.linear.gather [spmem:s6], $0x4000, $0x38;
	[tilespmem:$0x17D00] =	vst v63  }
0x82: {  	_ =	swait.ge [sflag:s19], $0x4000  }
0x83: {  	[sflag:s19] =	ssyncset.done $0x0  }
0x84: {  	[sflag:s19] =	ssyncadd.s32 $0xFFFFC000  }
0x85: {  	[hbm4b:s11+s4] =	stream.linear.scatter [tilespmem:s18], [sflag:$0x4], $0x4000, $0x38;
	[tilespmem:$0x17D00] =	vst v63  }
0x86: {  	_ =	swait.ge [sflag:s19], $0x4000  }
0x87: {  	[sflag:s19] =	ssyncset.done $0x0  }
0x88: {  	[sflag:s19] =	ssyncadd.s32 $0xFFFFC000  }
0x89: {  	[tilespmem:s18], [sflag:$0x4] =	stream.linear.gather [spmem:s7], $0x4000, $0x38;
	[tilespmem:$0x17D00] =	vst v63  }
0x8a: {  	_ =	swait.ge [sflag:s19], $0x4000  }
0x8b: {  	[sflag:s19] =	ssyncset.done $0x0  }
0x8c: {  	[sflag:s19] =	ssyncadd.s32 $0xFFFFC000  }
0x8d: {  	[hbm4b:s12+s4] =	stream.linear.scatter [tilespmem:s18], [sflag:$0x4], $0x4000, $0x38;
	[tilespmem:$0x17D00] =	vst v63  }
0x8e: {  	_ =	swait.ge [sflag:s19], $0x4000  }
0x8f: {  	[sflag:s19] =	ssyncset.done $0x0  }
0x90: {  	[sflag:s19] =	ssyncadd.s32 $0xFFFFC000  }
0x91: {  	[tilespmem:s18], [sflag:$0x4] =	stream.linear.gather [spmem:s8], $0x4000, $0x38;
	[tilespmem:$0x17D00] =	vst v63  }
0x92: {  	_ =	swait.ge [sflag:s19], $0x4000  }
0x93: {  	[sflag:s19] =	ssyncset.done $0x0  }
0x94: {  	[sflag:s19] =	ssyncadd.s32 $0xFFFFC000  }
0x95: {  	[hbm4b:s13+s4] =	stream.linear.scatter [tilespmem:s18], [sflag:$0x4], $0x4000, $0x38;
	[tilespmem:$0x17D00] =	vst v63  }
0x96: {  	_ =	swait.ge [sflag:s19], $0x4000  }
0x97: {  	[sflag:s19] =	ssyncset.done $0x0  }
0x98: {  	[sflag:s19] =	ssyncadd.s32 $0xFFFFC000  }
0x99: {  	[tilespmem:s18], [sflag:$0x4] =	stream.linear.gather [spmem:s9], $0x3C00, $0x38;
	[tilespmem:$0x17D00] =	vst v63  }
0x9a: {  	s24 =	sadd.s32 $0x1, s24;
	_ =	swait.ge [sflag:s19], $0x3C00  }
0x9b: {  	p0 =	sne.s32 s24, s15;
	[sflag:s19] =	ssyncset.done $0x0  }
.Ltmp2:
0x9c: {  	[sflag:s19] =	ssyncadd.s32 $0xFFFFC400;
	(pc) =	sbr.rel @p0 .LBB2_1-.Ltmp2, $4  }
0x9d: {  	[hbm4b:s14+s4] =	stream.linear.scatter [tilespmem:s18], [sflag:$0x4], $0x3C00, $0x38;
	[tilespmem:$0x17D00] =	vst v63  }
0x9e: {  	_ =	swait.ge [sflag:s19], $0x3C00  }
0x9f: {  	[sflag:s19] =	ssyncset.done $0x0  }
0xa0: {  	[sflag:s19] =	ssyncadd.s32 $0xFFFFC400  }
0xa1: {  	_ =	sfence.sel $0x180000  }
0xa2: {  	[bflag:$0x0] =	sbarrier.arrive $0xFFFF  }
0xa3: {  	p0 =	sne.s32 s0, $0x0;
	_ =	strace $0x90000047  }
0xa4: {  	s0 =	sadd.s32 @!p0 $0x100000, s2;
	[bflag:$0x2] =	sbarrier.arrive $0xFFFF  }
0xa5: {  	[sflag:s0] =	ssyncadd.tile.s32 @!p0 $0x1;
	_ =	shalt  }
.Lfunc_end2:
_tile_overlayer_lowered:
.L_overlay_start_2:
0xa6: {  	(tag) =	ssettag $0x2  }
0xa7: {  	s0 =	rddreg [dreg:$0x0];
	s2 =	stileid.u32  }
0xa8: {  	s1 =	rddreg [dreg:$0x1];
	p0 =	sne.s32 s2, $0x0  }
0xa9: {  	s3 =	rddreg [dreg:$0x2];
	[bflag:$0x3] =	sbarrier.arrive $0xFFFF;
	s2 =	simm.s32 @!p0 $0x1C04  }
0xaa: {  	[timem:s3], [sflag:s2] =	dma.local @!p0 [hbm:s0], s1  }
0xab: {  	s0 =	simm.s32 @!p0 $0x4  }
0xac: {  	_ =	swait.ge @!p0 [sflag:s0], s1  }
0xad: {  	s1 =	ssub.s32 @!p0 $0x0, s1;
	[sflag:s0] =	ssyncset.done @!p0 $0x0  }
0xae: {  	[sflag:s0] =	ssyncadd.s32 @!p0 s1  }
0xaf: {  	[bflag:$0x3] =	sbarrier.arrive $0xFFFF  }
0xb0: {  	_ =	shalt  }

// kernel: kernel.8.cloned.1.call-start
scs
__scs_entry_jumppad:
0x0: {  	(pc) =	sbr.rel $0x88, $3  }
0x1: {  	(tag) =	ssettag $0x0;
	lr =	simm.s32 $0x1  }
0x2: {  	[smem:$0x3F9E] =	sst lr;
	_ =	strace $0xD0000000  }
0x3: {  	_ = 	snop  }
0x4: {  	_ = 	snop  }
0x5: {  	_ = 	snop  }
0x6: {  	_ = 	snop  }
0x7: {  	_ = 	snop  }
__scs_overlays_trampoline_lowered:
0x8: {  	[smem:$0x3FAD] =	sst s0  }
0x9: {  	[smem:$0x3FAE] =	sst s1  }
0xa: {  	[smem:$0x3FAF] =	sst s2  }
0xb: {  	[smem:$0x3FB0] =	sst s3  }
0xc: {  	[smem:$0x3FB1] =	sst s4  }
0xd: {  	[smem:$0x3FB2] =	sst s5  }
0xe: {  	[smem:$0x3FB3] =	sst s6  }
0xf: {  	[smem:$0x3FB4] =	sst s7  }
0x10: {  	[smem:$0x3FB5] =	sst s8  }
0x11: {  	[smem:$0x3FB6] =	sst s9;
	s0 =	simm.s32 @!p0 $0x0  }
0x12: {  	s1 =	sld [smem:$0x3F9C];
	s0 =	simm.s32 @p0 $0x1  }
0x13: {  	[smem:$0x3FB7] =	sst s0;
	s0 =	simm.s32 @!p1 $0x0  }
0x14: {  	s2 =	sld [smem:$0x3F9B];
	s0 =	simm.s32 @p1 $0x1  }
0x15: {  	[smem:$0x3FB8] =	sst s0;
	s0 =	simm.s32 @!p2 $0x0  }
0x16: {  	s3 =	sld [smem:$0x3FDB];
	s0 =	simm.s32 @p2 $0x1  }
0x17: {  	s4 =	simm.s32 $0x1BF5;
	[smem:$0x3FBA] =	sst s0  }
0x18: {  	s0 =	sld [smem:$0x3F9D];
	_ =	swait.ge [sflag:s4], $0x0  }
0x19: {  	s7 =	sld [smem:$0x3F9E]  }
0x1a: {  	s8 =	sadd.s32 $0xFFFFE003, lr  }
0x1b: {  	s9 =	sadd.s32 $0xFFFFFEF7, lr;
	s5 =	simm.s32 $0xFFFFFFFF;
	p2 =	slt.u32 s8, $0xFFFFF086  }
0x1c: {  	p1 =	slt.u32 s9, $0xF7A;
	s5 =	simm.s32 @!p2 $0x0  }
0x1d: {  	s5 =	simm.s32 @p1 $0x1;
	p0 =	seq.s32 s7, s2  }
0x1e: {  	s7 =	smul.u32 @!p0 $0xF7A, s2;
	p2 =	seq.s32 @!p0 s5, $0x0  }
0x1f: {  	s9 =	smul.u32 $0xF7A, s1;
	s8 =	simm.s32 @!p0 $0x1BF5;
	p2 =	por !p2, p0  }
0x20: {  	[sflag:s8] =	ssyncset.s32 @!p0 $0xFFFFF086;
	s6 =	sadd.s32 @!p0 s3, s7;
	s7 =	simm.s32 @!p0 $0x108  }
0x21: {  	s3 =	sadd.s32 s3, s9;
	s6 =	sadd.s32 @!p0 $0x88, s6;
	s7 =	simm.s32 @p2 $0x1082  }
0x22: {  	[simem:s7], [sflag:s8] =	dma.local @!p0 [hbm:s6], $0xF7A  }
0x23: {  	s9 =	sor.u32 $0xD0000000, s2;
	s6 =	simm.s32 $0x108;
	_ =	swait.ge @!p0 [sflag:s8], $0x0  }
0x24: {  	s3 =	sadd.s32 $0x88, s3;
	s6 =	simm.s32 @!p1 $0x1082;
	[sflag:s4] =	ssyncset.s32 $0xFFFFF086  }
0x25: {  	[simem:s6], [sflag:s4] =	dma.local [hbm:s3], $0xF7A  }
0x26: {  	[smem:$0x3F9E] =	sst s1;
	(tag) =	ssettag s2;
	_ =	strace s9  }
0x27: {  	s1 =	sld [smem:$0x3FAE]  }
0x28: {  	s2 =	sld [smem:$0x3FAF]  }
0x29: {  	s4 =	sld [smem:$0x3FB1]  }
0x2a: {  	p0 =	seq.s32 s5, $0x0;
	s5 =	sld [smem:$0x3FB2]  }
0x2b: {  	s6 =	sld [smem:$0x3FB3]  }
0x2c: {  	s7 =	sld [smem:$0x3FB4]  }
0x2d: {  	s3 =	simm.s32 $0x108;
	s8 =	sld [smem:$0x3FB5]  }
0x2e: {  	s3 =	simm.s32 @!p0 $0x1082;
	s9 =	sld [smem:$0x3FB6]  }
0x2f: {  	lr =	sadd.s32 s0, s3;
	s0 =	sld [smem:$0x3FAD]  }
0x30: {  	s3 =	sld [smem:$0x3FB0]  }
0x31: {  	[smem:$0x3FB9] =	sst s10  }
0x32: {  	s10 =	sld [smem:$0x3FB7];
	_ =	sdelay $0x3  }
0x33: {  	p0 =	seq.s32 s10, $0x1;
	s10 =	sld [smem:$0x3FB9];
	_ =	sdelay $0x3  }
0x34: {  	[smem:$0x3FB9] =	sst s10  }
0x35: {  	s10 =	sld [smem:$0x3FB8];
	_ =	sdelay $0x3  }
0x36: {  	p1 =	seq.s32 s10, $0x1;
	s10 =	sld [smem:$0x3FB9];
	_ =	sdelay $0x3  }
0x37: {  	[smem:$0x3FB9] =	sst s10  }
0x38: {  	s10 =	sld [smem:$0x3FBA]  }
0x39: {  	_ = 	snop;
	(pc) =	sbr.ind lr, $3  }
0x3a: {  	_ = 	snop  }
0x3b: {  	_ = 	snop  }
0x3c: {  	p2 =	seq.s32 s10, $0x1;
	s10 =	sld [smem:$0x3FB9]  }
0x3d: {  	_ =	shalt  }
0x3e: {  	_ =	shalt  }
0x3f: {  	_ =	shalt  }
0x40: {  	_ =	shalt  }
0x41: {  	_ =	shalt  }
0x42: {  	_ =	shalt  }
0x43: {  	_ =	shalt  }
0x44: {  	_ =	shalt  }
0x45: {  	_ =	shalt  }
0x46: {  	_ =	shalt  }
0x47: {  	_ =	shalt  }
0x48: {  	_ =	shalt  }
0x49: {  	_ =	shalt  }
0x4a: {  	_ =	shalt  }
0x4b: {  	_ =	shalt  }
0x4c: {  	_ =	shalt  }
0x4d: {  	_ =	shalt  }
0x4e: {  	_ =	shalt  }
0x4f: {  	_ =	shalt  }
0x50: {  	_ =	shalt  }
0x51: {  	_ =	shalt  }
0x52: {  	_ =	shalt  }
0x53: {  	_ =	shalt  }
0x54: {  	_ =	shalt  }
0x55: {  	_ =	shalt  }
0x56: {  	_ =	shalt  }
0x57: {  	_ =	shalt  }
0x58: {  	_ =	shalt  }
0x59: {  	_ =	shalt  }
0x5a: {  	_ =	shalt  }
0x5b: {  	_ =	shalt  }
0x5c: {  	_ =	shalt  }
0x5d: {  	_ =	shalt  }
0x5e: {  	_ =	shalt  }
0x5f: {  	_ =	shalt  }
0x60: {  	_ =	shalt  }
0x61: {  	_ =	shalt  }
0x62: {  	_ =	shalt  }
0x63: {  	_ =	shalt  }
0x64: {  	_ =	shalt  }
0x65: {  	_ =	shalt  }
0x66: {  	_ =	shalt  }
0x67: {  	_ =	shalt  }
0x68: {  	_ =	shalt  }
0x69: {  	_ =	shalt  }
0x6a: {  	_ =	shalt  }
0x6b: {  	_ =	shalt  }
0x6c: {  	_ =	shalt  }
0x6d: {  	_ =	shalt  }
0x6e: {  	_ =	shalt  }
0x6f: {  	_ =	shalt  }
0x70: {  	_ =	shalt  }
0x71: {  	_ =	shalt  }
0x72: {  	_ =	shalt  }
0x73: {  	_ =	shalt  }
0x74: {  	_ =	shalt  }
0x75: {  	_ =	shalt  }
0x76: {  	_ =	shalt  }
0x77: {  	_ =	shalt  }
0x78: {  	_ =	shalt  }
0x79: {  	_ =	shalt  }
0x7a: {  	_ =	shalt  }
0x7b: {  	_ =	shalt  }
0x7c: {  	_ =	shalt  }
0x7d: {  	_ =	shalt  }
0x7e: {  	_ =	shalt  }
0x7f: {  	_ =	shalt  }
0x80: {  	_ =	shalt  }
0x81: {  	_ =	shalt  }
0x82: {  	_ =	shalt  }
0x83: {  	_ =	shalt  }
0x84: {  	_ =	shalt  }
0x85: {  	_ =	shalt  }
0x86: {  	_ =	shalt  }
0x87: {  	_ =	shalt  }
.Lfunc_end0:
.L_simem_size_0:
called_computation.1_lowered:
.L_overlay_start_0:
0x88: {  	s2 =	sld [smem:$0x3FD9]  }
0x89: {  	s3 =	sld [smem:$0x3FFE];
	_ =	sdelay $0x1  }
0x8a: {  	s1 =	srdreg.scid  }
0x8b: {  	s0 =	sand.u32 $0x1, s1  }
0x8c: {  	s17 =	sshll.u32 s0, $0xA;
	s2 =	sadd.s32 s3, s2  }
0x8d: {  	s2 =	sadd.s32 s2, s17  }
0x8e: {  	[smem:$0x3FC5] =	sst s2  }
0x8f: {  	_ = 	snop  }
0x90: {  	(tm) =	ssettm $0x1  }
0x91: {  	s18 =	sld [smem:$0x3FFB];
	_ =	sdelay $0x3  }
0x92: {  	_ =	strace s18  }
0x93: {  	s2 =	sld [smem:$0x3FFC];
	_ =	sdelay $0x3  }
0x94: {  	_ =	strace s2  }
0x95: {  	s2 =	sld [smem:$0x3FFD];
	_ =	sdelay $0x3  }
0x96: {  	_ =	strace s2  }
0x97: {  	_ =	strace $0x8FFFFFFF  }
0x98: {  	s19 =	sld [smem:$0x3FDB];
	_ =	sdelay $0x1  }
0x99: {  	s20 =	simm.s32 $_scs_section_size  }
0x9a: {  	s4 =	simm.s32 $_size__tile_overlayer_lowered;
	s5 =	simm.s32 $_tile_overlayer_lowered  }
0x9b: {  	s6 =	simm.s32 $0x1BFF;
	s21 =	sshll.u32 s5, $0x1;
	s3 =	sadd.s32 s20, s19  }
0x9c: {  	s22 =	simm.s32 $0x0;
	s4 =	sshll.u32 s4, $0x1;
	s5 =	sadd.s32 s21, s3  }
0x9d: {  	[timem:s22], [sflag:s6] =	dma.local [hbm:s5], s4  }
0x9e: {  	_ =	swait.ge [sflag:s6], s4  }
0x9f: {  	s4 =	ssub.s32 $0x0, s4;
	[sflag:s6] =	ssyncset.done $0x0  }
0xa0: {  	[sflag:s6] =	ssyncadd.s32 s4;
	_ =	sdelay $0x1  }
0xa1: {  	s23 =	simm.s32 $0x1B8B  }
0xa2: {  	_ =	swait.ge [sflag:s23], $0x1  }
0xa3: {  	[sflag:s23] =	ssyncset.done $0x0  }
0xa4: {  	[sflag:s23] =	ssyncadd.s32 $0xFFFFFFFF  }
0xa5: {  	s4 =	sld [smem:$0x0]  }
0xa6: {  	s5 =	sand.u32 $0xFFFFFFFE, s1  }
0xa7: {  	p0 =	sne.s32 s1, s5  }
0xa8: {  	s5 =	sshll.u32 @p0 s5, $0xE  }
0xa9: {  	s5 =	sadd.s32 @p0 $0x11B8D, s5;
	s6 =	sshll.u32 @p0 s4, $0x11  }
0xaa: {  	s5 =	sor.u32 @p0 s6, s5  }
0xab: {  	[sflag:s5] =	ssyncadd.remote.s32 @p0 $0x1;
	_ =	sdelay $0x1  }
0xac: {  	s5 =	simm.s32 @p0 $0x1B8D  }
0xad: {  	_ =	swait.eq @p0 [sflag:s5], $0x1  }
0xae: {  	[sflag:s5] =	ssyncadd.s32 @p0 $0xFFFFFFFF  }
0xaf: {  	s6 =	sshll.u32 @!p0 s1, $0xE  }
0xb0: {  	s6 =	sor.u32 @!p0 $0x4000, s6;
	s5 =	simm.s32 @!p0 $0x1B8D  }
0xb1: {  	s4 =	sshll.u32 @!p0 s4, $0x11;
	s6 =	sadd.s32 @!p0 $0x11B8D, s6;
	_ =	swait.eq @!p0 [sflag:s5], $0x1  }
0xb2: {  	s4 =	sor.u32 @!p0 s4, s6;
	[sflag:s5] =	ssyncadd.s32 @!p0 $0xFFFFFFFF  }
0xb3: {  	s25 =	simm.s32 $0x1B8E;
	s24 =	sld [smem:$0x3FFE];
	[sflag:s4] =	ssyncadd.remote.s32 @!p0 $0x1  }
0xb4: {  	s26 =	simm.s32 $execute0_lowered;
	[smem:$0x3FD2] =	sst s25  }
0xb5: {  	s5 =	sshll.u32 s26, $0x1;
	_ =	strace $0x80000049;
	[dreg:$0x1] =	wrdreg $0xFFFFFFFF  }
0xb6: {  	s28 =	simm.s32 $_size_execute0_lowered;
	s3 =	sadd.s32 s3, s5;
	[dreg:$0x0] =	wrdreg $0x0  }
0xb7: {  	s5 =	sshll.u32 s28, $0x1;
	[dreg:$0x2] =	wrdreg s3  }
0xb8: {  	[dreg:$0x3] =	wrdreg s5  }
0xb9: {  	[dreg:$0x4] =	wrdreg $0xC0  }
0xba: {  	_ =	task [dreg:s22], $0x5FFFF  }
0xbb: {  	[dreg:$0x1] =	wrdreg $0xFFFFFFFF  }
0xbc: {  	[dreg:$0x0] =	wrdreg $0x60  }
0xbd: {  	[dreg:$0x2] =	wrdreg s24  }
0xbe: {  	[dreg:$0x3] =	wrdreg $0x40800  }
0xbf: {  	[dreg:$0x4] =	wrdreg $0xA  }
0xc0: {  	_ =	task.clear_ibuf [dreg:s22], $0x5FFFF;
	_ =	strace $0x90000049  }
0xc1: {  	s29 =	simm.s32 $0xA;
	_ =	strace $0x8000004B  }
0xc2: {  	_ =	swait.ge [sflag:s29], $0x1  }
0xc3: {  	[sflag:s29] =	ssyncadd.s32 $0xFFFFFFFF  }
0xc4: {  	_ =	strace $0x9000004B  }
0xc5: {  	_ =	sfence  }
0xc6: {  	s30 =	sld [smem:$0x0];
	_ =	sdelay $0x2  }
0xc7: {  	s31 =	sshll.u32 s1, $0xD;
	s1 =	sshrl.u32 s1, $0x2  }
0xc8: {  	s4 =	sand.u32 $0x4000, s31;
	s1 =	sadd.s32 s1, s30  }
0xc9: {  	s0 =	sor.u32 s4, s0;
	s1 =	sshll.u32 s1, $0x11  }
0xca: {  	s0 =	sor.u32 s1, s0  }
0xcb: {  	s0 =	sadd.s32 $0x8F2B, s0  }
0xcc: {  	[sflag:s0] =	ssyncadd.remote.s32 $0x1  }
0xcd: {  	_ =	sfence.sel $0xFFFF  }
0xce: {  	[dreg:$0x0] =	wrdreg $0xFFFFFFFF;
	(pc) =	sbr.abs _section_cstart, $3  }
0xcf: {  	[dreg:$0x1] =	wrdreg $0xFFFFFFFF  }
0xd0: {  	_ =	task.clear_ibuf [dreg:s22], $0x2FFFF;
	_ =	strace $0x9FFFFFFF  }
0xd1: {  	(tm) =	ssettm $0x7FFFFFFF  }
tec
execute0_lowered:
.L_overlay_start_1:
0x0: {  	(tag) =	ssettag $0x1  }
0x1: {  	s5 =	rddreg [dreg:$0x0]  }
0x2: {  	s0 =	stileid.u32;
	s1 =	srdreg.scid  }
0x3: {  	s2 =	rddreg [dreg:$0x1];
	s4 =	smul.u32 $0x9E0, s0  }
0x4: {  	s3 =	simm.s32 $0x0;
	s17 =	simm.s32 $0x1;
	s6 =	smul.u32 $0x278, s0  }
0x5: {  	s8 =	sand.u32 $0x1, s1;
	s1 =	rddreg [dreg:$0x2];
	s9 =	smul.u32 $0x4F000, s0  }
0x6: {  	s18 =	simm.s32 $0x0;
	[smem:$0x7FF] =	sst s3;
	s7 =	smul.u32 $0x2780, s8  }
0x7: {  	_ =	strace $0x8000004A;
	s29 =	ssub.s32 $0x2, s8;
	s16 =	smul.u32 $0x4F0, s8  }
0x8: {  	s13 =	sadd.s32 s4, s5;
	s30 =	sshrl.u32 s9, $0x2;
	s10 =	sshrl.u32 s29, $0x1  }
0x9: {  	s28 =	sadd.s32 s6, s7;
	s4 =	sadd.s32 s30, s2;
	s15 =	ssub.s32 s29, s10  }
0xa: {  	s16 =	sadd.s32 s16, s13;
	s31 =	sshll.u32 s28, $0x4;
	s6 =	sadd.s32 $0x8000, s4  }
0xb: {  	s7 =	sadd.s32 $0xC000, s4;
	s8 =	sadd.s32 $0x10000, s4;
	s14 =	sadd.s32 s31, s5  }
0xc: {  	s5 =	sadd.s32 $0x4000, s4;
	s9 =	sadd.s32 $0x59A00, s14;
	s10 =	sadd.s32 $0x5A200, s14  }
0xd: {  	s11 =	sadd.s32 $0x5AA00, s14;
	s12 =	sadd.s32 $0x5B200, s14;
	s13 =	sadd.s32 $0x5BA00, s14  }
0xe: {  	v0 =	vimm.f32 $0.0e+00;
	v1 =	vimm.f32 $1.000000000e+00;
	s14 =	smax.u32 s15, $0x1;
	s15 =	sadd.s32 $0xC00, s16;
	s16 =	simm.s32 $0x80  }
.LBB2_1:
0xf: {  	s19 =	simm.s32 $0x0;
	s20 =	simm.s32 $0x200  }
.LBB2_2:
0x10: {  	p0 =	sne.s32 s20, $0xFE00;
	[tilespmem:s19+$0xF0] =	vst v0  }
0x11: {  	[tilespmem:s19+$0x80] =	vst v0  }
0x12: {  	[tilespmem:s19+$0x90] =	vst v0  }
.Ltmp0:
0x13: {  	[tilespmem:s19+$0xA0] =	vst v0;
	(pc) =	sbr.rel @p0 .LBB2_2-.Ltmp0, $4  }
0x14: {  	[tilespmem:s19+$0xB0] =	vst v0  }
0x15: {  	[tilespmem:s19+$0xC0] =	vst v0  }
0x16: {  	[tilespmem:s19+$0xD0] =	vst v0  }
0x17: {  	[tilespmem:s19+$0xE0] =	vst v0;
	s19 =	sshra.s32 s20, $0x2;
	s20 =	sadd.s32 $0x200, s20  }
0x18: {  	[tilespmem:s19+$0xF0] =	vst v0  }
0x19: {  	[tilespmem:s19+$0x80] =	vst v0  }
0x1a: {  	[tilespmem:s19+$0x90] =	vst v0  }
0x1b: {  	[tilespmem:s19+$0xA0] =	vst v0  }
0x1c: {  	[tilespmem:s19+$0xB0] =	vst v0  }
0x1d: {  	[tilespmem:s19+$0xC0] =	vst v0  }
0x1e: {  	[tilespmem:s19+$0xD0] =	vst v0  }
0x1f: {  	[tilespmem:s19+$0xE0] =	vst v0  }
0x20: {  	[spmem:s4] =	stream.linear.scatter [tilespmem:s16], [sflag:$0x1], $0x4000, $0x38;
	[tilespmem:$0x17C80] =	vst v63  }
0x21: {  	_ =	swait.ge [sflag:s17], $0x4000  }
0x22: {  	[sflag:s17] =	ssyncset.done $0x0  }
0x23: {  	[sflag:s17] =	ssyncadd.s32 $0xFFFFC000  }
0x24: {  	[spmem:s5] =	stream.linear.scatter [tilespmem:s16], [sflag:$0x1], $0x4000, $0x38;
	[tilespmem:$0x17C80] =	vst v63  }
0x25: {  	_ =	swait.ge [sflag:s17], $0x4000  }
0x26: {  	[sflag:s17] =	ssyncset.done $0x0  }
0x27: {  	[sflag:s17] =	ssyncadd.s32 $0xFFFFC000  }
0x28: {  	[spmem:s6] =	stream.linear.scatter [tilespmem:s16], [sflag:$0x1], $0x4000, $0x38;
	[tilespmem:$0x17C80] =	vst v63  }
0x29: {  	_ =	swait.ge [sflag:s17], $0x4000  }
0x2a: {  	[sflag:s17] =	ssyncset.done $0x0  }
0x2b: {  	[sflag:s17] =	ssyncadd.s32 $0xFFFFC000  }
0x2c: {  	[spmem:s7] =	stream.linear.scatter [tilespmem:s16], [sflag:$0x1], $0x4000, $0x38;
	[tilespmem:$0x17C80] =	vst v63  }
0x2d: {  	_ =	swait.ge [sflag:s17], $0x4000  }
0x2e: {  	[sflag:s17] =	ssyncset.done $0x0  }
0x2f: {  	[sflag:s17] =	ssyncadd.s32 $0xFFFFC000  }
0x30: {  	[spmem:s8] =	stream.linear.scatter [tilespmem:s16], [sflag:$0x1], $0x3C00, $0x38;
	[tilespmem:$0x17C80] =	vst v63  }
0x31: {  	_ =	swait.ge [sflag:s17], $0x3C00  }
0x32: {  	[sflag:s17] =	ssyncset.done $0x0  }
0x33: {  	[sflag:s17] =	ssyncadd.s32 $0xFFFFC400  }
0x34: {  	s19 =	simm.s32 $0x200;
	s20 =	simm.s32 $0x0;
	[bflag:$0x0] =	sbarrier.arrive $0xFFFF  }
.LBB2_4:
0x35: {  	p0 =	sne.s32 s19, $0xFE00;
	[tilespmem:s20+$0x80] =	vst v1;
	s20 =	smov.u32 s19;
	s19 =	sadd.s32 $0x200, s19  }
.Ltmp1:
0x36: {  	(pc) =	sbr.rel @p0 .LBB2_4-.Ltmp1, $2  }
0x37: {  	_ =	sdelay $0x2  }
0x38: {  	s20 =	sshra.s32 s20, $0x2  }
0x39: {  	[tilespmem:s20+$0x80] =	vst v1;
	s19 =	sadd.s32 $0x0, s15  }
0x3a: {  	[tilespmem:s3], [sflag:$0x1] =	stream.linear.gather [hbm4b:s19+s3], $0x80, $0x38;
	[tilespmem:$0x17C80] =	vst v63  }
0x3b: {  	_ =	swait.ge [sflag:s17], $0x80  }
0x3c: {  	[sflag:s17] =	ssyncset.done $0x0  }
0x3d: {  	[sflag:s17] =	ssyncadd.s32 $0xFFFFFF80  }
0x3e: {  	v2 =	vld [tilespmem:$0x0]  }
0x3f: {  	v3 =	vld [tilespmem:$0x10]  }
0x40: {  	v4 =	vld [tilespmem:$0x20]  }
0x41: {  	v7 =	vld [tilespmem:$0x40]  }
0x42: {  	v5 =	vld [tilespmem:$0x30]  }
0x43: {  	v6 =	vld [tilespmem:$0x70];
	vm0 =	vlt.s32 v2, $0x2778  }
0x44: {  	v8 =	vld [tilespmem:$0x50];
	v2 =	vnsel vm0, $0x2778, v2;
	vm0 =	vlt.s32 v3, $0x2778  }
0x45: {  	[tilespmem:$0x0] =	vst v2;
	v3 =	vnsel vm0, $0x2778, v3;
	vm0 =	vlt.s32 v4, $0x2778;
	v2 =	vld [tilespmem:$0x60]  }
0x46: {  	vm1 =	vlt.s32 v7, $0x2778;
	[tilespmem:$0x10] =	vst v3;
	v3 =	vnsel vm0, $0x2778, v4  }
0x47: {  	vm0 =	vlt.s32 v5, $0x2778;
	v4 =	vnsel vm1, $0x2778, v7;
	[tilespmem:$0x20] =	vst v3  }
0x48: {  	v3 =	vnsel vm0, $0x2778, v5;
	vm0 =	vlt.s32 v6, $0x2778;
	[tilespmem:$0x40] =	vst v4  }
0x49: {  	[tilespmem:$0x30] =	vst v3;
	v3 =	vnsel vm0, $0x2778, v6;
	vm0 =	vlt.s32 v8, $0x2778  }
0x4a: {  	s20 =	simm.s32 $0x10;
	s21 =	simm.s32 $0x30;
	s19 =	simm.s32 $0x20;
	[tilespmem:$0x70] =	vst v3;
	v3 =	vnsel vm0, $0x2778, v8;
	vm0 =	vlt.s32 v2, $0x2778  }
.LBB2_6:
0x4b: {  	p0 =	sne.s32 s21, $0x4E0;
	[tilespmem:$0x50] =	vst v3;
	v2 =	vnsel vm0, $0x2778, v2;
	s22 =	smov.u32 s21;
	s21 =	sadd.s32 $0x10, s21  }
0x4c: {  	[tilespmem:$0x60] =	vst v2  }
0x4d: {  	[spmem:s2] =	stream.indirect.scatter.add.f32 [tilespmem:s16], [sflag:$0x1], $0x80, s3, s16, $0xb8;
	[tilespmem:$0x17C80] =	vst v63  }
0x4e: {  	_ =	swait.ge [sflag:s17], $0x4000  }
0x4f: {  	[sflag:s17] =	ssyncset.done $0x0  }
0x50: {  	s23 =	sadd.s32 s20, s15;
	s20 =	smov.u32 s19;
	[sflag:s17] =	ssyncadd.s32 $0xFFFFC000  }
0x51: {  	[tilespmem:s3], [sflag:$0x1] =	stream.linear.gather [hbm4b:s23+s3], $0x80, $0x38;
	[tilespmem:$0x17C80] =	vst v63  }
0x52: {  	s19 =	smov.u32 s22;
	_ =	swait.ge [sflag:s17], $0x80  }
0x53: {  	[sflag:s17] =	ssyncset.done $0x0  }
0x54: {  	[sflag:s17] =	ssyncadd.s32 $0xFFFFFF80  }
0x55: {  	v2 =	vld [tilespmem:$0x0]  }
0x56: {  	v3 =	vld [tilespmem:$0x10]  }
0x57: {  	v4 =	vld [tilespmem:$0x20]  }
0x58: {  	v5 =	vld [tilespmem:$0x30]  }
0x59: {  	v6 =	vld [tilespmem:$0x70]  }
0x5a: {  	vm0 =	vlt.s32 v2, $0x2778;
	v7 =	vld [tilespmem:$0x40]  }
0x5b: {  	v2 =	vnsel vm0, $0x2778, v2;
	vm0 =	vlt.s32 v3, $0x2778;
	v8 =	vld [tilespmem:$0x50]  }
0x5c: {  	[tilespmem:$0x0] =	vst v2;
	v3 =	vnsel vm0, $0x2778, v3;
	vm0 =	vlt.s32 v4, $0x2778;
	v2 =	vld [tilespmem:$0x60]  }
.Ltmp2:
0x5d: {  	[tilespmem:$0x10] =	vst v3;
	v3 =	vnsel vm0, $0x2778, v4;
	vm0 =	vlt.s32 v5, $0x2778;
	(pc) =	sbr.rel @p0 .LBB2_6-.Ltmp2, $4  }
0x5e: {  	[tilespmem:$0x20] =	vst v3;
	v3 =	vnsel vm0, $0x2778, v5;
	vm0 =	vlt.s32 v6, $0x2778  }
0x5f: {  	[tilespmem:$0x30] =	vst v3;
	vm1 =	vlt.s32 v7, $0x2778;
	v3 =	vnsel vm0, $0x2778, v6  }
0x60: {  	v4 =	vnsel vm1, $0x2778, v7;
	vm0 =	vlt.s32 v8, $0x2778;
	[tilespmem:$0x70] =	vst v3  }
0x61: {  	[tilespmem:$0x40] =	vst v4;
	v3 =	vnsel vm0, $0x2778, v8;
	vm0 =	vlt.s32 v2, $0x2778  }
0x62: {  	[tilespmem:$0x50] =	vst v3;
	v2 =	vnsel vm0, $0x2778, v2  }
0x63: {  	[tilespmem:$0x60] =	vst v2  }
0x64: {  	[spmem:s2] =	stream.indirect.scatter.add.f32 [tilespmem:s16], [sflag:$0x1], $0x80, s3, s16, $0xb8;
	[tilespmem:$0x17C80] =	vst v63  }
0x65: {  	_ =	swait.ge [sflag:s17], $0x4000  }
0x66: {  	[sflag:s17] =	ssyncset.done $0x0  }
0x67: {  	s20 =	sadd.s32 s20, s15;
	[sflag:s17] =	ssyncadd.s32 $0xFFFFC000  }
0x68: {  	[tilespmem:s3], [sflag:$0x1] =	stream.linear.gather [hbm4b:s20+s3], $0x80, $0x38;
	[tilespmem:$0x17C80] =	vst v63  }
0x69: {  	_ =	swait.ge [sflag:s17], $0x80  }
0x6a: {  	[sflag:s17] =	ssyncset.done $0x0  }
0x6b: {  	[sflag:s17] =	ssyncadd.s32 $0xFFFFFF80  }
0x6c: {  	v2 =	vld [tilespmem:$0x0]  }
0x6d: {  	v3 =	vld [tilespmem:$0x10]  }
0x6e: {  	v7 =	vld [tilespmem:$0x40];
	_ =	sdelay $0x1  }
0x6f: {  	v4 =	vld [tilespmem:$0x20]  }
0x70: {  	v5 =	vld [tilespmem:$0x30]  }
0x71: {  	v6 =	vld [tilespmem:$0x70];
	vm13 =	vlt.s32 v2, $0x2778  }
0x72: {  	v8 =	vld [tilespmem:$0x50];
	vm14 =	vlt.s32 v3, $0x2778;
	vm1 =	vlt.s32 v7, $0x2778;
	v2 =	vnsel vm13, $0x2778, v2  }
0x73: {  	v57 =	vnsel vm1, $0x2778, v7;
	[tilespmem:$0x0] =	vst v2;
	v2 =	vnsel vm14, $0x2778, v3;
	v3 =	vld [tilespmem:$0x60]  }
0x74: {  	vm15 =	vlt.s32 v4, $0x2778;
	[tilespmem:$0x40] =	vst v57  }
0x75: {  	vm4 =	vlt.s32 v5, $0x2778;
	[tilespmem:$0x10] =	vst v2;
	v2 =	vnsel vm15, $0x2778, v4  }
0x76: {  	vm5 =	vlt.s32 v6, $0x2778;
	[tilespmem:$0x20] =	vst v2;
	v2 =	vnsel vm4, $0x2778, v5  }
0x77: {  	vm6 =	vlt.s32 v8, $0x2778;
	[tilespmem:$0x30] =	vst v2;
	v2 =	vnsel vm5, $0x2778, v6  }
0x78: {  	[tilespmem:$0x70] =	vst v2;
	v2 =	vnsel vm6, $0x2778, v8;
	vm7 =	vlt.s32 v3, $0x2778  }
0x79: {  	[tilespmem:$0x50] =	vst v2;
	v2 =	vnsel vm7, $0x2778, v3  }
0x7a: {  	[tilespmem:$0x60] =	vst v2  }
0x7b: {  	[spmem:s2] =	stream.indirect.scatter.add.f32 [tilespmem:s16], [sflag:$0x1], $0x80, s3, s16, $0xb8;
	[tilespmem:$0x17C80] =	vst v63  }
0x7c: {  	_ =	swait.ge [sflag:s17], $0x4000  }
0x7d: {  	[sflag:s17] =	ssyncset.done $0x0  }
0x7e: {  	s19 =	sadd.s32 s19, s15;
	[sflag:s17] =	ssyncadd.s32 $0xFFFFC000  }
0x7f: {  	[tilespmem:s3], [sflag:$0x1] =	stream.linear.gather [hbm4b:s19+s3], $0x80, $0x38;
	[tilespmem:$0x17C80] =	vst v63  }
0x80: {  	_ =	swait.ge [sflag:s17], $0x80  }
0x81: {  	[sflag:s17] =	ssyncset.done $0x0  }
0x82: {  	[sflag:s17] =	ssyncadd.s32 $0xFFFFFF80  }
0x83: {  	v2 =	vld [tilespmem:$0x0]  }
0x84: {  	v3 =	vld [tilespmem:$0x10]  }
0x85: {  	v61 =	vld [tilespmem:$0x40];
	_ =	sdelay $0x1  }
0x86: {  	v58 =	vld [tilespmem:$0x20]  }
0x87: {  	v59 =	vld [tilespmem:$0x30]  }
0x88: {  	v60 =	vld [tilespmem:$0x70];
	vm8 =	vlt.s32 v2, $0x2778  }
0x89: {  	v62 =	vld [tilespmem:$0x50];
	vm9 =	vlt.s32 v3, $0x2778;
	vm13 =	vlt.s32 v61, $0x2778;
	v2 =	vnsel vm8, $0x2778, v2  }
0x8a: {  	v63 =	vnsel vm13, $0x2778, v61;
	[tilespmem:$0x0] =	vst v2;
	v2 =	vnsel vm9, $0x2778, v3;
	v3 =	vld [tilespmem:$0x60]  }
0x8b: {  	vm10 =	vlt.s32 v58, $0x2778;
	[tilespmem:$0x40] =	vst v63  }
0x8c: {  	vm11 =	vlt.s32 v59, $0x2778;
	[tilespmem:$0x10] =	vst v2;
	v2 =	vnsel vm10, $0x2778, v58  }
0x8d: {  	vm12 =	vlt.s32 v60, $0x2778;
	[tilespmem:$0x20] =	vst v2;
	v2 =	vnsel vm11, $0x2778, v59  }
0x8e: {  	vm14 =	vlt.s32 v62, $0x2778;
	[tilespmem:$0x30] =	vst v2;
	v2 =	vnsel vm12, $0x2778, v60  }
0x8f: {  	[tilespmem:$0x70] =	vst v2;
	v2 =	vnsel vm14, $0x2778, v62;
	vm15 =	vlt.s32 v3, $0x2778  }
0x90: {  	[tilespmem:$0x50] =	vst v2;
	v2 =	vnsel vm15, $0x2778, v3  }
0x91: {  	[tilespmem:$0x60] =	vst v2  }
0x92: {  	[spmem:s2] =	stream.indirect.scatter.add.f32 [tilespmem:s16], [sflag:$0x1], $0x80, s3, s16, $0xb8;
	[tilespmem:$0x17C80] =	vst v63  }
0x93: {  	_ =	swait.ge [sflag:s17], $0x4000  }
0x94: {  	[sflag:s17] =	ssyncset.done $0x0  }
0x95: {  	[sflag:s17] =	ssyncadd.s32 $0xFFFFC000  }
0x96: {  	[bflag:$0x0] =	sbarrier.arrive $0xFFFF  }
0x97: {  	[tilespmem:s16], [sflag:$0x1] =	stream.linear.gather [spmem:s4], $0x4000, $0x38;
	[tilespmem:$0x17C80] =	vst v63  }
0x98: {  	_ =	swait.ge [sflag:s17], $0x4000  }
0x99: {  	[sflag:s17] =	ssyncset.done $0x0  }
0x9a: {  	[sflag:s17] =	ssyncadd.s32 $0xFFFFC000  }
0x9b: {  	[hbm4b:s9+s3] =	stream.linear.scatter [tilespmem:s16], [sflag:$0x1], $0x4000, $0x38;
	[tilespmem:$0x17C80] =	vst v63  }
0x9c: {  	_ =	swait.ge [sflag:s17], $0x4000  }
0x9d: {  	[sflag:s17] =	ssyncset.done $0x0  }
0x9e: {  	[sflag:s17] =	ssyncadd.s32 $0xFFFFC000  }
0x9f: {  	[tilespmem:s16], [sflag:$0x1] =	stream.linear.gather [spmem:s5], $0x4000, $0x38;
	[tilespmem:$0x17C80] =	vst v63  }
0xa0: {  	_ =	swait.ge [sflag:s17], $0x4000  }
0xa1: {  	[sflag:s17] =	ssyncset.done $0x0  }
0xa2: {  	[sflag:s17] =	ssyncadd.s32 $0xFFFFC000  }
0xa3: {  	[hbm4b:s10+s3] =	stream.linear.scatter [tilespmem:s16], [sflag:$0x1], $0x4000, $0x38;
	[tilespmem:$0x17C80] =	vst v63  }
0xa4: {  	_ =	swait.ge [sflag:s17], $0x4000  }
0xa5: {  	[sflag:s17] =	ssyncset.done $0x0  }
0xa6: {  	[sflag:s17] =	ssyncadd.s32 $0xFFFFC000  }
0xa7: {  	[tilespmem:s16], [sflag:$0x1] =	stream.linear.gather [spmem:s6], $0x4000, $0x38;
	[tilespmem:$0x17C80] =	vst v63  }
0xa8: {  	_ =	swait.ge [sflag:s17], $0x4000  }
0xa9: {  	[sflag:s17] =	ssyncset.done $0x0  }
0xaa: {  	[sflag:s17] =	ssyncadd.s32 $0xFFFFC000  }
0xab: {  	[hbm4b:s11+s3] =	stream.linear.scatter [tilespmem:s16], [sflag:$0x1], $0x4000, $0x38;
	[tilespmem:$0x17C80] =	vst v63  }
0xac: {  	_ =	swait.ge [sflag:s17], $0x4000  }
0xad: {  	[sflag:s17] =	ssyncset.done $0x0  }
0xae: {  	[sflag:s17] =	ssyncadd.s32 $0xFFFFC000  }
0xaf: {  	[tilespmem:s16], [sflag:$0x1] =	stream.linear.gather [spmem:s7], $0x4000, $0x38;
	[tilespmem:$0x17C80] =	vst v63  }
0xb0: {  	_ =	swait.ge [sflag:s17], $0x4000  }
0xb1: {  	[sflag:s17] =	ssyncset.done $0x0  }
0xb2: {  	[sflag:s17] =	ssyncadd.s32 $0xFFFFC000  }
0xb3: {  	[hbm4b:s12+s3] =	stream.linear.scatter [tilespmem:s16], [sflag:$0x1], $0x4000, $0x38;
	[tilespmem:$0x17C80] =	vst v63  }
0xb4: {  	_ =	swait.ge [sflag:s17], $0x4000  }
0xb5: {  	[sflag:s17] =	ssyncset.done $0x0  }
0xb6: {  	[sflag:s17] =	ssyncadd.s32 $0xFFFFC000  }
0xb7: {  	[tilespmem:s16], [sflag:$0x1] =	stream.linear.gather [spmem:s8], $0x3C00, $0x38;
	[tilespmem:$0x17C80] =	vst v63  }
0xb8: {  	s18 =	sadd.s32 $0x1, s18;
	_ =	swait.ge [sflag:s17], $0x3C00  }
0xb9: {  	p0 =	sne.s32 s18, s14;
	[sflag:s17] =	ssyncset.done $0x0  }
.Ltmp3:
0xba: {  	[sflag:s17] =	ssyncadd.s32 $0xFFFFC400;
	(pc) =	sbr.rel @p0 .LBB2_1-.Ltmp3, $4  }
0xbb: {  	[hbm4b:s13+s3] =	stream.linear.scatter [tilespmem:s16], [sflag:$0x1], $0x3C00, $0x38;
	[tilespmem:$0x17C80] =	vst v63  }
0xbc: {  	_ =	swait.ge [sflag:s17], $0x3C00  }
0xbd: {  	[sflag:s17] =	ssyncset.done $0x0  }
0xbe: {  	[sflag:s17] =	ssyncadd.s32 $0xFFFFC400  }
0xbf: {  	_ =	sfence.sel $0x180000  }
0xc0: {  	[bflag:$0x0] =	sbarrier.arrive $0xFFFF  }
0xc1: {  	p0 =	sne.s32 s0, $0x0;
	_ =	strace $0x9000004A  }
0xc2: {  	s0 =	sadd.s32 @!p0 $0x100000, s1;
	[bflag:$0x2] =	sbarrier.arrive $0xFFFF  }
0xc3: {  	[sflag:s0] =	ssyncadd.tile.s32 @!p0 $0x1;
	_ =	shalt  }
.Lfunc_end2:
_tile_overlayer_lowered:
.L_overlay_start_2:
0xc4: {  	(tag) =	ssettag $0x2  }
0xc5: {  	s0 =	rddreg [dreg:$0x0];
	s2 =	stileid.u32  }
0xc6: {  	s1 =	rddreg [dreg:$0x1];
	p0 =	sne.s32 s2, $0x0  }
0xc7: {  	s3 =	rddreg [dreg:$0x2];
	[bflag:$0x3] =	sbarrier.arrive $0xFFFF;
	s2 =	simm.s32 @!p0 $0x1C01  }
0xc8: {  	[timem:s3], [sflag:s2] =	dma.local @!p0 [hbm:s0], s1  }
0xc9: {  	s0 =	simm.s32 @!p0 $0x1  }
0xca: {  	_ =	swait.ge @!p0 [sflag:s0], s1  }
0xcb: {  	s1 =	ssub.s32 @!p0 $0x0, s1;
	[sflag:s0] =	ssyncset.done @!p0 $0x0  }
0xcc: {  	[sflag:s0] =	ssyncadd.s32 @!p0 s1  }
0xcd: {  	[bflag:$0x3] =	sbarrier.arrive $0xFFFF  }
0xce: {  	_ =	shalt  }

</sc_bundles>
